<compile_context>
chip_gen: v7x
topology: tpu7x:2x2x1
jax: 0.10.2.dev20260603
libtpu: 0.0.44.dev20260713+nightly
codegen_flags: <defaults>
</compile_context>

<pallas_src>
import functools

import jax
import jax.numpy as jnp
from jax import lax
from jax.experimental import pallas as pl
from jax.experimental.pallas import tpu as pltpu
from jax.experimental.pallas import tpu_sc as plsc

N = 10000
E = 320000
D = 128
DE = 16
L = 3
G = 128
OUT = 16

NC = 2
NS = 16
NW = NC * NS
CH = 128
NCH = 79
EPW = CH * NCH
E_PAD = EPW * NW
N_ACC = 10240
RPS = N_ACC // NS
EB = 4096
BR = 1000
NB = N // BR



def _enc_body(ea_ref, we_ref, be_ref, out_ref):
    out_ref[0] = (
        jnp.dot(ea_ref[...], we_ref[0], preferred_element_type=jnp.float32)
        + be_ref[0]
    )


_enc = pl.pallas_call(
    _enc_body,
    grid=(L, E_PAD // EB),
    in_specs=[
        pl.BlockSpec((EB, DE), lambda l, i: (i, 0)),
        pl.BlockSpec((1, DE, D), lambda l, i: (l, 0, 0)),
        pl.BlockSpec((1, 1, D), lambda l, i: (l, 0, 0)),
    ],
    out_specs=pl.BlockSpec((1, EB, D), lambda l, i: (l, i, 0)),
    out_shape=jax.ShapeDtypeStruct((L, E_PAD, D), jnp.float32),
)



def _sc_body(h_hbm, e_hbm, src_hbm, dst_hbm, out_hbm,
             src_v, dst_v, e_v, sem, acc_sh, *, l):
    cid = lax.axis_index("c")
    sid = lax.axis_index("s")
    w = cid * NS + sid
    r0 = sid * RPS

    def _zrow(r, c):
        for k in range(D // 16):
            e_v[r, pl.ds(k * 16, 16)] = jnp.zeros((16,), jnp.float32)
        return c
    lax.fori_loop(0, CH, _zrow, 0)

    def _zacc(i, c):
        pltpu.sync_copy(e_v, acc_sh.at[pl.ds(r0 + i * CH, CH)])
        return c
    lax.fori_loop(0, RPS // CH, _zacc, 0)
    plsc.subcore_barrier()

    def _chunk(i, c):
        base = w * EPW + i * CH
        pltpu.sync_copy(src_hbm.at[pl.ds(base, CH)], src_v)
        pltpu.sync_copy(dst_hbm.at[pl.ds(base, CH)], dst_v)
        pltpu.sync_copy(e_hbm.at[l, pl.ds(base, CH)], e_v)
        pltpu.async_copy(h_hbm.at[src_v], e_v, sem, add=True).wait()

        def _relu(r, cc):
            for k in range(D // 16):
                v = e_v[r, pl.ds(k * 16, 16)]
                e_v[r, pl.ds(k * 16, 16)] = jnp.maximum(v, 0.0)
            return cc
        lax.fori_loop(0, CH, _relu, 0)

        pltpu.sync_copy(e_v, acc_sh.at[dst_v], add=True)
        return c
    lax.fori_loop(0, NCH, _chunk, 0)
    plsc.subcore_barrier()

    def _wout(i, c):
        r = r0 + i * CH
        pltpu.sync_copy(acc_sh.at[pl.ds(r, CH)], e_v)

        @pl.when(cid == 0)
        def _():
            pltpu.sync_copy(e_v, out_hbm.at[0, pl.ds(r, CH)])

        @pl.when(cid == 1)
        def _():
            pltpu.sync_copy(e_v, out_hbm.at[1, pl.ds(r, CH)])
        return c
    lax.fori_loop(0, RPS // CH, _wout, 0)


def _make_sc(l):
    return pl.kernel(
        functools.partial(_sc_body, l=l),
        out_type=jax.ShapeDtypeStruct((NC, N_ACC, D), jnp.float32),
        mesh=plsc.VectorSubcoreMesh(core_axis_name="c", subcore_axis_name="s"),
        scratch_types=[
            pltpu.VMEM((CH,), jnp.int32),
            pltpu.VMEM((CH,), jnp.int32),
            pltpu.VMEM((CH, D), jnp.float32),
            pltpu.SemaphoreType.DMA,
            pltpu.VMEM_SHARED((N_ACC, D), jnp.float32),
        ],
    )


_sc_layers = [_make_sc(l) for l in range(L)]



def _upd_body(h_ref, a_ref, w_ref, b_ref, o_ref):
    s = h_ref[...] + a_ref[0] + a_ref[1]
    o_ref[...] = jnp.maximum(
        jnp.dot(s, w_ref[0], preferred_element_type=jnp.float32) + b_ref[0],
        0.0,
    )


def _make_upd(l):
    return pl.pallas_call(
        _upd_body,
        grid=(NB,),
        in_specs=[
            pl.BlockSpec((BR, D), lambda i: (i, 0)),
            pl.BlockSpec((2, BR, D), lambda i: (0, i, 0)),
            pl.BlockSpec((1, D, D), lambda i, l=l: (l, 0, 0)),
            pl.BlockSpec((1, 1, D), lambda i, l=l: (l, 0, 0)),
        ],
        out_specs=pl.BlockSpec((BR, D), lambda i: (i, 0)),
        out_shape=jax.ShapeDtypeStruct((N, D), jnp.float32),
    )


_upd_layers = [_make_upd(l) for l in range(L)]



def _pool_body(h_ref, b_ref, wf1_ref, bf1_ref, wf2_ref, bf2_ref, y_ref, acc):
    i = pl.program_id(0)

    @pl.when(i == 0)
    def _():
        acc[...] = jnp.zeros((G, D), jnp.float32)

    ids = b_ref[0]
    gi = lax.broadcasted_iota(jnp.int32, (G, BR), 0)
    sel = jnp.where(ids == gi, 1.0, 0.0).astype(jnp.float32)
    acc[...] += jnp.dot(sel, h_ref[...], preferred_element_type=jnp.float32)

    @pl.when(i == NB - 1)
    def _():
        g = jnp.maximum(acc[...], 0.0)
        y1 = jnp.dot(g, wf1_ref[...], preferred_element_type=jnp.float32) + bf1_ref[...]
        y_ref[...] = jnp.dot(y1, wf2_ref[...], preferred_element_type=jnp.float32) + bf2_ref[...]


_pool = pl.pallas_call(
    _pool_body,
    grid=(NB,),
    in_specs=[
        pl.BlockSpec((BR, D), lambda i: (i, 0)),
        pl.BlockSpec((1, 1, BR), lambda i: (i, 0, 0)),
        pl.BlockSpec((D, D), lambda i: (0, 0)),
        pl.BlockSpec((1, D), lambda i: (0, 0)),
        pl.BlockSpec((D, OUT), lambda i: (0, 0)),
        pl.BlockSpec((1, OUT), lambda i: (0, 0)),
    ],
    out_specs=pl.BlockSpec((G, OUT), lambda i: (0, 0)),
    out_shape=jax.ShapeDtypeStruct((G, OUT), jnp.float32),
    scratch_shapes=[pltpu.VMEM((G, D), jnp.float32)],
)



def kernel(x, edge_index, edge_attr, batch, We, be, W, b, Wf1, bf1, Wf2, bf2):
    pad = E_PAD - E
    src_p = jnp.pad(edge_index[0], (0, pad))
    dst_p = jnp.pad(edge_index[1], (0, pad), constant_values=N)
    ea_p = jnp.pad(edge_attr, ((0, pad), (0, 0)))

    e_all = _enc(ea_p, We, be.reshape(L, 1, D))

    h = x
    for l in range(L):
        agg = _sc_layers[l](h, e_all, src_p, dst_p)
        h = _upd_layers[l](h, agg, W, b.reshape(L, 1, D))

    batch3 = batch.reshape(NB, 1, BR)
    return _pool(h, batch3, Wf1.reshape(D, D), bf1.reshape(1, D),
                 Wf2.reshape(D, OUT), bf2.reshape(1, OUT))

# --- scband reference (transcript-rebuilt; emitter-appended) ---
"""Pipeline reference for scband-graph-level-gnn-26663156973668 (READ-ONLY COPY).

The authoritative reference and input builder live on the scoring server;
editing this copy changes nothing except your own understanding.
"""

import jax, jax.numpy as jnp
import numpy as np

N = 10000
E = 320000
D = 128
DE = 16
L = 3
G = 128
OUT = 16


def setup_inputs(seed: int = 0) -> dict:
    key = jax.random.key(seed)
    ks = jax.random.split(key, 10)
    x = jax.random.normal(ks[0], (N, D), dtype=jnp.float32)
    edge_index = jax.random.randint(ks[1], (2, E), 0, N, dtype=jnp.int32)
    edge_attr = jax.random.normal(ks[2], (E, DE), dtype=jnp.float32)
    batch = jnp.sort(jax.random.randint(ks[3], (N,), 0, G, dtype=jnp.int32))
    # conv layer params (stacked over L layers)
    We = jax.random.normal(ks[4], (L, DE, D), dtype=jnp.float32) * 0.05
    be = jnp.zeros((L, D), dtype=jnp.float32)
    W = jax.random.normal(ks[5], (L, D, D), dtype=jnp.float32) * (1.0 / np.sqrt(D))
    b = jnp.zeros((L, D), dtype=jnp.float32)
    # ffn head: num_ffn_layers=2 -> [ReLU, Dropout, Linear(D,D), Dropout, Linear(D,OUT)]
    Wf1 = jax.random.normal(ks[6], (D, D), dtype=jnp.float32) * (1.0 / np.sqrt(D))
    bf1 = jnp.zeros((D,), dtype=jnp.float32)
    Wf2 = jax.random.normal(ks[7], (D, OUT), dtype=jnp.float32) * (1.0 / np.sqrt(D))
    bf2 = jnp.zeros((OUT,), dtype=jnp.float32)
    return {"x": x, "edge_index": edge_index, "edge_attr": edge_attr, "batch": batch,
            "We": We, "be": be, "W": W, "b": b, "Wf1": Wf1, "bf1": bf1, "Wf2": Wf2, "bf2": bf2}


def reference(x, edge_index, edge_attr, batch, We, be, W, b, Wf1, bf1, Wf2, bf2):
    src = edge_index[0]
    dst = edge_index[1]
    h = x
    # GINE-style message passing with additive edge communicator
    for l in range(L):
        e = edge_attr @ We[l] + be[l]                       # edge encoder [E, D]
        m = jax.nn.relu(h[src] + e)                         # gather + message [E, D]
        agg = jax.ops.segment_sum(m, dst, num_segments=N)   # scatter-add [N, D]
        h = jax.nn.relu((h + agg) @ W[l] + b[l])            # update [N, D]
    # global_add_pool over graph ids
    g = jax.ops.segment_sum(h, batch, num_segments=G)       # [G, D]
    # ffn head (dropout p=0.0 -> identity)
    y = jax.nn.relu(g) @ Wf1 + bf1
    y = y @ Wf2 + bf2
    return y

if __name__ == "__main__":
    import jax
    _d = setup_inputs()
    print(jax.jit(kernel)(*tuple(_d.values())))

</pallas_src>

<mosaic_0001>
#map = affine_map<(d0, d1) -> (0, 0)>
#map1 = affine_map<(d0, d1) -> (0, 0, 0)>
#map2 = affine_map<(d0, d1) -> (0)>
module attributes {stable_mosaic.version = 14 : i64} {
  func.func @_sc_body(%arg0: i32, %arg1: i32, %arg2: memref<10000x128xf32, #tpu.memory_space<hbm>>, %arg3: memref<3x323584x128xf32, #tpu.memory_space<hbm>>, %arg4: memref<323584xi32, #tpu.memory_space<hbm>>, %arg5: memref<323584xi32, #tpu.memory_space<hbm>>, %arg6: memref<2x10240x128xf32, #tpu.memory_space<hbm>>, %arg7: memref<128xi32, #tpu.memory_space<vmem>>, %arg8: memref<128xi32, #tpu.memory_space<vmem>>, %arg9: memref<128x128xf32, #tpu.memory_space<vmem>>, %arg10: memref<!tpu.dma_semaphore, #tpu.memory_space<semaphore_mem>>, %arg11: memref<10240x128xf32, #tpu.memory_space<vmem_shared>>) attributes {dimension_semantics = [#tpu.dimension_semantics<core_parallel>, #tpu.dimension_semantics<subcore_parallel>], iteration_bounds = array<i64: 2, 16>, scalar_prefetch = 0 : i64, scratch_operands = 5 : i64, tpu.core_type = #tpu.core_type<sc_vector_subcore>, window_params = [{transform_indices = #map}, {transform_indices = #map1}, {transform_indices = #map2}, {transform_indices = #map2}, {transform_indices = #map1}]} {
    %mul3A = arith.constant 16 : i32
    %mul3A_0 = arith.muli %arg0, %mul3A : i32
    %add3A = arith.addi %mul3A_0, %arg1 : i32
    %mul3A_1 = arith.constant 640 : i32
    %mul3A_2 = arith.muli %arg1, %mul3A_1 : i32
    %scan3A = arith.constant 0 : i32
    %scan3A_3 = arith.constant 0 : i32
    %scan3A_4 = arith.constant 128 : i32
    %scan3A_5 = arith.addi %scan3A_3, %scan3A_4 : i32
    %scan3A_6 = arith.constant 1 : i32
    scf.for %scan3A_27 = %scan3A_3 to %scan3A_5 step %scan3A_6  : i32 {
      %broadcast_in_dim3A = arith.constant 0.000000e+00 : f32
      %broadcast_in_dim3A_28 = vector.broadcast %broadcast_in_dim3A : f32 to vector<16xf32>
      %swap3A = arith.index_cast %scan3A_27 : i32 to index
      %swap3A_29 = arith.constant 0 : index
      %swap3A_30 = tpu.vector_load %arg9[%swap3A, %swap3A_29] {strides = array<i32>} : memref<128x128xf32, #tpu.memory_space<vmem>>, vector<1x16xf32>,
      %swap3A_31 = vector.shape_cast %swap3A_30 : vector<1x16xf32> to vector<16xf32>
      %swap3A_32 = vector.shape_cast %broadcast_in_dim3A_28 : vector<16xf32> to vector<1x16xf32>
      tpu.vector_store %arg9[%swap3A, %swap3A_29], %swap3A_32 {strides = array<i32>} : memref<128x128xf32, #tpu.memory_space<vmem>>, vector<1x16xf32>,
      %broadcast_in_dim3A_33 = arith.constant 0.000000e+00 : f32
      %broadcast_in_dim3A_34 = vector.broadcast %broadcast_in_dim3A_33 : f32 to vector<16xf32>
      %swap3A_35 = arith.index_cast %scan3A_27 : i32 to index
      %swap3A_36 = arith.constant 16 : index
      %swap3A_37 = tpu.vector_load %arg9[%swap3A_35, %swap3A_36] {strides = array<i32>} : memref<128x128xf32, #tpu.memory_space<vmem>>, vector<1x16xf32>,
      %swap3A_38 = vector.shape_cast %swap3A_37 : vector<1x16xf32> to vector<16xf32>
      %swap3A_39 = vector.shape_cast %broadcast_in_dim3A_34 : vector<16xf32> to vector<1x16xf32>
      tpu.vector_store %arg9[%swap3A_35, %swap3A_36], %swap3A_39 {strides = array<i32>} : memref<128x128xf32, #tpu.memory_space<vmem>>, vector<1x16xf32>,
      %broadcast_in_dim3A_40 = arith.constant 0.000000e+00 : f32
      %broadcast_in_dim3A_41 = vector.broadcast %broadcast_in_dim3A_40 : f32 to vector<16xf32>
      %swap3A_42 = arith.index_cast %scan3A_27 : i32 to index
      %swap3A_43 = arith.constant 32 : index
      %swap3A_44 = tpu.vector_load %arg9[%swap3A_42, %swap3A_43] {strides = array<i32>} : memref<128x128xf32, #tpu.memory_space<vmem>>, vector<1x16xf32>,
      %swap3A_45 = vector.shape_cast %swap3A_44 : vector<1x16xf32> to vector<16xf32>
      %swap3A_46 = vector.shape_cast %broadcast_in_dim3A_41 : vector<16xf32> to vector<1x16xf32>
      tpu.vector_store %arg9[%swap3A_42, %swap3A_43], %swap3A_46 {strides = array<i32>} : memref<128x128xf32, #tpu.memory_space<vmem>>, vector<1x16xf32>,
      %broadcast_in_dim3A_47 = arith.constant 0.000000e+00 : f32
      %broadcast_in_dim3A_48 = vector.broadcast %broadcast_in_dim3A_47 : f32 to vector<16xf32>
      %swap3A_49 = arith.index_cast %scan3A_27 : i32 to index
      %swap3A_50 = arith.constant 48 : index
      %swap3A_51 = tpu.vector_load %arg9[%swap3A_49, %swap3A_50] {strides = array<i32>} : memref<128x128xf32, #tpu.memory_space<vmem>>, vector<1x16xf32>,
      %swap3A_52 = vector.shape_cast %swap3A_51 : vector<1x16xf32> to vector<16xf32>
      %swap3A_53 = vector.shape_cast %broadcast_in_dim3A_48 : vector<16xf32> to vector<1x16xf32>
      tpu.vector_store %arg9[%swap3A_49, %swap3A_50], %swap3A_53 {strides = array<i32>} : memref<128x128xf32, #tpu.memory_space<vmem>>, vector<1x16xf32>,
      %broadcast_in_dim3A_54 = arith.constant 0.000000e+00 : f32
      %broadcast_in_dim3A_55 = vector.broadcast %broadcast_in_dim3A_54 : f32 to vector<16xf32>
      %swap3A_56 = arith.index_cast %scan3A_27 : i32 to index
      %swap3A_57 = arith.constant 64 : index
      %swap3A_58 = tpu.vector_load %arg9[%swap3A_56, %swap3A_57] {strides = array<i32>} : memref<128x128xf32, #tpu.memory_space<vmem>>, vector<1x16xf32>,
      %swap3A_59 = vector.shape_cast %swap3A_58 : vector<1x16xf32> to vector<16xf32>
      %swap3A_60 = vector.shape_cast %broadcast_in_dim3A_55 : vector<16xf32> to vector<1x16xf32>
      tpu.vector_store %arg9[%swap3A_56, %swap3A_57], %swap3A_60 {strides = array<i32>} : memref<128x128xf32, #tpu.memory_space<vmem>>, vector<1x16xf32>,
      %broadcast_in_dim3A_61 = arith.constant 0.000000e+00 : f32
      %broadcast_in_dim3A_62 = vector.broadcast %broadcast_in_dim3A_61 : f32 to vector<16xf32>
      %swap3A_63 = arith.index_cast %scan3A_27 : i32 to index
      %swap3A_64 = arith.constant 80 : index
      %swap3A_65 = tpu.vector_load %arg9[%swap3A_63, %swap3A_64] {strides = array<i32>} : memref<128x128xf32, #tpu.memory_space<vmem>>, vector<1x16xf32>,
      %swap3A_66 = vector.shape_cast %swap3A_65 : vector<1x16xf32> to vector<16xf32>
      %swap3A_67 = vector.shape_cast %broadcast_in_dim3A_62 : vector<16xf32> to vector<1x16xf32>
      tpu.vector_store %arg9[%swap3A_63, %swap3A_64], %swap3A_67 {strides = array<i32>} : memref<128x128xf32, #tpu.memory_space<vmem>>, vector<1x16xf32>,
      %broadcast_in_dim3A_68 = arith.constant 0.000000e+00 : f32
      %broadcast_in_dim3A_69 = vector.broadcast %broadcast_in_dim3A_68 : f32 to vector<16xf32>
      %swap3A_70 = arith.index_cast %scan3A_27 : i32 to index
      %swap3A_71 = arith.constant 96 : index
      %swap3A_72 = tpu.vector_load %arg9[%swap3A_70, %swap3A_71] {strides = array<i32>} : memref<128x128xf32, #tpu.memory_space<vmem>>, vector<1x16xf32>,
      %swap3A_73 = vector.shape_cast %swap3A_72 : vector<1x16xf32> to vector<16xf32>
      %swap3A_74 = vector.shape_cast %broadcast_in_dim3A_69 : vector<16xf32> to vector<1x16xf32>
      tpu.vector_store %arg9[%swap3A_70, %swap3A_71], %swap3A_74 {strides = array<i32>} : memref<128x128xf32, #tpu.memory_space<vmem>>, vector<1x16xf32>,
      %broadcast_in_dim3A_75 = arith.constant 0.000000e+00 : f32
      %broadcast_in_dim3A_76 = vector.broadcast %broadcast_in_dim3A_75 : f32 to vector<16xf32>
      %swap3A_77 = arith.index_cast %scan3A_27 : i32 to index
      %swap3A_78 = arith.constant 112 : index
      %swap3A_79 = tpu.vector_load %arg9[%swap3A_77, %swap3A_78] {strides = array<i32>} : memref<128x128xf32, #tpu.memory_space<vmem>>, vector<1x16xf32>,
      %swap3A_80 = vector.shape_cast %swap3A_79 : vector<1x16xf32> to vector<16xf32>
      %swap3A_81 = vector.shape_cast %broadcast_in_dim3A_76 : vector<16xf32> to vector<1x16xf32>
      tpu.vector_store %arg9[%swap3A_77, %swap3A_78], %swap3A_81 {strides = array<i32>} : memref<128x128xf32, #tpu.memory_space<vmem>>, vector<1x16xf32>,
    }
    %scan3A_7 = arith.constant 128 : i32
    %scan3A_8 = arith.constant 0 : i32
    %scan3A_9 = arith.constant 0 : i32
    %scan3A_10 = arith.constant 5 : i32
    %scan3A_11 = arith.addi %scan3A_9, %scan3A_10 : i32
    %scan3A_12 = arith.constant 1 : i32
    scf.for %scan3A_27 = %scan3A_9 to %scan3A_11 step %scan3A_12  : i32 {
      %mul3A_28 = arith.constant 128 : i32
      %mul3A_29 = arith.muli %scan3A_27, %mul3A_28 : i32
      %add3A_30 = arith.addi %mul3A_2, %mul3A_29 : i32
      "tpu.region"() ({
        %run_scoped3A = tpu.sem_alloc : memref<!tpu.dma_semaphore, #tpu.memory_space<semaphore_mem>>
        %dma_start3A = arith.constant 0 : i32
        %dma_start3A_31 = tpu.memref_slice %arg11[%add3A_30, %dma_start3A] : memref<10240x128xf32, #tpu.memory_space<vmem_shared>> -> memref<128x128xf32, #tpu.memory_space<vmem_shared>>
        %dma_start3A_32 = arith.constant 0 : i32
        %dma_start3A_33 = tpu.memref_slice %arg11[%add3A_30, %dma_start3A_32] : memref<10240x128xf32, #tpu.memory_space<vmem_shared>> -> memref<128x128xf32, #tpu.memory_space<vmem_shared>>
        tpu.enqueue_dma source(%arg9 : memref<128x128xf32, #tpu.memory_space<vmem>>) target(%dma_start3A_33 : memref<128x128xf32, #tpu.memory_space<vmem_shared>>) target_semaphore(%run_scoped3A : memref<!tpu.dma_semaphore, #tpu.memory_space<semaphore_mem>>)
        %dma_wait3A = arith.constant 0 : i32
        %dma_wait3A_34 = tpu.memref_slice %arg11[%add3A_30, %dma_wait3A] : memref<10240x128xf32, #tpu.memory_space<vmem_shared>> -> memref<128x128xf32, #tpu.memory_space<vmem_shared>>
        %dma_wait3A_35 = arith.constant 0 : i32
        %dma_wait3A_36 = tpu.memref_slice %arg11[%add3A_30, %dma_wait3A_35] : memref<10240x128xf32, #tpu.memory_space<vmem_shared>> -> memref<128x128xf32, #tpu.memory_space<vmem_shared>>
        tpu.wait_dma2 semaphore(%run_scoped3A : memref<!tpu.dma_semaphore, #tpu.memory_space<semaphore_mem>>) src(%arg9 : memref<128x128xf32, #tpu.memory_space<vmem>>) dst(%dma_wait3A_36 : memref<128x128xf32, #tpu.memory_space<vmem_shared>>)
        tpu.yield
      }) : () -> ()
    }
    %scan3A_13 = arith.constant 5 : i32
    %barrier3A = arith.constant 0 : index
    tpu.barrier barrier_id(%barrier3A)
    %scan3A_14 = arith.constant 0 : i32
    %scan3A_15 = arith.constant 0 : i32
    %scan3A_16 = arith.constant 79 : i32
    %scan3A_17 = arith.addi %scan3A_15, %scan3A_16 : i32
    %scan3A_18 = arith.constant 1 : i32
    scf.for %scan3A_27 = %scan3A_15 to %scan3A_17 step %scan3A_18  : i32 {
      %mul3A_28 = arith.constant 10112 : i32
      %mul3A_29 = arith.muli %add3A, %mul3A_28 : i32
      %mul3A_30 = arith.constant 128 : i32
      %mul3A_31 = arith.muli %scan3A_27, %mul3A_30 : i32
      %add3A_32 = arith.addi %mul3A_29, %mul3A_31 : i32
      "tpu.region"() ({
        %run_scoped3A_43 = tpu.sem_alloc : memref<!tpu.dma_semaphore, #tpu.memory_space<semaphore_mem>>
        %dma_start3A_44 = tpu.memref_slice %arg4[%add3A_32] : memref<323584xi32, #tpu.memory_space<hbm>> -> memref<128xi32, #tpu.memory_space<hbm>>
        %dma_start3A_45 = tpu.memref_slice %arg4[%add3A_32] : memref<323584xi32, #tpu.memory_space<hbm>> -> memref<128xi32, #tpu.memory_space<hbm>>
        tpu.enqueue_dma source(%dma_start3A_45 : memref<128xi32, #tpu.memory_space<hbm>>) target(%arg7 : memref<128xi32, #tpu.memory_space<vmem>>) target_semaphore(%run_scoped3A_43 : memref<!tpu.dma_semaphore, #tpu.memory_space<semaphore_mem>>)
        %dma_wait3A_46 = tpu.memref_slice %arg4[%add3A_32] : memref<323584xi32, #tpu.memory_space<hbm>> -> memref<128xi32, #tpu.memory_space<hbm>>
        %dma_wait3A_47 = tpu.memref_slice %arg4[%add3A_32] : memref<323584xi32, #tpu.memory_space<hbm>> -> memref<128xi32, #tpu.memory_space<hbm>>
        tpu.wait_dma2 semaphore(%run_scoped3A_43 : memref<!tpu.dma_semaphore, #tpu.memory_space<semaphore_mem>>) src(%dma_wait3A_47 : memref<128xi32, #tpu.memory_space<hbm>>) dst(%arg7 : memref<128xi32, #tpu.memory_space<vmem>>)
        tpu.yield
      }) : () -> ()
      "tpu.region"() ({
        %run_scoped3A_43 = tpu.sem_alloc : memref<!tpu.dma_semaphore, #tpu.memory_space<semaphore_mem>>
        %dma_start3A_44 = tpu.memref_slice %arg5[%add3A_32] : memref<323584xi32, #tpu.memory_space<hbm>> -> memref<128xi32, #tpu.memory_space<hbm>>
        %dma_start3A_45 = tpu.memref_slice %arg5[%add3A_32] : memref<323584xi32, #tpu.memory_space<hbm>> -> memref<128xi32, #tpu.memory_space<hbm>>
        tpu.enqueue_dma source(%dma_start3A_45 : memref<128xi32, #tpu.memory_space<hbm>>) target(%arg8 : memref<128xi32, #tpu.memory_space<vmem>>) target_semaphore(%run_scoped3A_43 : memref<!tpu.dma_semaphore, #tpu.memory_space<semaphore_mem>>)
        %dma_wait3A_46 = tpu.memref_slice %arg5[%add3A_32] : memref<323584xi32, #tpu.memory_space<hbm>> -> memref<128xi32, #tpu.memory_space<hbm>>
        %dma_wait3A_47 = tpu.memref_slice %arg5[%add3A_32] : memref<323584xi32, #tpu.memory_space<hbm>> -> memref<128xi32, #tpu.memory_space<hbm>>
        tpu.wait_dma2 semaphore(%run_scoped3A_43 : memref<!tpu.dma_semaphore, #tpu.memory_space<semaphore_mem>>) src(%dma_wait3A_47 : memref<128xi32, #tpu.memory_space<hbm>>) dst(%arg8 : memref<128xi32, #tpu.memory_space<vmem>>)
        tpu.yield
      }) : () -> ()
      %run_scoped3A = arith.constant 2 : i32
      "tpu.region"() ({
        %run_scoped3A_43 = tpu.sem_alloc : memref<!tpu.dma_semaphore, #tpu.memory_space<semaphore_mem>>
        %dma_start3A_44 = arith.constant 0 : i32
        %dma_start3A_45 = tpu.memref_slice %arg3[%run_scoped3A, %add3A_32, %dma_start3A_44] : memref<3x323584x128xf32, #tpu.memory_space<hbm>> -> memref<1x128x128xf32, #tpu.memory_space<hbm>>
        %dma_start3A_46 = tpu.memref_squeeze %dma_start3A_45 : memref<1x128x128xf32, #tpu.memory_space<hbm>> -> memref<128x128xf32, #tpu.memory_space<hbm>>
        %dma_start3A_47 = arith.constant 0 : i32
        %dma_start3A_48 = tpu.memref_slice %arg3[%run_scoped3A, %add3A_32, %dma_start3A_47] : memref<3x323584x128xf32, #tpu.memory_space<hbm>> -> memref<1x128x128xf32, #tpu.memory_space<hbm>>
        %dma_start3A_49 = tpu.memref_squeeze %dma_start3A_48 : memref<1x128x128xf32, #tpu.memory_space<hbm>> -> memref<128x128xf32, #tpu.memory_space<hbm>>
        tpu.enqueue_dma source(%dma_start3A_49 : memref<128x128xf32, #tpu.memory_space<hbm>>) target(%arg9 : memref<128x128xf32, #tpu.memory_space<vmem>>) target_semaphore(%run_scoped3A_43 : memref<!tpu.dma_semaphore, #tpu.memory_space<semaphore_mem>>)
        %dma_wait3A_50 = arith.constant 0 : i32
        %dma_wait3A_51 = tpu.memref_slice %arg3[%run_scoped3A, %add3A_32, %dma_wait3A_50] : memref<3x323584x128xf32, #tpu.memory_space<hbm>> -> memref<1x128x128xf32, #tpu.memory_space<hbm>>
        %dma_wait3A_52 = tpu.memref_squeeze %dma_wait3A_51 : memref<1x128x128xf32, #tpu.memory_space<hbm>> -> memref<128x128xf32, #tpu.memory_space<hbm>>
        %dma_wait3A_53 = arith.constant 0 : i32
        %dma_wait3A_54 = tpu.memref_slice %arg3[%run_scoped3A, %add3A_32, %dma_wait3A_53] : memref<3x323584x128xf32, #tpu.memory_space<hbm>> -> memref<1x128x128xf32, #tpu.memory_space<hbm>>
        %dma_wait3A_55 = tpu.memref_squeeze %dma_wait3A_54 : memref<1x128x128xf32, #tpu.memory_space<hbm>> -> memref<128x128xf32, #tpu.memory_space<hbm>>
        tpu.wait_dma2 semaphore(%run_scoped3A_43 : memref<!tpu.dma_semaphore, #tpu.memory_space<semaphore_mem>>) src(%dma_wait3A_55 : memref<128x128xf32, #tpu.memory_space<hbm>>) dst(%arg9 : memref<128x128xf32, #tpu.memory_space<vmem>>)
        tpu.yield
      }) : () -> ()
      %dma_start3A = arith.constant 0 : i32
      %dma_start3A_33 = arith.constant 0 : i32
      %dma_start3A_34 = tpu.memref_slice %arg2[%dma_start3A, %dma_start3A_33] : memref<10000x128xf32, #tpu.memory_space<hbm>> -> memref<10000x128xf32, #tpu.memory_space<hbm>>
      tpu.enqueue_indirect_dma source(%dma_start3A_34 : memref<10000x128xf32, #tpu.memory_space<hbm>>) target(%arg9 : memref<128x128xf32, #tpu.memory_space<vmem>>) offsets(%arg7 : memref<128xi32, #tpu.memory_space<vmem>>) semaphore(%arg10 : memref<!tpu.dma_semaphore, #tpu.memory_space<semaphore_mem>>) {add = true}
      %dma_wait3A = arith.constant 0 : i32
      %dma_wait3A_35 = arith.constant 0 : i32
      %dma_wait3A_36 = tpu.memref_slice %arg2[%dma_wait3A, %dma_wait3A_35] : memref<10000x128xf32, #tpu.memory_space<hbm>> -> memref<10000x128xf32, #tpu.memory_space<hbm>>
      tpu.wait_indirect_dma semaphore(%arg10 : memref<!tpu.dma_semaphore, #tpu.memory_space<semaphore_mem>>) src(%dma_wait3A_36 : memref<10000x128xf32, #tpu.memory_space<hbm>>) dst(%arg9 : memref<128x128xf32, #tpu.memory_space<vmem>>)
      %scan3A_37 = arith.constant 0 : i32
      %scan3A_38 = arith.constant 0 : i32
      %scan3A_39 = arith.constant 128 : i32
      %scan3A_40 = arith.addi %scan3A_38, %scan3A_39 : i32
      %scan3A_41 = arith.constant 1 : i32
      scf.for %scan3A_43 = %scan3A_38 to %scan3A_40 step %scan3A_41  : i32 {
        %get3A = arith.index_cast %scan3A_43 : i32 to index
        %get3A_44 = arith.constant 0 : index
        %get3A_45 = tpu.vector_load %arg9[%get3A, %get3A_44] {strides = array<i32>} : memref<128x128xf32, #tpu.memory_space<vmem>>, vector<1x16xf32>,
        %get3A_46 = vector.shape_cast %get3A_45 : vector<1x16xf32> to vector<16xf32>
        %max3A = arith.constant 0.000000e+00 : f32
        %max3A_47 = vector.broadcast %max3A : f32 to vector<16xf32>
        %max3A_48 = arith.maximumf %get3A_46, %max3A_47 : vector<16xf32>
        %swap3A = arith.index_cast %scan3A_43 : i32 to index
        %swap3A_49 = arith.constant 0 : index
        %swap3A_50 = tpu.vector_load %arg9[%swap3A, %swap3A_49] {strides = array<i32>} : memref<128x128xf32, #tpu.memory_space<vmem>>, vector<1x16xf32>,
        %swap3A_51 = vector.shape_cast %swap3A_50 : vector<1x16xf32> to vector<16xf32>
        %swap3A_52 = vector.shape_cast %max3A_48 : vector<16xf32> to vector<1x16xf32>
        tpu.vector_store %arg9[%swap3A, %swap3A_49], %swap3A_52 {strides = array<i32>} : memref<128x128xf32, #tpu.memory_space<vmem>>, vector<1x16xf32>,
        %get3A_53 = arith.index_cast %scan3A_43 : i32 to index
        %get3A_54 = arith.constant 16 : index
        %get3A_55 = tpu.vector_load %arg9[%get3A_53, %get3A_54] {strides = array<i32>} : memref<128x128xf32, #tpu.memory_space<vmem>>, vector<1x16xf32>,
        %get3A_56 = vector.shape_cast %get3A_55 : vector<1x16xf32> to vector<16xf32>
        %max3A_57 = arith.constant 0.000000e+00 : f32
        %max3A_58 = vector.broadcast %max3A_57 : f32 to vector<16xf32>
        %max3A_59 = arith.maximumf %get3A_56, %max3A_58 : vector<16xf32>
        %swap3A_60 = arith.index_cast %scan3A_43 : i32 to index
        %swap3A_61 = arith.constant 16 : index
        %swap3A_62 = tpu.vector_load %arg9[%swap3A_60, %swap3A_61] {strides = array<i32>} : memref<128x128xf32, #tpu.memory_space<vmem>>, vector<1x16xf32>,
        %swap3A_63 = vector.shape_cast %swap3A_62 : vector<1x16xf32> to vector<16xf32>
        %swap3A_64 = vector.shape_cast %max3A_59 : vector<16xf32> to vector<1x16xf32>
        tpu.vector_store %arg9[%swap3A_60, %swap3A_61], %swap3A_64 {strides = array<i32>} : memref<128x128xf32, #tpu.memory_space<vmem>>, vector<1x16xf32>,
        %get3A_65 = arith.index_cast %scan3A_43 : i32 to index
        %get3A_66 = arith.constant 32 : index
        %get3A_67 = tpu.vector_load %arg9[%get3A_65, %get3A_66] {strides = array<i32>} : memref<128x128xf32, #tpu.memory_space<vmem>>, vector<1x16xf32>,
        %get3A_68 = vector.shape_cast %get3A_67 : vector<1x16xf32> to vector<16xf32>
        %max3A_69 = arith.constant 0.000000e+00 : f32
        %max3A_70 = vector.broadcast %max3A_69 : f32 to vector<16xf32>
        %max3A_71 = arith.maximumf %get3A_68, %max3A_70 : vector<16xf32>
        %swap3A_72 = arith.index_cast %scan3A_43 : i32 to index
        %swap3A_73 = arith.constant 32 : index
        %swap3A_74 = tpu.vector_load %arg9[%swap3A_72, %swap3A_73] {strides = array<i32>} : memref<128x128xf32, #tpu.memory_space<vmem>>, vector<1x16xf32>,
        %swap3A_75 = vector.shape_cast %swap3A_74 : vector<1x16xf32> to vector<16xf32>
        %swap3A_76 = vector.shape_cast %max3A_71 : vector<16xf32> to vector<1x16xf32>
        tpu.vector_store %arg9[%swap3A_72, %swap3A_73], %swap3A_76 {strides = array<i32>} : memref<128x128xf32, #tpu.memory_space<vmem>>, vector<1x16xf32>,
        %get3A_77 = arith.index_cast %scan3A_43 : i32 to index
        %get3A_78 = arith.constant 48 : index
        %get3A_79 = tpu.vector_load %arg9[%get3A_77, %get3A_78] {strides = array<i32>} : memref<128x128xf32, #tpu.memory_space<vmem>>, vector<1x16xf32>,
        %get3A_80 = vector.shape_cast %get3A_79 : vector<1x16xf32> to vector<16xf32>
        %max3A_81 = arith.constant 0.000000e+00 : f32
        %max3A_82 = vector.broadcast %max3A_81 : f32 to vector<16xf32>
        %max3A_83 = arith.maximumf %get3A_80, %max3A_82 : vector<16xf32>
        %swap3A_84 = arith.index_cast %scan3A_43 : i32 to index
        %swap3A_85 = arith.constant 48 : index
        %swap3A_86 = tpu.vector_load %arg9[%swap3A_84, %swap3A_85] {strides = array<i32>} : memref<128x128xf32, #tpu.memory_space<vmem>>, vector<1x16xf32>,
        %swap3A_87 = vector.shape_cast %swap3A_86 : vector<1x16xf32> to vector<16xf32>
        %swap3A_88 = vector.shape_cast %max3A_83 : vector<16xf32> to vector<1x16xf32>
        tpu.vector_store %arg9[%swap3A_84, %swap3A_85], %swap3A_88 {strides = array<i32>} : memref<128x128xf32, #tpu.memory_space<vmem>>, vector<1x16xf32>,
        %get3A_89 = arith.index_cast %scan3A_43 : i32 to index
        %get3A_90 = arith.constant 64 : index
        %get3A_91 = tpu.vector_load %arg9[%get3A_89, %get3A_90] {strides = array<i32>} : memref<128x128xf32, #tpu.memory_space<vmem>>, vector<1x16xf32>,
        %get3A_92 = vector.shape_cast %get3A_91 : vector<1x16xf32> to vector<16xf32>
        %max3A_93 = arith.constant 0.000000e+00 : f32
        %max3A_94 = vector.broadcast %max3A_93 : f32 to vector<16xf32>
        %max3A_95 = arith.maximumf %get3A_92, %max3A_94 : vector<16xf32>
        %swap3A_96 = arith.index_cast %scan3A_43 : i32 to index
        %swap3A_97 = arith.constant 64 : index
        %swap3A_98 = tpu.vector_load %arg9[%swap3A_96, %swap3A_97] {strides = array<i32>} : memref<128x128xf32, #tpu.memory_space<vmem>>, vector<1x16xf32>,
        %swap3A_99 = vector.shape_cast %swap3A_98 : vector<1x16xf32> to vector<16xf32>
        %swap3A_100 = vector.shape_cast %max3A_95 : vector<16xf32> to vector<1x16xf32>
        tpu.vector_store %arg9[%swap3A_96, %swap3A_97], %swap3A_100 {strides = array<i32>} : memref<128x128xf32, #tpu.memory_space<vmem>>, vector<1x16xf32>,
        %get3A_101 = arith.index_cast %scan3A_43 : i32 to index
        %get3A_102 = arith.constant 80 : index
        %get3A_103 = tpu.vector_load %arg9[%get3A_101, %get3A_102] {strides = array<i32>} : memref<128x128xf32, #tpu.memory_space<vmem>>, vector<1x16xf32>,
        %get3A_104 = vector.shape_cast %get3A_103 : vector<1x16xf32> to vector<16xf32>
        %max3A_105 = arith.constant 0.000000e+00 : f32
        %max3A_106 = vector.broadcast %max3A_105 : f32 to vector<16xf32>
        %max3A_107 = arith.maximumf %get3A_104, %max3A_106 : vector<16xf32>
        %swap3A_108 = arith.index_cast %scan3A_43 : i32 to index
        %swap3A_109 = arith.constant 80 : index
        %swap3A_110 = tpu.vector_load %arg9[%swap3A_108, %swap3A_109] {strides = array<i32>} : memref<128x128xf32, #tpu.memory_space<vmem>>, vector<1x16xf32>,
        %swap3A_111 = vector.shape_cast %swap3A_110 : vector<1x16xf32> to vector<16xf32>
        %swap3A_112 = vector.shape_cast %max3A_107 : vector<16xf32> to vector<1x16xf32>
        tpu.vector_store %arg9[%swap3A_108, %swap3A_109], %swap3A_112 {strides = array<i32>} : memref<128x128xf32, #tpu.memory_space<vmem>>, vector<1x16xf32>,
        %get3A_113 = arith.index_cast %scan3A_43 : i32 to index
        %get3A_114 = arith.constant 96 : index
        %get3A_115 = tpu.vector_load %arg9[%get3A_113, %get3A_114] {strides = array<i32>} : memref<128x128xf32, #tpu.memory_space<vmem>>, vector<1x16xf32>,
        %get3A_116 = vector.shape_cast %get3A_115 : vector<1x16xf32> to vector<16xf32>
        %max3A_117 = arith.constant 0.000000e+00 : f32
        %max3A_118 = vector.broadcast %max3A_117 : f32 to vector<16xf32>
        %max3A_119 = arith.maximumf %get3A_116, %max3A_118 : vector<16xf32>
        %swap3A_120 = arith.index_cast %scan3A_43 : i32 to index
        %swap3A_121 = arith.constant 96 : index
        %swap3A_122 = tpu.vector_load %arg9[%swap3A_120, %swap3A_121] {strides = array<i32>} : memref<128x128xf32, #tpu.memory_space<vmem>>, vector<1x16xf32>,
        %swap3A_123 = vector.shape_cast %swap3A_122 : vector<1x16xf32> to vector<16xf32>
        %swap3A_124 = vector.shape_cast %max3A_119 : vector<16xf32> to vector<1x16xf32>
        tpu.vector_store %arg9[%swap3A_120, %swap3A_121], %swap3A_124 {strides = array<i32>} : memref<128x128xf32, #tpu.memory_space<vmem>>, vector<1x16xf32>,
        %get3A_125 = arith.index_cast %scan3A_43 : i32 to index
        %get3A_126 = arith.constant 112 : index
        %get3A_127 = tpu.vector_load %arg9[%get3A_125, %get3A_126] {strides = array<i32>} : memref<128x128xf32, #tpu.memory_space<vmem>>, vector<1x16xf32>,
        %get3A_128 = vector.shape_cast %get3A_127 : vector<1x16xf32> to vector<16xf32>
        %max3A_129 = arith.constant 0.000000e+00 : f32
        %max3A_130 = vector.broadcast %max3A_129 : f32 to vector<16xf32>
        %max3A_131 = arith.maximumf %get3A_128, %max3A_130 : vector<16xf32>
        %swap3A_132 = arith.index_cast %scan3A_43 : i32 to index
        %swap3A_133 = arith.constant 112 : index
        %swap3A_134 = tpu.vector_load %arg9[%swap3A_132, %swap3A_133] {strides = array<i32>} : memref<128x128xf32, #tpu.memory_space<vmem>>, vector<1x16xf32>,
        %swap3A_135 = vector.shape_cast %swap3A_134 : vector<1x16xf32> to vector<16xf32>
        %swap3A_136 = vector.shape_cast %max3A_131 : vector<16xf32> to vector<1x16xf32>
        tpu.vector_store %arg9[%swap3A_132, %swap3A_133], %swap3A_136 {strides = array<i32>} : memref<128x128xf32, #tpu.memory_space<vmem>>, vector<1x16xf32>,
      }
      %scan3A_42 = arith.constant 128 : i32
      "tpu.region"() ({
        %run_scoped3A_43 = tpu.sem_alloc : memref<!tpu.dma_semaphore, #tpu.memory_space<semaphore_mem>>
        %dma_start3A_44 = arith.constant 0 : i32
        %dma_start3A_45 = arith.constant 0 : i32
        %dma_start3A_46 = tpu.memref_slice %arg11[%dma_start3A_44, %dma_start3A_45] : memref<10240x128xf32, #tpu.memory_space<vmem_shared>> -> memref<10240x128xf32, #tpu.memory_space<vmem_shared>>
        tpu.enqueue_indirect_dma source(%arg9 : memref<128x128xf32, #tpu.memory_space<vmem>>) target(%dma_start3A_46 : memref<10240x128xf32, #tpu.memory_space<vmem_shared>>) offsets(%arg8 : memref<128xi32, #tpu.memory_space<vmem>>) semaphore(%run_scoped3A_43 : memref<!tpu.dma_semaphore, #tpu.memory_space<semaphore_mem>>) {add = true}
        %dma_wait3A_47 = arith.constant 0 : i32
        %dma_wait3A_48 = arith.constant 0 : i32
        %dma_wait3A_49 = tpu.memref_slice %arg11[%dma_wait3A_47, %dma_wait3A_48] : memref<10240x128xf32, #tpu.memory_space<vmem_shared>> -> memref<10240x128xf32, #tpu.memory_space<vmem_shared>>
        tpu.wait_indirect_dma semaphore(%run_scoped3A_43 : memref<!tpu.dma_semaphore, #tpu.memory_space<semaphore_mem>>) src(%arg9 : memref<128x128xf32, #tpu.memory_space<vmem>>) dst(%dma_wait3A_49 : memref<10240x128xf32, #tpu.memory_space<vmem_shared>>)
        tpu.yield
      }) : () -> ()
    }
    %scan3A_19 = arith.constant 79 : i32
    %barrier3A_20 = arith.constant 0 : index
    tpu.barrier barrier_id(%barrier3A_20)
    %scan3A_21 = arith.constant 0 : i32
    %scan3A_22 = arith.constant 0 : i32
    %scan3A_23 = arith.constant 5 : i32
    %scan3A_24 = arith.addi %scan3A_22, %scan3A_23 : i32
    %scan3A_25 = arith.constant 1 : i32
    scf.for %scan3A_27 = %scan3A_22 to %scan3A_24 step %scan3A_25  : i32 {
      %mul3A_28 = arith.constant 128 : i32
      %mul3A_29 = arith.muli %scan3A_27, %mul3A_28 : i32
      %add3A_30 = arith.addi %mul3A_2, %mul3A_29 : i32
      "tpu.region"() ({
        %run_scoped3A = tpu.sem_alloc : memref<!tpu.dma_semaphore, #tpu.memory_space<semaphore_mem>>
        %dma_start3A = arith.constant 0 : i32
        %dma_start3A_38 = tpu.memref_slice %arg11[%add3A_30, %dma_start3A] : memref<10240x128xf32, #tpu.memory_space<vmem_shared>> -> memref<128x128xf32, #tpu.memory_space<vmem_shared>>
        %dma_start3A_39 = arith.constant 0 : i32
        %dma_start3A_40 = tpu.memref_slice %arg11[%add3A_30, %dma_start3A_39] : memref<10240x128xf32, #tpu.memory_space<vmem_shared>> -> memref<128x128xf32, #tpu.memory_space<vmem_shared>>
        tpu.enqueue_dma source(%dma_start3A_40 : memref<128x128xf32, #tpu.memory_space<vmem_shared>>) target(%arg9 : memref<128x128xf32, #tpu.memory_space<vmem>>) target_semaphore(%run_scoped3A : memref<!tpu.dma_semaphore, #tpu.memory_space<semaphore_mem>>)
        %dma_wait3A = arith.constant 0 : i32
        %dma_wait3A_41 = tpu.memref_slice %arg11[%add3A_30, %dma_wait3A] : memref<10240x128xf32, #tpu.memory_space<vmem_shared>> -> memref<128x128xf32, #tpu.memory_space<vmem_shared>>
        %dma_wait3A_42 = arith.constant 0 : i32
        %dma_wait3A_43 = tpu.memref_slice %arg11[%add3A_30, %dma_wait3A_42] : memref<10240x128xf32, #tpu.memory_space<vmem_shared>> -> memref<128x128xf32, #tpu.memory_space<vmem_shared>>
        tpu.wait_dma2 semaphore(%run_scoped3A : memref<!tpu.dma_semaphore, #tpu.memory_space<semaphore_mem>>) src(%dma_wait3A_43 : memref<128x128xf32, #tpu.memory_space<vmem_shared>>) dst(%arg9 : memref<128x128xf32, #tpu.memory_space<vmem>>)
        tpu.yield
      }) : () -> ()
      %eq3A = arith.constant 0 : i32
      %eq3A_31 = arith.cmpi eq, %arg0, %eq3A : i32
      %convert_element_type3A = arith.extui %eq3A_31 : i1 to i32
      %cond3A = arith.constant 0 : i32
      %cond3A_32 = arith.cmpi ne, %convert_element_type3A, %cond3A : i32
      scf.if %cond3A_32 {
        %run_scoped3A = arith.constant 0 : i32
        "tpu.region"() ({
          %run_scoped3A_38 = tpu.sem_alloc : memref<!tpu.dma_semaphore, #tpu.memory_space<semaphore_mem>>
          %dma_start3A = arith.constant 0 : i32
          %dma_start3A_39 = tpu.memref_slice %arg6[%run_scoped3A, %add3A_30, %dma_start3A] : memref<2x10240x128xf32, #tpu.memory_space<hbm>> -> memref<1x128x128xf32, #tpu.memory_space<hbm>>
          %dma_start3A_40 = tpu.memref_squeeze %dma_start3A_39 : memref<1x128x128xf32, #tpu.memory_space<hbm>> -> memref<128x128xf32, #tpu.memory_space<hbm>>
          %dma_start3A_41 = arith.constant 0 : i32
          %dma_start3A_42 = tpu.memref_slice %arg6[%run_scoped3A, %add3A_30, %dma_start3A_41] : memref<2x10240x128xf32, #tpu.memory_space<hbm>> -> memref<1x128x128xf32, #tpu.memory_space<hbm>>
          %dma_start3A_43 = tpu.memref_squeeze %dma_start3A_42 : memref<1x128x128xf32, #tpu.memory_space<hbm>> -> memref<128x128xf32, #tpu.memory_space<hbm>>
          tpu.enqueue_dma source(%arg9 : memref<128x128xf32, #tpu.memory_space<vmem>>) target(%dma_start3A_43 : memref<128x128xf32, #tpu.memory_space<hbm>>) target_semaphore(%run_scoped3A_38 : memref<!tpu.dma_semaphore, #tpu.memory_space<semaphore_mem>>)
          %dma_wait3A = arith.constant 0 : i32
          %dma_wait3A_44 = tpu.memref_slice %arg6[%run_scoped3A, %add3A_30, %dma_wait3A] : memref<2x10240x128xf32, #tpu.memory_space<hbm>> -> memref<1x128x128xf32, #tpu.memory_space<hbm>>
          %dma_wait3A_45 = tpu.memref_squeeze %dma_wait3A_44 : memref<1x128x128xf32, #tpu.memory_space<hbm>> -> memref<128x128xf32, #tpu.memory_space<hbm>>
          %dma_wait3A_46 = arith.constant 0 : i32
          %dma_wait3A_47 = tpu.memref_slice %arg6[%run_scoped3A, %add3A_30, %dma_wait3A_46] : memref<2x10240x128xf32, #tpu.memory_space<hbm>> -> memref<1x128x128xf32, #tpu.memory_space<hbm>>
          %dma_wait3A_48 = tpu.memref_squeeze %dma_wait3A_47 : memref<1x128x128xf32, #tpu.memory_space<hbm>> -> memref<128x128xf32, #tpu.memory_space<hbm>>
          tpu.wait_dma2 semaphore(%run_scoped3A_38 : memref<!tpu.dma_semaphore, #tpu.memory_space<semaphore_mem>>) src(%arg9 : memref<128x128xf32, #tpu.memory_space<vmem>>) dst(%dma_wait3A_48 : memref<128x128xf32, #tpu.memory_space<hbm>>)
          tpu.yield
        }) : () -> ()
      } else {
      }
      %eq3A_33 = arith.constant 1 : i32
      %eq3A_34 = arith.cmpi eq, %arg0, %eq3A_33 : i32
      %convert_element_type3A_35 = arith.extui %eq3A_34 : i1 to i32
      %cond3A_36 = arith.constant 0 : i32
      %cond3A_37 = arith.cmpi ne, %convert_element_type3A_35, %cond3A_36 : i32
      scf.if %cond3A_37 {
        %run_scoped3A = arith.constant 1 : i32
        "tpu.region"() ({
          %run_scoped3A_38 = tpu.sem_alloc : memref<!tpu.dma_semaphore, #tpu.memory_space<semaphore_mem>>
          %dma_start3A = arith.constant 0 : i32
          %dma_start3A_39 = tpu.memref_slice %arg6[%run_scoped3A, %add3A_30, %dma_start3A] : memref<2x10240x128xf32, #tpu.memory_space<hbm>> -> memref<1x128x128xf32, #tpu.memory_space<hbm>>
          %dma_start3A_40 = tpu.memref_squeeze %dma_start3A_39 : memref<1x128x128xf32, #tpu.memory_space<hbm>> -> memref<128x128xf32, #tpu.memory_space<hbm>>
          %dma_start3A_41 = arith.constant 0 : i32
          %dma_start3A_42 = tpu.memref_slice %arg6[%run_scoped3A, %add3A_30, %dma_start3A_41] : memref<2x10240x128xf32, #tpu.memory_space<hbm>> -> memref<1x128x128xf32, #tpu.memory_space<hbm>>
          %dma_start3A_43 = tpu.memref_squeeze %dma_start3A_42 : memref<1x128x128xf32, #tpu.memory_space<hbm>> -> memref<128x128xf32, #tpu.memory_space<hbm>>
          tpu.enqueue_dma source(%arg9 : memref<128x128xf32, #tpu.memory_space<vmem>>) target(%dma_start3A_43 : memref<128x128xf32, #tpu.memory_space<hbm>>) target_semaphore(%run_scoped3A_38 : memref<!tpu.dma_semaphore, #tpu.memory_space<semaphore_mem>>)
          %dma_wait3A = arith.constant 0 : i32
          %dma_wait3A_44 = tpu.memref_slice %arg6[%run_scoped3A, %add3A_30, %dma_wait3A] : memref<2x10240x128xf32, #tpu.memory_space<hbm>> -> memref<1x128x128xf32, #tpu.memory_space<hbm>>
          %dma_wait3A_45 = tpu.memref_squeeze %dma_wait3A_44 : memref<1x128x128xf32, #tpu.memory_space<hbm>> -> memref<128x128xf32, #tpu.memory_space<hbm>>
          %dma_wait3A_46 = arith.constant 0 : i32
          %dma_wait3A_47 = tpu.memref_slice %arg6[%run_scoped3A, %add3A_30, %dma_wait3A_46] : memref<2x10240x128xf32, #tpu.memory_space<hbm>> -> memref<1x128x128xf32, #tpu.memory_space<hbm>>
          %dma_wait3A_48 = tpu.memref_squeeze %dma_wait3A_47 : memref<1x128x128xf32, #tpu.memory_space<hbm>> -> memref<128x128xf32, #tpu.memory_space<hbm>>
          tpu.wait_dma2 semaphore(%run_scoped3A_38 : memref<!tpu.dma_semaphore, #tpu.memory_space<semaphore_mem>>) src(%arg9 : memref<128x128xf32, #tpu.memory_space<vmem>>) dst(%dma_wait3A_48 : memref<128x128xf32, #tpu.memory_space<hbm>>)
          tpu.yield
        }) : () -> ()
      } else {
      }
    }
    %scan3A_26 = arith.constant 5 : i32
    return
  }
}

#map = affine_map<(d0, d1) -> (0, 0)>
#map1 = affine_map<(d0, d1) -> (0, 0, 0)>
#map2 = affine_map<(d0, d1) -> (0)>
module attributes {stable_mosaic.version = 14 : i64} {
  func.func @_sc_body(%arg0: i32, %arg1: i32, %arg2: memref<10000x128xf32, #tpu.memory_space<hbm>>, %arg3: memref<3x323584x128xf32, #tpu.memory_space<hbm>>, %arg4: memref<323584xi32, #tpu.memory_space<hbm>>, %arg5: memref<323584xi32, #tpu.memory_space<hbm>>, %arg6: memref<2x10240x128xf32, #tpu.memory_space<hbm>>, %arg7: memref<128xi32, #tpu.memory_space<vmem>>, %arg8: memref<128xi32, #tpu.memory_space<vmem>>, %arg9: memref<128x128xf32, #tpu.memory_space<vmem>>, %arg10: memref<!tpu.dma_semaphore, #tpu.memory_space<semaphore_mem>>, %arg11: memref<10240x128xf32, #tpu.memory_space<vmem_shared>>) attributes {dimension_semantics = [#tpu.dimension_semantics<core_parallel>, #tpu.dimension_semantics<subcore_parallel>], iteration_bounds = array<i64: 2, 16>, scalar_prefetch = 0 : i64, scratch_operands = 5 : i64, tpu.core_type = #tpu.core_type<sc_vector_subcore>, window_params = [{transform_indices = #map}, {transform_indices = #map1}, {transform_indices = #map2}, {transform_indices = #map2}, {transform_indices = #map1}]} {
    %mul3A = arith.constant 16 : i32
    %mul3A_0 = arith.muli %arg0, %mul3A : i32
    %add3A = arith.addi %mul3A_0, %arg1 : i32
    %mul3A_1 = arith.constant 640 : i32
    %mul3A_2 = arith.muli %arg1, %mul3A_1 : i32
    %scan3A = arith.constant 0 : i32
    %scan3A_3 = arith.constant 0 : i32
    %scan3A_4 = arith.constant 128 : i32
    %scan3A_5 = arith.addi %scan3A_3, %scan3A_4 : i32
    %scan3A_6 = arith.constant 1 : i32
    scf.for %scan3A_27 = %scan3A_3 to %scan3A_5 step %scan3A_6  : i32 {
      %broadcast_in_dim3A = arith.constant 0.000000e+00 : f32
      %broadcast_in_dim3A_28 = vector.broadcast %broadcast_in_dim3A : f32 to vector<16xf32>
      %swap3A = arith.index_cast %scan3A_27 : i32 to index
      %swap3A_29 = arith.constant 0 : index
      %swap3A_30 = tpu.vector_load %arg9[%swap3A, %swap3A_29] {strides = array<i32>} : memref<128x128xf32, #tpu.memory_space<vmem>>, vector<1x16xf32>,
      %swap3A_31 = vector.shape_cast %swap3A_30 : vector<1x16xf32> to vector<16xf32>
      %swap3A_32 = vector.shape_cast %broadcast_in_dim3A_28 : vector<16xf32> to vector<1x16xf32>
      tpu.vector_store %arg9[%swap3A, %swap3A_29], %swap3A_32 {strides = array<i32>} : memref<128x128xf32, #tpu.memory_space<vmem>>, vector<1x16xf32>,
      %broadcast_in_dim3A_33 = arith.constant 0.000000e+00 : f32
      %broadcast_in_dim3A_34 = vector.broadcast %broadcast_in_dim3A_33 : f32 to vector<16xf32>
      %swap3A_35 = arith.index_cast %scan3A_27 : i32 to index
      %swap3A_36 = arith.constant 16 : index
      %swap3A_37 = tpu.vector_load %arg9[%swap3A_35, %swap3A_36] {strides = array<i32>} : memref<128x128xf32, #tpu.memory_space<vmem>>, vector<1x16xf32>,
      %swap3A_38 = vector.shape_cast %swap3A_37 : vector<1x16xf32> to vector<16xf32>
      %swap3A_39 = vector.shape_cast %broadcast_in_dim3A_34 : vector<16xf32> to vector<1x16xf32>
      tpu.vector_store %arg9[%swap3A_35, %swap3A_36], %swap3A_39 {strides = array<i32>} : memref<128x128xf32, #tpu.memory_space<vmem>>, vector<1x16xf32>,
      %broadcast_in_dim3A_40 = arith.constant 0.000000e+00 : f32
      %broadcast_in_dim3A_41 = vector.broadcast %broadcast_in_dim3A_40 : f32 to vector<16xf32>
      %swap3A_42 = arith.index_cast %scan3A_27 : i32 to index
      %swap3A_43 = arith.constant 32 : index
      %swap3A_44 = tpu.vector_load %arg9[%swap3A_42, %swap3A_43] {strides = array<i32>} : memref<128x128xf32, #tpu.memory_space<vmem>>, vector<1x16xf32>,
      %swap3A_45 = vector.shape_cast %swap3A_44 : vector<1x16xf32> to vector<16xf32>
      %swap3A_46 = vector.shape_cast %broadcast_in_dim3A_41 : vector<16xf32> to vector<1x16xf32>
      tpu.vector_store %arg9[%swap3A_42, %swap3A_43], %swap3A_46 {strides = array<i32>} : memref<128x128xf32, #tpu.memory_space<vmem>>, vector<1x16xf32>,
      %broadcast_in_dim3A_47 = arith.constant 0.000000e+00 : f32
      %broadcast_in_dim3A_48 = vector.broadcast %broadcast_in_dim3A_47 : f32 to vector<16xf32>
      %swap3A_49 = arith.index_cast %scan3A_27 : i32 to index
      %swap3A_50 = arith.constant 48 : index
      %swap3A_51 = tpu.vector_load %arg9[%swap3A_49, %swap3A_50] {strides = array<i32>} : memref<128x128xf32, #tpu.memory_space<vmem>>, vector<1x16xf32>,
      %swap3A_52 = vector.shape_cast %swap3A_51 : vector<1x16xf32> to vector<16xf32>
      %swap3A_53 = vector.shape_cast %broadcast_in_dim3A_48 : vector<16xf32> to vector<1x16xf32>
      tpu.vector_store %arg9[%swap3A_49, %swap3A_50], %swap3A_53 {strides = array<i32>} : memref<128x128xf32, #tpu.memory_space<vmem>>, vector<1x16xf32>,
      %broadcast_in_dim3A_54 = arith.constant 0.000000e+00 : f32
      %broadcast_in_dim3A_55 = vector.broadcast %broadcast_in_dim3A_54 : f32 to vector<16xf32>
      %swap3A_56 = arith.index_cast %scan3A_27 : i32 to index
      %swap3A_57 = arith.constant 64 : index
      %swap3A_58 = tpu.vector_load %arg9[%swap3A_56, %swap3A_57] {strides = array<i32>} : memref<128x128xf32, #tpu.memory_space<vmem>>, vector<1x16xf32>,
      %swap3A_59 = vector.shape_cast %swap3A_58 : vector<1x16xf32> to vector<16xf32>
      %swap3A_60 = vector.shape_cast %broadcast_in_dim3A_55 : vector<16xf32> to vector<1x16xf32>
      tpu.vector_store %arg9[%swap3A_56, %swap3A_57], %swap3A_60 {strides = array<i32>} : memref<128x128xf32, #tpu.memory_space<vmem>>, vector<1x16xf32>,
      %broadcast_in_dim3A_61 = arith.constant 0.000000e+00 : f32
      %broadcast_in_dim3A_62 = vector.broadcast %broadcast_in_dim3A_61 : f32 to vector<16xf32>
      %swap3A_63 = arith.index_cast %scan3A_27 : i32 to index
      %swap3A_64 = arith.constant 80 : index
      %swap3A_65 = tpu.vector_load %arg9[%swap3A_63, %swap3A_64] {strides = array<i32>} : memref<128x128xf32, #tpu.memory_space<vmem>>, vector<1x16xf32>,
      %swap3A_66 = vector.shape_cast %swap3A_65 : vector<1x16xf32> to vector<16xf32>
      %swap3A_67 = vector.shape_cast %broadcast_in_dim3A_62 : vector<16xf32> to vector<1x16xf32>
      tpu.vector_store %arg9[%swap3A_63, %swap3A_64], %swap3A_67 {strides = array<i32>} : memref<128x128xf32, #tpu.memory_space<vmem>>, vector<1x16xf32>,
      %broadcast_in_dim3A_68 = arith.constant 0.000000e+00 : f32
      %broadcast_in_dim3A_69 = vector.broadcast %broadcast_in_dim3A_68 : f32 to vector<16xf32>
      %swap3A_70 = arith.index_cast %scan3A_27 : i32 to index
      %swap3A_71 = arith.constant 96 : index
      %swap3A_72 = tpu.vector_load %arg9[%swap3A_70, %swap3A_71] {strides = array<i32>} : memref<128x128xf32, #tpu.memory_space<vmem>>, vector<1x16xf32>,
      %swap3A_73 = vector.shape_cast %swap3A_72 : vector<1x16xf32> to vector<16xf32>
      %swap3A_74 = vector.shape_cast %broadcast_in_dim3A_69 : vector<16xf32> to vector<1x16xf32>
      tpu.vector_store %arg9[%swap3A_70, %swap3A_71], %swap3A_74 {strides = array<i32>} : memref<128x128xf32, #tpu.memory_space<vmem>>, vector<1x16xf32>,
      %broadcast_in_dim3A_75 = arith.constant 0.000000e+00 : f32
      %broadcast_in_dim3A_76 = vector.broadcast %broadcast_in_dim3A_75 : f32 to vector<16xf32>
      %swap3A_77 = arith.index_cast %scan3A_27 : i32 to index
      %swap3A_78 = arith.constant 112 : index
      %swap3A_79 = tpu.vector_load %arg9[%swap3A_77, %swap3A_78] {strides = array<i32>} : memref<128x128xf32, #tpu.memory_space<vmem>>, vector<1x16xf32>,
      %swap3A_80 = vector.shape_cast %swap3A_79 : vector<1x16xf32> to vector<16xf32>
      %swap3A_81 = vector.shape_cast %broadcast_in_dim3A_76 : vector<16xf32> to vector<1x16xf32>
      tpu.vector_store %arg9[%swap3A_77, %swap3A_78], %swap3A_81 {strides = array<i32>} : memref<128x128xf32, #tpu.memory_space<vmem>>, vector<1x16xf32>,
    }
    %scan3A_7 = arith.constant 128 : i32
    %scan3A_8 = arith.constant 0 : i32
    %scan3A_9 = arith.constant 0 : i32
    %scan3A_10 = arith.constant 5 : i32
    %scan3A_11 = arith.addi %scan3A_9, %scan3A_10 : i32
    %scan3A_12 = arith.constant 1 : i32
    scf.for %scan3A_27 = %scan3A_9 to %scan3A_11 step %scan3A_12  : i32 {
      %mul3A_28 = arith.constant 128 : i32
      %mul3A_29 = arith.muli %scan3A_27, %mul3A_28 : i32
      %add3A_30 = arith.addi %mul3A_2, %mul3A_29 : i32
      "tpu.region"() ({
        %run_scoped3A = tpu.sem_alloc : memref<!tpu.dma_semaphore, #tpu.memory_space<semaphore_mem>>
        %dma_start3A = arith.constant 0 : i32
        %dma_start3A_31 = tpu.memref_slice %arg11[%add3A_30, %dma_start3A] : memref<10240x128xf32, #tpu.memory_space<vmem_shared>> -> memref<128x128xf32, #tpu.memory_space<vmem_shared>>
        %dma_start3A_32 = arith.constant 0 : i32
        %dma_start3A_33 = tpu.memref_slice %arg11[%add3A_30, %dma_start3A_32] : memref<10240x128xf32, #tpu.memory_space<vmem_shared>> -> memref<128x128xf32, #tpu.memory_space<vmem_shared>>
        tpu.enqueue_dma source(%arg9 : memref<128x128xf32, #tpu.memory_space<vmem>>) target(%dma_start3A_33 : memref<128x128xf32, #tpu.memory_space<vmem_shared>>) target_semaphore(%run_scoped3A : memref<!tpu.dma_semaphore, #tpu.memory_space<semaphore_mem>>)
        %dma_wait3A = arith.constant 0 : i32
        %dma_wait3A_34 = tpu.memref_slice %arg11[%add3A_30, %dma_wait3A] : memref<10240x128xf32, #tpu.memory_space<vmem_shared>> -> memref<128x128xf32, #tpu.memory_space<vmem_shared>>
        %dma_wait3A_35 = arith.constant 0 : i32
        %dma_wait3A_36 = tpu.memref_slice %arg11[%add3A_30, %dma_wait3A_35] : memref<10240x128xf32, #tpu.memory_space<vmem_shared>> -> memref<128x128xf32, #tpu.memory_space<vmem_shared>>
        tpu.wait_dma2 semaphore(%run_scoped3A : memref<!tpu.dma_semaphore, #tpu.memory_space<semaphore_mem>>) src(%arg9 : memref<128x128xf32, #tpu.memory_space<vmem>>) dst(%dma_wait3A_36 : memref<128x128xf32, #tpu.memory_space<vmem_shared>>)
        tpu.yield
      }) : () -> ()
    }
    %scan3A_13 = arith.constant 5 : i32
    %barrier3A = arith.constant 0 : index
    tpu.barrier barrier_id(%barrier3A)
    %scan3A_14 = arith.constant 0 : i32
    %scan3A_15 = arith.constant 0 : i32
    %scan3A_16 = arith.constant 79 : i32
    %scan3A_17 = arith.addi %scan3A_15, %scan3A_16 : i32
    %scan3A_18 = arith.constant 1 : i32
    scf.for %scan3A_27 = %scan3A_15 to %scan3A_17 step %scan3A_18  : i32 {
      %mul3A_28 = arith.constant 10112 : i32
      %mul3A_29 = arith.muli %add3A, %mul3A_28 : i32
      %mul3A_30 = arith.constant 128 : i32
      %mul3A_31 = arith.muli %scan3A_27, %mul3A_30 : i32
      %add3A_32 = arith.addi %mul3A_29, %mul3A_31 : i32
      "tpu.region"() ({
        %run_scoped3A_43 = tpu.sem_alloc : memref<!tpu.dma_semaphore, #tpu.memory_space<semaphore_mem>>
        %dma_start3A_44 = tpu.memref_slice %arg4[%add3A_32] : memref<323584xi32, #tpu.memory_space<hbm>> -> memref<128xi32, #tpu.memory_space<hbm>>
        %dma_start3A_45 = tpu.memref_slice %arg4[%add3A_32] : memref<323584xi32, #tpu.memory_space<hbm>> -> memref<128xi32, #tpu.memory_space<hbm>>
        tpu.enqueue_dma source(%dma_start3A_45 : memref<128xi32, #tpu.memory_space<hbm>>) target(%arg7 : memref<128xi32, #tpu.memory_space<vmem>>) target_semaphore(%run_scoped3A_43 : memref<!tpu.dma_semaphore, #tpu.memory_space<semaphore_mem>>)
        %dma_wait3A_46 = tpu.memref_slice %arg4[%add3A_32] : memref<323584xi32, #tpu.memory_space<hbm>> -> memref<128xi32, #tpu.memory_space<hbm>>
        %dma_wait3A_47 = tpu.memref_slice %arg4[%add3A_32] : memref<323584xi32, #tpu.memory_space<hbm>> -> memref<128xi32, #tpu.memory_space<hbm>>
        tpu.wait_dma2 semaphore(%run_scoped3A_43 : memref<!tpu.dma_semaphore, #tpu.memory_space<semaphore_mem>>) src(%dma_wait3A_47 : memref<128xi32, #tpu.memory_space<hbm>>) dst(%arg7 : memref<128xi32, #tpu.memory_space<vmem>>)
        tpu.yield
      }) : () -> ()
      "tpu.region"() ({
        %run_scoped3A_43 = tpu.sem_alloc : memref<!tpu.dma_semaphore, #tpu.memory_space<semaphore_mem>>
        %dma_start3A_44 = tpu.memref_slice %arg5[%add3A_32] : memref<323584xi32, #tpu.memory_space<hbm>> -> memref<128xi32, #tpu.memory_space<hbm>>
        %dma_start3A_45 = tpu.memref_slice %arg5[%add3A_32] : memref<323584xi32, #tpu.memory_space<hbm>> -> memref<128xi32, #tpu.memory_space<hbm>>
        tpu.enqueue_dma source(%dma_start3A_45 : memref<128xi32, #tpu.memory_space<hbm>>) target(%arg8 : memref<128xi32, #tpu.memory_space<vmem>>) target_semaphore(%run_scoped3A_43 : memref<!tpu.dma_semaphore, #tpu.memory_space<semaphore_mem>>)
        %dma_wait3A_46 = tpu.memref_slice %arg5[%add3A_32] : memref<323584xi32, #tpu.memory_space<hbm>> -> memref<128xi32, #tpu.memory_space<hbm>>
        %dma_wait3A_47 = tpu.memref_slice %arg5[%add3A_32] : memref<323584xi32, #tpu.memory_space<hbm>> -> memref<128xi32, #tpu.memory_space<hbm>>
        tpu.wait_dma2 semaphore(%run_scoped3A_43 : memref<!tpu.dma_semaphore, #tpu.memory_space<semaphore_mem>>) src(%dma_wait3A_47 : memref<128xi32, #tpu.memory_space<hbm>>) dst(%arg8 : memref<128xi32, #tpu.memory_space<vmem>>)
        tpu.yield
      }) : () -> ()
      %run_scoped3A = arith.constant 1 : i32
      "tpu.region"() ({
        %run_scoped3A_43 = tpu.sem_alloc : memref<!tpu.dma_semaphore, #tpu.memory_space<semaphore_mem>>
        %dma_start3A_44 = arith.constant 0 : i32
        %dma_start3A_45 = tpu.memref_slice %arg3[%run_scoped3A, %add3A_32, %dma_start3A_44] : memref<3x323584x128xf32, #tpu.memory_space<hbm>> -> memref<1x128x128xf32, #tpu.memory_space<hbm>>
        %dma_start3A_46 = tpu.memref_squeeze %dma_start3A_45 : memref<1x128x128xf32, #tpu.memory_space<hbm>> -> memref<128x128xf32, #tpu.memory_space<hbm>>
        %dma_start3A_47 = arith.constant 0 : i32
        %dma_start3A_48 = tpu.memref_slice %arg3[%run_scoped3A, %add3A_32, %dma_start3A_47] : memref<3x323584x128xf32, #tpu.memory_space<hbm>> -> memref<1x128x128xf32, #tpu.memory_space<hbm>>
        %dma_start3A_49 = tpu.memref_squeeze %dma_start3A_48 : memref<1x128x128xf32, #tpu.memory_space<hbm>> -> memref<128x128xf32, #tpu.memory_space<hbm>>
        tpu.enqueue_dma source(%dma_start3A_49 : memref<128x128xf32, #tpu.memory_space<hbm>>) target(%arg9 : memref<128x128xf32, #tpu.memory_space<vmem>>) target_semaphore(%run_scoped3A_43 : memref<!tpu.dma_semaphore, #tpu.memory_space<semaphore_mem>>)
        %dma_wait3A_50 = arith.constant 0 : i32
        %dma_wait3A_51 = tpu.memref_slice %arg3[%run_scoped3A, %add3A_32, %dma_wait3A_50] : memref<3x323584x128xf32, #tpu.memory_space<hbm>> -> memref<1x128x128xf32, #tpu.memory_space<hbm>>
        %dma_wait3A_52 = tpu.memref_squeeze %dma_wait3A_51 : memref<1x128x128xf32, #tpu.memory_space<hbm>> -> memref<128x128xf32, #tpu.memory_space<hbm>>
        %dma_wait3A_53 = arith.constant 0 : i32
        %dma_wait3A_54 = tpu.memref_slice %arg3[%run_scoped3A, %add3A_32, %dma_wait3A_53] : memref<3x323584x128xf32, #tpu.memory_space<hbm>> -> memref<1x128x128xf32, #tpu.memory_space<hbm>>
        %dma_wait3A_55 = tpu.memref_squeeze %dma_wait3A_54 : memref<1x128x128xf32, #tpu.memory_space<hbm>> -> memref<128x128xf32, #tpu.memory_space<hbm>>
        tpu.wait_dma2 semaphore(%run_scoped3A_43 : memref<!tpu.dma_semaphore, #tpu.memory_space<semaphore_mem>>) src(%dma_wait3A_55 : memref<128x128xf32, #tpu.memory_space<hbm>>) dst(%arg9 : memref<128x128xf32, #tpu.memory_space<vmem>>)
        tpu.yield
      }) : () -> ()
      %dma_start3A = arith.constant 0 : i32
      %dma_start3A_33 = arith.constant 0 : i32
      %dma_start3A_34 = tpu.memref_slice %arg2[%dma_start3A, %dma_start3A_33] : memref<10000x128xf32, #tpu.memory_space<hbm>> -> memref<10000x128xf32, #tpu.memory_space<hbm>>
      tpu.enqueue_indirect_dma source(%dma_start3A_34 : memref<10000x128xf32, #tpu.memory_space<hbm>>) target(%arg9 : memref<128x128xf32, #tpu.memory_space<vmem>>) offsets(%arg7 : memref<128xi32, #tpu.memory_space<vmem>>) semaphore(%arg10 : memref<!tpu.dma_semaphore, #tpu.memory_space<semaphore_mem>>) {add = true}
      %dma_wait3A = arith.constant 0 : i32
      %dma_wait3A_35 = arith.constant 0 : i32
      %dma_wait3A_36 = tpu.memref_slice %arg2[%dma_wait3A, %dma_wait3A_35] : memref<10000x128xf32, #tpu.memory_space<hbm>> -> memref<10000x128xf32, #tpu.memory_space<hbm>>
      tpu.wait_indirect_dma semaphore(%arg10 : memref<!tpu.dma_semaphore, #tpu.memory_space<semaphore_mem>>) src(%dma_wait3A_36 : memref<10000x128xf32, #tpu.memory_space<hbm>>) dst(%arg9 : memref<128x128xf32, #tpu.memory_space<vmem>>)
      %scan3A_37 = arith.constant 0 : i32
      %scan3A_38 = arith.constant 0 : i32
      %scan3A_39 = arith.constant 128 : i32
      %scan3A_40 = arith.addi %scan3A_38, %scan3A_39 : i32
      %scan3A_41 = arith.constant 1 : i32
      scf.for %scan3A_43 = %scan3A_38 to %scan3A_40 step %scan3A_41  : i32 {
        %get3A = arith.index_cast %scan3A_43 : i32 to index
        %get3A_44 = arith.constant 0 : index
        %get3A_45 = tpu.vector_load %arg9[%get3A, %get3A_44] {strides = array<i32>} : memref<128x128xf32, #tpu.memory_space<vmem>>, vector<1x16xf32>,
        %get3A_46 = vector.shape_cast %get3A_45 : vector<1x16xf32> to vector<16xf32>
        %max3A = arith.constant 0.000000e+00 : f32
        %max3A_47 = vector.broadcast %max3A : f32 to vector<16xf32>
        %max3A_48 = arith.maximumf %get3A_46, %max3A_47 : vector<16xf32>
        %swap3A = arith.index_cast %scan3A_43 : i32 to index
        %swap3A_49 = arith.constant 0 : index
        %swap3A_50 = tpu.vector_load %arg9[%swap3A, %swap3A_49] {strides = array<i32>} : memref<128x128xf32, #tpu.memory_space<vmem>>, vector<1x16xf32>,
        %swap3A_51 = vector.shape_cast %swap3A_50 : vector<1x16xf32> to vector<16xf32>
        %swap3A_52 = vector.shape_cast %max3A_48 : vector<16xf32> to vector<1x16xf32>
        tpu.vector_store %arg9[%swap3A, %swap3A_49], %swap3A_52 {strides = array<i32>} : memref<128x128xf32, #tpu.memory_space<vmem>>, vector<1x16xf32>,
        %get3A_53 = arith.index_cast %scan3A_43 : i32 to index
        %get3A_54 = arith.constant 16 : index
        %get3A_55 = tpu.vector_load %arg9[%get3A_53, %get3A_54] {strides = array<i32>} : memref<128x128xf32, #tpu.memory_space<vmem>>, vector<1x16xf32>,
        %get3A_56 = vector.shape_cast %get3A_55 : vector<1x16xf32> to vector<16xf32>
        %max3A_57 = arith.constant 0.000000e+00 : f32
        %max3A_58 = vector.broadcast %max3A_57 : f32 to vector<16xf32>
        %max3A_59 = arith.maximumf %get3A_56, %max3A_58 : vector<16xf32>
        %swap3A_60 = arith.index_cast %scan3A_43 : i32 to index
        %swap3A_61 = arith.constant 16 : index
        %swap3A_62 = tpu.vector_load %arg9[%swap3A_60, %swap3A_61] {strides = array<i32>} : memref<128x128xf32, #tpu.memory_space<vmem>>, vector<1x16xf32>,
        %swap3A_63 = vector.shape_cast %swap3A_62 : vector<1x16xf32> to vector<16xf32>
        %swap3A_64 = vector.shape_cast %max3A_59 : vector<16xf32> to vector<1x16xf32>
        tpu.vector_store %arg9[%swap3A_60, %swap3A_61], %swap3A_64 {strides = array<i32>} : memref<128x128xf32, #tpu.memory_space<vmem>>, vector<1x16xf32>,
        %get3A_65 = arith.index_cast %scan3A_43 : i32 to index
        %get3A_66 = arith.constant 32 : index
        %get3A_67 = tpu.vector_load %arg9[%get3A_65, %get3A_66] {strides = array<i32>} : memref<128x128xf32, #tpu.memory_space<vmem>>, vector<1x16xf32>,
        %get3A_68 = vector.shape_cast %get3A_67 : vector<1x16xf32> to vector<16xf32>
        %max3A_69 = arith.constant 0.000000e+00 : f32
        %max3A_70 = vector.broadcast %max3A_69 : f32 to vector<16xf32>
        %max3A_71 = arith.maximumf %get3A_68, %max3A_70 : vector<16xf32>
        %swap3A_72 = arith.index_cast %scan3A_43 : i32 to index
        %swap3A_73 = arith.constant 32 : index
        %swap3A_74 = tpu.vector_load %arg9[%swap3A_72, %swap3A_73] {strides = array<i32>} : memref<128x128xf32, #tpu.memory_space<vmem>>, vector<1x16xf32>,
        %swap3A_75 = vector.shape_cast %swap3A_74 : vector<1x16xf32> to vector<16xf32>
        %swap3A_76 = vector.shape_cast %max3A_71 : vector<16xf32> to vector<1x16xf32>
        tpu.vector_store %arg9[%swap3A_72, %swap3A_73], %swap3A_76 {strides = array<i32>} : memref<128x128xf32, #tpu.memory_space<vmem>>, vector<1x16xf32>,
        %get3A_77 = arith.index_cast %scan3A_43 : i32 to index
        %get3A_78 = arith.constant 48 : index
        %get3A_79 = tpu.vector_load %arg9[%get3A_77, %get3A_78] {strides = array<i32>} : memref<128x128xf32, #tpu.memory_space<vmem>>, vector<1x16xf32>,
        %get3A_80 = vector.shape_cast %get3A_79 : vector<1x16xf32> to vector<16xf32>
        %max3A_81 = arith.constant 0.000000e+00 : f32
        %max3A_82 = vector.broadcast %max3A_81 : f32 to vector<16xf32>
        %max3A_83 = arith.maximumf %get3A_80, %max3A_82 : vector<16xf32>
        %swap3A_84 = arith.index_cast %scan3A_43 : i32 to index
        %swap3A_85 = arith.constant 48 : index
        %swap3A_86 = tpu.vector_load %arg9[%swap3A_84, %swap3A_85] {strides = array<i32>} : memref<128x128xf32, #tpu.memory_space<vmem>>, vector<1x16xf32>,
        %swap3A_87 = vector.shape_cast %swap3A_86 : vector<1x16xf32> to vector<16xf32>
        %swap3A_88 = vector.shape_cast %max3A_83 : vector<16xf32> to vector<1x16xf32>
        tpu.vector_store %arg9[%swap3A_84, %swap3A_85], %swap3A_88 {strides = array<i32>} : memref<128x128xf32, #tpu.memory_space<vmem>>, vector<1x16xf32>,
        %get3A_89 = arith.index_cast %scan3A_43 : i32 to index
        %get3A_90 = arith.constant 64 : index
        %get3A_91 = tpu.vector_load %arg9[%get3A_89, %get3A_90] {strides = array<i32>} : memref<128x128xf32, #tpu.memory_space<vmem>>, vector<1x16xf32>,
        %get3A_92 = vector.shape_cast %get3A_91 : vector<1x16xf32> to vector<16xf32>
        %max3A_93 = arith.constant 0.000000e+00 : f32
        %max3A_94 = vector.broadcast %max3A_93 : f32 to vector<16xf32>
        %max3A_95 = arith.maximumf %get3A_92, %max3A_94 : vector<16xf32>
        %swap3A_96 = arith.index_cast %scan3A_43 : i32 to index
        %swap3A_97 = arith.constant 64 : index
        %swap3A_98 = tpu.vector_load %arg9[%swap3A_96, %swap3A_97] {strides = array<i32>} : memref<128x128xf32, #tpu.memory_space<vmem>>, vector<1x16xf32>,
        %swap3A_99 = vector.shape_cast %swap3A_98 : vector<1x16xf32> to vector<16xf32>
        %swap3A_100 = vector.shape_cast %max3A_95 : vector<16xf32> to vector<1x16xf32>
        tpu.vector_store %arg9[%swap3A_96, %swap3A_97], %swap3A_100 {strides = array<i32>} : memref<128x128xf32, #tpu.memory_space<vmem>>, vector<1x16xf32>,
        %get3A_101 = arith.index_cast %scan3A_43 : i32 to index
        %get3A_102 = arith.constant 80 : index
        %get3A_103 = tpu.vector_load %arg9[%get3A_101, %get3A_102] {strides = array<i32>} : memref<128x128xf32, #tpu.memory_space<vmem>>, vector<1x16xf32>,
        %get3A_104 = vector.shape_cast %get3A_103 : vector<1x16xf32> to vector<16xf32>
        %max3A_105 = arith.constant 0.000000e+00 : f32
        %max3A_106 = vector.broadcast %max3A_105 : f32 to vector<16xf32>
        %max3A_107 = arith.maximumf %get3A_104, %max3A_106 : vector<16xf32>
        %swap3A_108 = arith.index_cast %scan3A_43 : i32 to index
        %swap3A_109 = arith.constant 80 : index
        %swap3A_110 = tpu.vector_load %arg9[%swap3A_108, %swap3A_109] {strides = array<i32>} : memref<128x128xf32, #tpu.memory_space<vmem>>, vector<1x16xf32>,
        %swap3A_111 = vector.shape_cast %swap3A_110 : vector<1x16xf32> to vector<16xf32>
        %swap3A_112 = vector.shape_cast %max3A_107 : vector<16xf32> to vector<1x16xf32>
        tpu.vector_store %arg9[%swap3A_108, %swap3A_109], %swap3A_112 {strides = array<i32>} : memref<128x128xf32, #tpu.memory_space<vmem>>, vector<1x16xf32>,
        %get3A_113 = arith.index_cast %scan3A_43 : i32 to index
        %get3A_114 = arith.constant 96 : index
        %get3A_115 = tpu.vector_load %arg9[%get3A_113, %get3A_114] {strides = array<i32>} : memref<128x128xf32, #tpu.memory_space<vmem>>, vector<1x16xf32>,
        %get3A_116 = vector.shape_cast %get3A_115 : vector<1x16xf32> to vector<16xf32>
        %max3A_117 = arith.constant 0.000000e+00 : f32
        %max3A_118 = vector.broadcast %max3A_117 : f32 to vector<16xf32>
        %max3A_119 = arith.maximumf %get3A_116, %max3A_118 : vector<16xf32>
        %swap3A_120 = arith.index_cast %scan3A_43 : i32 to index
        %swap3A_121 = arith.constant 96 : index
        %swap3A_122 = tpu.vector_load %arg9[%swap3A_120, %swap3A_121] {strides = array<i32>} : memref<128x128xf32, #tpu.memory_space<vmem>>, vector<1x16xf32>,
        %swap3A_123 = vector.shape_cast %swap3A_122 : vector<1x16xf32> to vector<16xf32>
        %swap3A_124 = vector.shape_cast %max3A_119 : vector<16xf32> to vector<1x16xf32>
        tpu.vector_store %arg9[%swap3A_120, %swap3A_121], %swap3A_124 {strides = array<i32>} : memref<128x128xf32, #tpu.memory_space<vmem>>, vector<1x16xf32>,
        %get3A_125 = arith.index_cast %scan3A_43 : i32 to index
        %get3A_126 = arith.constant 112 : index
        %get3A_127 = tpu.vector_load %arg9[%get3A_125, %get3A_126] {strides = array<i32>} : memref<128x128xf32, #tpu.memory_space<vmem>>, vector<1x16xf32>,
        %get3A_128 = vector.shape_cast %get3A_127 : vector<1x16xf32> to vector<16xf32>
        %max3A_129 = arith.constant 0.000000e+00 : f32
        %max3A_130 = vector.broadcast %max3A_129 : f32 to vector<16xf32>
        %max3A_131 = arith.maximumf %get3A_128, %max3A_130 : vector<16xf32>
        %swap3A_132 = arith.index_cast %scan3A_43 : i32 to index
        %swap3A_133 = arith.constant 112 : index
        %swap3A_134 = tpu.vector_load %arg9[%swap3A_132, %swap3A_133] {strides = array<i32>} : memref<128x128xf32, #tpu.memory_space<vmem>>, vector<1x16xf32>,
        %swap3A_135 = vector.shape_cast %swap3A_134 : vector<1x16xf32> to vector<16xf32>
        %swap3A_136 = vector.shape_cast %max3A_131 : vector<16xf32> to vector<1x16xf32>
        tpu.vector_store %arg9[%swap3A_132, %swap3A_133], %swap3A_136 {strides = array<i32>} : memref<128x128xf32, #tpu.memory_space<vmem>>, vector<1x16xf32>,
      }
      %scan3A_42 = arith.constant 128 : i32
      "tpu.region"() ({
        %run_scoped3A_43 = tpu.sem_alloc : memref<!tpu.dma_semaphore, #tpu.memory_space<semaphore_mem>>
        %dma_start3A_44 = arith.constant 0 : i32
        %dma_start3A_45 = arith.constant 0 : i32
        %dma_start3A_46 = tpu.memref_slice %arg11[%dma_start3A_44, %dma_start3A_45] : memref<10240x128xf32, #tpu.memory_space<vmem_shared>> -> memref<10240x128xf32, #tpu.memory_space<vmem_shared>>
        tpu.enqueue_indirect_dma source(%arg9 : memref<128x128xf32, #tpu.memory_space<vmem>>) target(%dma_start3A_46 : memref<10240x128xf32, #tpu.memory_space<vmem_shared>>) offsets(%arg8 : memref<128xi32, #tpu.memory_space<vmem>>) semaphore(%run_scoped3A_43 : memref<!tpu.dma_semaphore, #tpu.memory_space<semaphore_mem>>) {add = true}
        %dma_wait3A_47 = arith.constant 0 : i32
        %dma_wait3A_48 = arith.constant 0 : i32
        %dma_wait3A_49 = tpu.memref_slice %arg11[%dma_wait3A_47, %dma_wait3A_48] : memref<10240x128xf32, #tpu.memory_space<vmem_shared>> -> memref<10240x128xf32, #tpu.memory_space<vmem_shared>>
        tpu.wait_indirect_dma semaphore(%run_scoped3A_43 : memref<!tpu.dma_semaphore, #tpu.memory_space<semaphore_mem>>) src(%arg9 : memref<128x128xf32, #tpu.memory_space<vmem>>) dst(%dma_wait3A_49 : memref<10240x128xf32, #tpu.memory_space<vmem_shared>>)
        tpu.yield
      }) : () -> ()
    }
    %scan3A_19 = arith.constant 79 : i32
    %barrier3A_20 = arith.constant 0 : index
    tpu.barrier barrier_id(%barrier3A_20)
    %scan3A_21 = arith.constant 0 : i32
    %scan3A_22 = arith.constant 0 : i32
    %scan3A_23 = arith.constant 5 : i32
    %scan3A_24 = arith.addi %scan3A_22, %scan3A_23 : i32
    %scan3A_25 = arith.constant 1 : i32
    scf.for %scan3A_27 = %scan3A_22 to %scan3A_24 step %scan3A_25  : i32 {
      %mul3A_28 = arith.constant 128 : i32
      %mul3A_29 = arith.muli %scan3A_27, %mul3A_28 : i32
      %add3A_30 = arith.addi %mul3A_2, %mul3A_29 : i32
      "tpu.region"() ({
        %run_scoped3A = tpu.sem_alloc : memref<!tpu.dma_semaphore, #tpu.memory_space<semaphore_mem>>
        %dma_start3A = arith.constant 0 : i32
        %dma_start3A_38 = tpu.memref_slice %arg11[%add3A_30, %dma_start3A] : memref<10240x128xf32, #tpu.memory_space<vmem_shared>> -> memref<128x128xf32, #tpu.memory_space<vmem_shared>>
        %dma_start3A_39 = arith.constant 0 : i32
        %dma_start3A_40 = tpu.memref_slice %arg11[%add3A_30, %dma_start3A_39] : memref<10240x128xf32, #tpu.memory_space<vmem_shared>> -> memref<128x128xf32, #tpu.memory_space<vmem_shared>>
        tpu.enqueue_dma source(%dma_start3A_40 : memref<128x128xf32, #tpu.memory_space<vmem_shared>>) target(%arg9 : memref<128x128xf32, #tpu.memory_space<vmem>>) target_semaphore(%run_scoped3A : memref<!tpu.dma_semaphore, #tpu.memory_space<semaphore_mem>>)
        %dma_wait3A = arith.constant 0 : i32
        %dma_wait3A_41 = tpu.memref_slice %arg11[%add3A_30, %dma_wait3A] : memref<10240x128xf32, #tpu.memory_space<vmem_shared>> -> memref<128x128xf32, #tpu.memory_space<vmem_shared>>
        %dma_wait3A_42 = arith.constant 0 : i32
        %dma_wait3A_43 = tpu.memref_slice %arg11[%add3A_30, %dma_wait3A_42] : memref<10240x128xf32, #tpu.memory_space<vmem_shared>> -> memref<128x128xf32, #tpu.memory_space<vmem_shared>>
        tpu.wait_dma2 semaphore(%run_scoped3A : memref<!tpu.dma_semaphore, #tpu.memory_space<semaphore_mem>>) src(%dma_wait3A_43 : memref<128x128xf32, #tpu.memory_space<vmem_shared>>) dst(%arg9 : memref<128x128xf32, #tpu.memory_space<vmem>>)
        tpu.yield
      }) : () -> ()
      %eq3A = arith.constant 0 : i32
      %eq3A_31 = arith.cmpi eq, %arg0, %eq3A : i32
      %convert_element_type3A = arith.extui %eq3A_31 : i1 to i32
      %cond3A = arith.constant 0 : i32
      %cond3A_32 = arith.cmpi ne, %convert_element_type3A, %cond3A : i32
      scf.if %cond3A_32 {
        %run_scoped3A = arith.constant 0 : i32
        "tpu.region"() ({
          %run_scoped3A_38 = tpu.sem_alloc : memref<!tpu.dma_semaphore, #tpu.memory_space<semaphore_mem>>
          %dma_start3A = arith.constant 0 : i32
          %dma_start3A_39 = tpu.memref_slice %arg6[%run_scoped3A, %add3A_30, %dma_start3A] : memref<2x10240x128xf32, #tpu.memory_space<hbm>> -> memref<1x128x128xf32, #tpu.memory_space<hbm>>
          %dma_start3A_40 = tpu.memref_squeeze %dma_start3A_39 : memref<1x128x128xf32, #tpu.memory_space<hbm>> -> memref<128x128xf32, #tpu.memory_space<hbm>>
          %dma_start3A_41 = arith.constant 0 : i32
          %dma_start3A_42 = tpu.memref_slice %arg6[%run_scoped3A, %add3A_30, %dma_start3A_41] : memref<2x10240x128xf32, #tpu.memory_space<hbm>> -> memref<1x128x128xf32, #tpu.memory_space<hbm>>
          %dma_start3A_43 = tpu.memref_squeeze %dma_start3A_42 : memref<1x128x128xf32, #tpu.memory_space<hbm>> -> memref<128x128xf32, #tpu.memory_space<hbm>>
          tpu.enqueue_dma source(%arg9 : memref<128x128xf32, #tpu.memory_space<vmem>>) target(%dma_start3A_43 : memref<128x128xf32, #tpu.memory_space<hbm>>) target_semaphore(%run_scoped3A_38 : memref<!tpu.dma_semaphore, #tpu.memory_space<semaphore_mem>>)
          %dma_wait3A = arith.constant 0 : i32
          %dma_wait3A_44 = tpu.memref_slice %arg6[%run_scoped3A, %add3A_30, %dma_wait3A] : memref<2x10240x128xf32, #tpu.memory_space<hbm>> -> memref<1x128x128xf32, #tpu.memory_space<hbm>>
          %dma_wait3A_45 = tpu.memref_squeeze %dma_wait3A_44 : memref<1x128x128xf32, #tpu.memory_space<hbm>> -> memref<128x128xf32, #tpu.memory_space<hbm>>
          %dma_wait3A_46 = arith.constant 0 : i32
          %dma_wait3A_47 = tpu.memref_slice %arg6[%run_scoped3A, %add3A_30, %dma_wait3A_46] : memref<2x10240x128xf32, #tpu.memory_space<hbm>> -> memref<1x128x128xf32, #tpu.memory_space<hbm>>
          %dma_wait3A_48 = tpu.memref_squeeze %dma_wait3A_47 : memref<1x128x128xf32, #tpu.memory_space<hbm>> -> memref<128x128xf32, #tpu.memory_space<hbm>>
          tpu.wait_dma2 semaphore(%run_scoped3A_38 : memref<!tpu.dma_semaphore, #tpu.memory_space<semaphore_mem>>) src(%arg9 : memref<128x128xf32, #tpu.memory_space<vmem>>) dst(%dma_wait3A_48 : memref<128x128xf32, #tpu.memory_space<hbm>>)
          tpu.yield
        }) : () -> ()
      } else {
      }
      %eq3A_33 = arith.constant 1 : i32
      %eq3A_34 = arith.cmpi eq, %arg0, %eq3A_33 : i32
      %convert_element_type3A_35 = arith.extui %eq3A_34 : i1 to i32
      %cond3A_36 = arith.constant 0 : i32
      %cond3A_37 = arith.cmpi ne, %convert_element_type3A_35, %cond3A_36 : i32
      scf.if %cond3A_37 {
        %run_scoped3A = arith.constant 1 : i32
        "tpu.region"() ({
          %run_scoped3A_38 = tpu.sem_alloc : memref<!tpu.dma_semaphore, #tpu.memory_space<semaphore_mem>>
          %dma_start3A = arith.constant 0 : i32
          %dma_start3A_39 = tpu.memref_slice %arg6[%run_scoped3A, %add3A_30, %dma_start3A] : memref<2x10240x128xf32, #tpu.memory_space<hbm>> -> memref<1x128x128xf32, #tpu.memory_space<hbm>>
          %dma_start3A_40 = tpu.memref_squeeze %dma_start3A_39 : memref<1x128x128xf32, #tpu.memory_space<hbm>> -> memref<128x128xf32, #tpu.memory_space<hbm>>
          %dma_start3A_41 = arith.constant 0 : i32
          %dma_start3A_42 = tpu.memref_slice %arg6[%run_scoped3A, %add3A_30, %dma_start3A_41] : memref<2x10240x128xf32, #tpu.memory_space<hbm>> -> memref<1x128x128xf32, #tpu.memory_space<hbm>>
          %dma_start3A_43 = tpu.memref_squeeze %dma_start3A_42 : memref<1x128x128xf32, #tpu.memory_space<hbm>> -> memref<128x128xf32, #tpu.memory_space<hbm>>
          tpu.enqueue_dma source(%arg9 : memref<128x128xf32, #tpu.memory_space<vmem>>) target(%dma_start3A_43 : memref<128x128xf32, #tpu.memory_space<hbm>>) target_semaphore(%run_scoped3A_38 : memref<!tpu.dma_semaphore, #tpu.memory_space<semaphore_mem>>)
          %dma_wait3A = arith.constant 0 : i32
          %dma_wait3A_44 = tpu.memref_slice %arg6[%run_scoped3A, %add3A_30, %dma_wait3A] : memref<2x10240x128xf32, #tpu.memory_space<hbm>> -> memref<1x128x128xf32, #tpu.memory_space<hbm>>
          %dma_wait3A_45 = tpu.memref_squeeze %dma_wait3A_44 : memref<1x128x128xf32, #tpu.memory_space<hbm>> -> memref<128x128xf32, #tpu.memory_space<hbm>>
          %dma_wait3A_46 = arith.constant 0 : i32
          %dma_wait3A_47 = tpu.memref_slice %arg6[%run_scoped3A, %add3A_30, %dma_wait3A_46] : memref<2x10240x128xf32, #tpu.memory_space<hbm>> -> memref<1x128x128xf32, #tpu.memory_space<hbm>>
          %dma_wait3A_48 = tpu.memref_squeeze %dma_wait3A_47 : memref<1x128x128xf32, #tpu.memory_space<hbm>> -> memref<128x128xf32, #tpu.memory_space<hbm>>
          tpu.wait_dma2 semaphore(%run_scoped3A_38 : memref<!tpu.dma_semaphore, #tpu.memory_space<semaphore_mem>>) src(%arg9 : memref<128x128xf32, #tpu.memory_space<vmem>>) dst(%dma_wait3A_48 : memref<128x128xf32, #tpu.memory_space<hbm>>)
          tpu.yield
        }) : () -> ()
      } else {
      }
    }
    %scan3A_26 = arith.constant 5 : i32
    return
  }
}

#map = affine_map<(d0, d1) -> (0, 0)>
#map1 = affine_map<(d0, d1) -> (0, 0, 0)>
#map2 = affine_map<(d0, d1) -> (0)>
module attributes {stable_mosaic.version = 14 : i64} {
  func.func @_sc_body(%arg0: i32, %arg1: i32, %arg2: memref<10000x128xf32, #tpu.memory_space<hbm>>, %arg3: memref<3x323584x128xf32, #tpu.memory_space<hbm>>, %arg4: memref<323584xi32, #tpu.memory_space<hbm>>, %arg5: memref<323584xi32, #tpu.memory_space<hbm>>, %arg6: memref<2x10240x128xf32, #tpu.memory_space<hbm>>, %arg7: memref<128xi32, #tpu.memory_space<vmem>>, %arg8: memref<128xi32, #tpu.memory_space<vmem>>, %arg9: memref<128x128xf32, #tpu.memory_space<vmem>>, %arg10: memref<!tpu.dma_semaphore, #tpu.memory_space<semaphore_mem>>, %arg11: memref<10240x128xf32, #tpu.memory_space<vmem_shared>>) attributes {dimension_semantics = [#tpu.dimension_semantics<core_parallel>, #tpu.dimension_semantics<subcore_parallel>], iteration_bounds = array<i64: 2, 16>, scalar_prefetch = 0 : i64, scratch_operands = 5 : i64, tpu.core_type = #tpu.core_type<sc_vector_subcore>, window_params = [{transform_indices = #map}, {transform_indices = #map1}, {transform_indices = #map2}, {transform_indices = #map2}, {transform_indices = #map1}]} {
    %mul3A = arith.constant 16 : i32
    %mul3A_0 = arith.muli %arg0, %mul3A : i32
    %add3A = arith.addi %mul3A_0, %arg1 : i32
    %mul3A_1 = arith.constant 640 : i32
    %mul3A_2 = arith.muli %arg1, %mul3A_1 : i32
    %scan3A = arith.constant 0 : i32
    %scan3A_3 = arith.constant 0 : i32
    %scan3A_4 = arith.constant 128 : i32
    %scan3A_5 = arith.addi %scan3A_3, %scan3A_4 : i32
    %scan3A_6 = arith.constant 1 : i32
    scf.for %scan3A_27 = %scan3A_3 to %scan3A_5 step %scan3A_6  : i32 {
      %broadcast_in_dim3A = arith.constant 0.000000e+00 : f32
      %broadcast_in_dim3A_28 = vector.broadcast %broadcast_in_dim3A : f32 to vector<16xf32>
      %swap3A = arith.index_cast %scan3A_27 : i32 to index
      %swap3A_29 = arith.constant 0 : index
      %swap3A_30 = tpu.vector_load %arg9[%swap3A, %swap3A_29] {strides = array<i32>} : memref<128x128xf32, #tpu.memory_space<vmem>>, vector<1x16xf32>,
      %swap3A_31 = vector.shape_cast %swap3A_30 : vector<1x16xf32> to vector<16xf32>
      %swap3A_32 = vector.shape_cast %broadcast_in_dim3A_28 : vector<16xf32> to vector<1x16xf32>
      tpu.vector_store %arg9[%swap3A, %swap3A_29], %swap3A_32 {strides = array<i32>} : memref<128x128xf32, #tpu.memory_space<vmem>>, vector<1x16xf32>,
      %broadcast_in_dim3A_33 = arith.constant 0.000000e+00 : f32
      %broadcast_in_dim3A_34 = vector.broadcast %broadcast_in_dim3A_33 : f32 to vector<16xf32>
      %swap3A_35 = arith.index_cast %scan3A_27 : i32 to index
      %swap3A_36 = arith.constant 16 : index
      %swap3A_37 = tpu.vector_load %arg9[%swap3A_35, %swap3A_36] {strides = array<i32>} : memref<128x128xf32, #tpu.memory_space<vmem>>, vector<1x16xf32>,
      %swap3A_38 = vector.shape_cast %swap3A_37 : vector<1x16xf32> to vector<16xf32>
      %swap3A_39 = vector.shape_cast %broadcast_in_dim3A_34 : vector<16xf32> to vector<1x16xf32>
      tpu.vector_store %arg9[%swap3A_35, %swap3A_36], %swap3A_39 {strides = array<i32>} : memref<128x128xf32, #tpu.memory_space<vmem>>, vector<1x16xf32>,
      %broadcast_in_dim3A_40 = arith.constant 0.000000e+00 : f32
      %broadcast_in_dim3A_41 = vector.broadcast %broadcast_in_dim3A_40 : f32 to vector<16xf32>
      %swap3A_42 = arith.index_cast %scan3A_27 : i32 to index
      %swap3A_43 = arith.constant 32 : index
      %swap3A_44 = tpu.vector_load %arg9[%swap3A_42, %swap3A_43] {strides = array<i32>} : memref<128x128xf32, #tpu.memory_space<vmem>>, vector<1x16xf32>,
      %swap3A_45 = vector.shape_cast %swap3A_44 : vector<1x16xf32> to vector<16xf32>
      %swap3A_46 = vector.shape_cast %broadcast_in_dim3A_41 : vector<16xf32> to vector<1x16xf32>
      tpu.vector_store %arg9[%swap3A_42, %swap3A_43], %swap3A_46 {strides = array<i32>} : memref<128x128xf32, #tpu.memory_space<vmem>>, vector<1x16xf32>,
      %broadcast_in_dim3A_47 = arith.constant 0.000000e+00 : f32
      %broadcast_in_dim3A_48 = vector.broadcast %broadcast_in_dim3A_47 : f32 to vector<16xf32>
      %swap3A_49 = arith.index_cast %scan3A_27 : i32 to index
      %swap3A_50 = arith.constant 48 : index
      %swap3A_51 = tpu.vector_load %arg9[%swap3A_49, %swap3A_50] {strides = array<i32>} : memref<128x128xf32, #tpu.memory_space<vmem>>, vector<1x16xf32>,
      %swap3A_52 = vector.shape_cast %swap3A_51 : vector<1x16xf32> to vector<16xf32>
      %swap3A_53 = vector.shape_cast %broadcast_in_dim3A_48 : vector<16xf32> to vector<1x16xf32>
      tpu.vector_store %arg9[%swap3A_49, %swap3A_50], %swap3A_53 {strides = array<i32>} : memref<128x128xf32, #tpu.memory_space<vmem>>, vector<1x16xf32>,
      %broadcast_in_dim3A_54 = arith.constant 0.000000e+00 : f32
      %broadcast_in_dim3A_55 = vector.broadcast %broadcast_in_dim3A_54 : f32 to vector<16xf32>
      %swap3A_56 = arith.index_cast %scan3A_27 : i32 to index
      %swap3A_57 = arith.constant 64 : index
      %swap3A_58 = tpu.vector_load %arg9[%swap3A_56, %swap3A_57] {strides = array<i32>} : memref<128x128xf32, #tpu.memory_space<vmem>>, vector<1x16xf32>,
      %swap3A_59 = vector.shape_cast %swap3A_58 : vector<1x16xf32> to vector<16xf32>
      %swap3A_60 = vector.shape_cast %broadcast_in_dim3A_55 : vector<16xf32> to vector<1x16xf32>
      tpu.vector_store %arg9[%swap3A_56, %swap3A_57], %swap3A_60 {strides = array<i32>} : memref<128x128xf32, #tpu.memory_space<vmem>>, vector<1x16xf32>,
      %broadcast_in_dim3A_61 = arith.constant 0.000000e+00 : f32
      %broadcast_in_dim3A_62 = vector.broadcast %broadcast_in_dim3A_61 : f32 to vector<16xf32>
      %swap3A_63 = arith.index_cast %scan3A_27 : i32 to index
      %swap3A_64 = arith.constant 80 : index
      %swap3A_65 = tpu.vector_load %arg9[%swap3A_63, %swap3A_64] {strides = array<i32>} : memref<128x128xf32, #tpu.memory_space<vmem>>, vector<1x16xf32>,
      %swap3A_66 = vector.shape_cast %swap3A_65 : vector<1x16xf32> to vector<16xf32>
      %swap3A_67 = vector.shape_cast %broadcast_in_dim3A_62 : vector<16xf32> to vector<1x16xf32>
      tpu.vector_store %arg9[%swap3A_63, %swap3A_64], %swap3A_67 {strides = array<i32>} : memref<128x128xf32, #tpu.memory_space<vmem>>, vector<1x16xf32>,
      %broadcast_in_dim3A_68 = arith.constant 0.000000e+00 : f32
      %broadcast_in_dim3A_69 = vector.broadcast %broadcast_in_dim3A_68 : f32 to vector<16xf32>
      %swap3A_70 = arith.index_cast %scan3A_27 : i32 to index
      %swap3A_71 = arith.constant 96 : index
      %swap3A_72 = tpu.vector_load %arg9[%swap3A_70, %swap3A_71] {strides = array<i32>} : memref<128x128xf32, #tpu.memory_space<vmem>>, vector<1x16xf32>,
      %swap3A_73 = vector.shape_cast %swap3A_72 : vector<1x16xf32> to vector<16xf32>
      %swap3A_74 = vector.shape_cast %broadcast_in_dim3A_69 : vector<16xf32> to vector<1x16xf32>
      tpu.vector_store %arg9[%swap3A_70, %swap3A_71], %swap3A_74 {strides = array<i32>} : memref<128x128xf32, #tpu.memory_space<vmem>>, vector<1x16xf32>,
      %broadcast_in_dim3A_75 = arith.constant 0.000000e+00 : f32
      %broadcast_in_dim3A_76 = vector.broadcast %broadcast_in_dim3A_75 : f32 to vector<16xf32>
      %swap3A_77 = arith.index_cast %scan3A_27 : i32 to index
      %swap3A_78 = arith.constant 112 : index
      %swap3A_79 = tpu.vector_load %arg9[%swap3A_77, %swap3A_78] {strides = array<i32>} : memref<128x128xf32, #tpu.memory_space<vmem>>, vector<1x16xf32>,
      %swap3A_80 = vector.shape_cast %swap3A_79 : vector<1x16xf32> to vector<16xf32>
      %swap3A_81 = vector.shape_cast %broadcast_in_dim3A_76 : vector<16xf32> to vector<1x16xf32>
      tpu.vector_store %arg9[%swap3A_77, %swap3A_78], %swap3A_81 {strides = array<i32>} : memref<128x128xf32, #tpu.memory_space<vmem>>, vector<1x16xf32>,
    }
    %scan3A_7 = arith.constant 128 : i32
    %scan3A_8 = arith.constant 0 : i32
    %scan3A_9 = arith.constant 0 : i32
    %scan3A_10 = arith.constant 5 : i32
    %scan3A_11 = arith.addi %scan3A_9, %scan3A_10 : i32
    %scan3A_12 = arith.constant 1 : i32
    scf.for %scan3A_27 = %scan3A_9 to %scan3A_11 step %scan3A_12  : i32 {
      %mul3A_28 = arith.constant 128 : i32
      %mul3A_29 = arith.muli %scan3A_27, %mul3A_28 : i32
      %add3A_30 = arith.addi %mul3A_2, %mul3A_29 : i32
      "tpu.region"() ({
        %run_scoped3A = tpu.sem_alloc : memref<!tpu.dma_semaphore, #tpu.memory_space<semaphore_mem>>
        %dma_start3A = arith.constant 0 : i32
        %dma_start3A_31 = tpu.memref_slice %arg11[%add3A_30, %dma_start3A] : memref<10240x128xf32, #tpu.memory_space<vmem_shared>> -> memref<128x128xf32, #tpu.memory_space<vmem_shared>>
        %dma_start3A_32 = arith.constant 0 : i32
        %dma_start3A_33 = tpu.memref_slice %arg11[%add3A_30, %dma_start3A_32] : memref<10240x128xf32, #tpu.memory_space<vmem_shared>> -> memref<128x128xf32, #tpu.memory_space<vmem_shared>>
        tpu.enqueue_dma source(%arg9 : memref<128x128xf32, #tpu.memory_space<vmem>>) target(%dma_start3A_33 : memref<128x128xf32, #tpu.memory_space<vmem_shared>>) target_semaphore(%run_scoped3A : memref<!tpu.dma_semaphore, #tpu.memory_space<semaphore_mem>>)
        %dma_wait3A = arith.constant 0 : i32
        %dma_wait3A_34 = tpu.memref_slice %arg11[%add3A_30, %dma_wait3A] : memref<10240x128xf32, #tpu.memory_space<vmem_shared>> -> memref<128x128xf32, #tpu.memory_space<vmem_shared>>
        %dma_wait3A_35 = arith.constant 0 : i32
        %dma_wait3A_36 = tpu.memref_slice %arg11[%add3A_30, %dma_wait3A_35] : memref<10240x128xf32, #tpu.memory_space<vmem_shared>> -> memref<128x128xf32, #tpu.memory_space<vmem_shared>>
        tpu.wait_dma2 semaphore(%run_scoped3A : memref<!tpu.dma_semaphore, #tpu.memory_space<semaphore_mem>>) src(%arg9 : memref<128x128xf32, #tpu.memory_space<vmem>>) dst(%dma_wait3A_36 : memref<128x128xf32, #tpu.memory_space<vmem_shared>>)
        tpu.yield
      }) : () -> ()
    }
    %scan3A_13 = arith.constant 5 : i32
    %barrier3A = arith.constant 0 : index
    tpu.barrier barrier_id(%barrier3A)
    %scan3A_14 = arith.constant 0 : i32
    %scan3A_15 = arith.constant 0 : i32
    %scan3A_16 = arith.constant 79 : i32
    %scan3A_17 = arith.addi %scan3A_15, %scan3A_16 : i32
    %scan3A_18 = arith.constant 1 : i32
    scf.for %scan3A_27 = %scan3A_15 to %scan3A_17 step %scan3A_18  : i32 {
      %mul3A_28 = arith.constant 10112 : i32
      %mul3A_29 = arith.muli %add3A, %mul3A_28 : i32
      %mul3A_30 = arith.constant 128 : i32
      %mul3A_31 = arith.muli %scan3A_27, %mul3A_30 : i32
      %add3A_32 = arith.addi %mul3A_29, %mul3A_31 : i32
      "tpu.region"() ({
        %run_scoped3A_43 = tpu.sem_alloc : memref<!tpu.dma_semaphore, #tpu.memory_space<semaphore_mem>>
        %dma_start3A_44 = tpu.memref_slice %arg4[%add3A_32] : memref<323584xi32, #tpu.memory_space<hbm>> -> memref<128xi32, #tpu.memory_space<hbm>>
        %dma_start3A_45 = tpu.memref_slice %arg4[%add3A_32] : memref<323584xi32, #tpu.memory_space<hbm>> -> memref<128xi32, #tpu.memory_space<hbm>>
        tpu.enqueue_dma source(%dma_start3A_45 : memref<128xi32, #tpu.memory_space<hbm>>) target(%arg7 : memref<128xi32, #tpu.memory_space<vmem>>) target_semaphore(%run_scoped3A_43 : memref<!tpu.dma_semaphore, #tpu.memory_space<semaphore_mem>>)
        %dma_wait3A_46 = tpu.memref_slice %arg4[%add3A_32] : memref<323584xi32, #tpu.memory_space<hbm>> -> memref<128xi32, #tpu.memory_space<hbm>>
        %dma_wait3A_47 = tpu.memref_slice %arg4[%add3A_32] : memref<323584xi32, #tpu.memory_space<hbm>> -> memref<128xi32, #tpu.memory_space<hbm>>
        tpu.wait_dma2 semaphore(%run_scoped3A_43 : memref<!tpu.dma_semaphore, #tpu.memory_space<semaphore_mem>>) src(%dma_wait3A_47 : memref<128xi32, #tpu.memory_space<hbm>>) dst(%arg7 : memref<128xi32, #tpu.memory_space<vmem>>)
        tpu.yield
      }) : () -> ()
      "tpu.region"() ({
        %run_scoped3A_43 = tpu.sem_alloc : memref<!tpu.dma_semaphore, #tpu.memory_space<semaphore_mem>>
        %dma_start3A_44 = tpu.memref_slice %arg5[%add3A_32] : memref<323584xi32, #tpu.memory_space<hbm>> -> memref<128xi32, #tpu.memory_space<hbm>>
        %dma_start3A_45 = tpu.memref_slice %arg5[%add3A_32] : memref<323584xi32, #tpu.memory_space<hbm>> -> memref<128xi32, #tpu.memory_space<hbm>>
        tpu.enqueue_dma source(%dma_start3A_45 : memref<128xi32, #tpu.memory_space<hbm>>) target(%arg8 : memref<128xi32, #tpu.memory_space<vmem>>) target_semaphore(%run_scoped3A_43 : memref<!tpu.dma_semaphore, #tpu.memory_space<semaphore_mem>>)
        %dma_wait3A_46 = tpu.memref_slice %arg5[%add3A_32] : memref<323584xi32, #tpu.memory_space<hbm>> -> memref<128xi32, #tpu.memory_space<hbm>>
        %dma_wait3A_47 = tpu.memref_slice %arg5[%add3A_32] : memref<323584xi32, #tpu.memory_space<hbm>> -> memref<128xi32, #tpu.memory_space<hbm>>
        tpu.wait_dma2 semaphore(%run_scoped3A_43 : memref<!tpu.dma_semaphore, #tpu.memory_space<semaphore_mem>>) src(%dma_wait3A_47 : memref<128xi32, #tpu.memory_space<hbm>>) dst(%arg8 : memref<128xi32, #tpu.memory_space<vmem>>)
        tpu.yield
      }) : () -> ()
      %run_scoped3A = arith.constant 0 : i32
      "tpu.region"() ({
        %run_scoped3A_43 = tpu.sem_alloc : memref<!tpu.dma_semaphore, #tpu.memory_space<semaphore_mem>>
        %dma_start3A_44 = arith.constant 0 : i32
        %dma_start3A_45 = tpu.memref_slice %arg3[%run_scoped3A, %add3A_32, %dma_start3A_44] : memref<3x323584x128xf32, #tpu.memory_space<hbm>> -> memref<1x128x128xf32, #tpu.memory_space<hbm>>
        %dma_start3A_46 = tpu.memref_squeeze %dma_start3A_45 : memref<1x128x128xf32, #tpu.memory_space<hbm>> -> memref<128x128xf32, #tpu.memory_space<hbm>>
        %dma_start3A_47 = arith.constant 0 : i32
        %dma_start3A_48 = tpu.memref_slice %arg3[%run_scoped3A, %add3A_32, %dma_start3A_47] : memref<3x323584x128xf32, #tpu.memory_space<hbm>> -> memref<1x128x128xf32, #tpu.memory_space<hbm>>
        %dma_start3A_49 = tpu.memref_squeeze %dma_start3A_48 : memref<1x128x128xf32, #tpu.memory_space<hbm>> -> memref<128x128xf32, #tpu.memory_space<hbm>>
        tpu.enqueue_dma source(%dma_start3A_49 : memref<128x128xf32, #tpu.memory_space<hbm>>) target(%arg9 : memref<128x128xf32, #tpu.memory_space<vmem>>) target_semaphore(%run_scoped3A_43 : memref<!tpu.dma_semaphore, #tpu.memory_space<semaphore_mem>>)
        %dma_wait3A_50 = arith.constant 0 : i32
        %dma_wait3A_51 = tpu.memref_slice %arg3[%run_scoped3A, %add3A_32, %dma_wait3A_50] : memref<3x323584x128xf32, #tpu.memory_space<hbm>> -> memref<1x128x128xf32, #tpu.memory_space<hbm>>
        %dma_wait3A_52 = tpu.memref_squeeze %dma_wait3A_51 : memref<1x128x128xf32, #tpu.memory_space<hbm>> -> memref<128x128xf32, #tpu.memory_space<hbm>>
        %dma_wait3A_53 = arith.constant 0 : i32
        %dma_wait3A_54 = tpu.memref_slice %arg3[%run_scoped3A, %add3A_32, %dma_wait3A_53] : memref<3x323584x128xf32, #tpu.memory_space<hbm>> -> memref<1x128x128xf32, #tpu.memory_space<hbm>>
        %dma_wait3A_55 = tpu.memref_squeeze %dma_wait3A_54 : memref<1x128x128xf32, #tpu.memory_space<hbm>> -> memref<128x128xf32, #tpu.memory_space<hbm>>
        tpu.wait_dma2 semaphore(%run_scoped3A_43 : memref<!tpu.dma_semaphore, #tpu.memory_space<semaphore_mem>>) src(%dma_wait3A_55 : memref<128x128xf32, #tpu.memory_space<hbm>>) dst(%arg9 : memref<128x128xf32, #tpu.memory_space<vmem>>)
        tpu.yield
      }) : () -> ()
      %dma_start3A = arith.constant 0 : i32
      %dma_start3A_33 = arith.constant 0 : i32
      %dma_start3A_34 = tpu.memref_slice %arg2[%dma_start3A, %dma_start3A_33] : memref<10000x128xf32, #tpu.memory_space<hbm>> -> memref<10000x128xf32, #tpu.memory_space<hbm>>
      tpu.enqueue_indirect_dma source(%dma_start3A_34 : memref<10000x128xf32, #tpu.memory_space<hbm>>) target(%arg9 : memref<128x128xf32, #tpu.memory_space<vmem>>) offsets(%arg7 : memref<128xi32, #tpu.memory_space<vmem>>) semaphore(%arg10 : memref<!tpu.dma_semaphore, #tpu.memory_space<semaphore_mem>>) {add = true}
      %dma_wait3A = arith.constant 0 : i32
      %dma_wait3A_35 = arith.constant 0 : i32
      %dma_wait3A_36 = tpu.memref_slice %arg2[%dma_wait3A, %dma_wait3A_35] : memref<10000x128xf32, #tpu.memory_space<hbm>> -> memref<10000x128xf32, #tpu.memory_space<hbm>>
      tpu.wait_indirect_dma semaphore(%arg10 : memref<!tpu.dma_semaphore, #tpu.memory_space<semaphore_mem>>) src(%dma_wait3A_36 : memref<10000x128xf32, #tpu.memory_space<hbm>>) dst(%arg9 : memref<128x128xf32, #tpu.memory_space<vmem>>)
      %scan3A_37 = arith.constant 0 : i32
      %scan3A_38 = arith.constant 0 : i32
      %scan3A_39 = arith.constant 128 : i32
      %scan3A_40 = arith.addi %scan3A_38, %scan3A_39 : i32
      %scan3A_41 = arith.constant 1 : i32
      scf.for %scan3A_43 = %scan3A_38 to %scan3A_40 step %scan3A_41  : i32 {
        %get3A = arith.index_cast %scan3A_43 : i32 to index
        %get3A_44 = arith.constant 0 : index
        %get3A_45 = tpu.vector_load %arg9[%get3A, %get3A_44] {strides = array<i32>} : memref<128x128xf32, #tpu.memory_space<vmem>>, vector<1x16xf32>,
        %get3A_46 = vector.shape_cast %get3A_45 : vector<1x16xf32> to vector<16xf32>
        %max3A = arith.constant 0.000000e+00 : f32
        %max3A_47 = vector.broadcast %max3A : f32 to vector<16xf32>
        %max3A_48 = arith.maximumf %get3A_46, %max3A_47 : vector<16xf32>
        %swap3A = arith.index_cast %scan3A_43 : i32 to index
        %swap3A_49 = arith.constant 0 : index
        %swap3A_50 = tpu.vector_load %arg9[%swap3A, %swap3A_49] {strides = array<i32>} : memref<128x128xf32, #tpu.memory_space<vmem>>, vector<1x16xf32>,
        %swap3A_51 = vector.shape_cast %swap3A_50 : vector<1x16xf32> to vector<16xf32>
        %swap3A_52 = vector.shape_cast %max3A_48 : vector<16xf32> to vector<1x16xf32>
        tpu.vector_store %arg9[%swap3A, %swap3A_49], %swap3A_52 {strides = array<i32>} : memref<128x128xf32, #tpu.memory_space<vmem>>, vector<1x16xf32>,
        %get3A_53 = arith.index_cast %scan3A_43 : i32 to index
        %get3A_54 = arith.constant 16 : index
        %get3A_55 = tpu.vector_load %arg9[%get3A_53, %get3A_54] {strides = array<i32>} : memref<128x128xf32, #tpu.memory_space<vmem>>, vector<1x16xf32>,
        %get3A_56 = vector.shape_cast %get3A_55 : vector<1x16xf32> to vector<16xf32>
        %max3A_57 = arith.constant 0.000000e+00 : f32
        %max3A_58 = vector.broadcast %max3A_57 : f32 to vector<16xf32>
        %max3A_59 = arith.maximumf %get3A_56, %max3A_58 : vector<16xf32>
        %swap3A_60 = arith.index_cast %scan3A_43 : i32 to index
        %swap3A_61 = arith.constant 16 : index
        %swap3A_62 = tpu.vector_load %arg9[%swap3A_60, %swap3A_61] {strides = array<i32>} : memref<128x128xf32, #tpu.memory_space<vmem>>, vector<1x16xf32>,
        %swap3A_63 = vector.shape_cast %swap3A_62 : vector<1x16xf32> to vector<16xf32>
        %swap3A_64 = vector.shape_cast %max3A_59 : vector<16xf32> to vector<1x16xf32>
        tpu.vector_store %arg9[%swap3A_60, %swap3A_61], %swap3A_64 {strides = array<i32>} : memref<128x128xf32, #tpu.memory_space<vmem>>, vector<1x16xf32>,
        %get3A_65 = arith.index_cast %scan3A_43 : i32 to index
        %get3A_66 = arith.constant 32 : index
        %get3A_67 = tpu.vector_load %arg9[%get3A_65, %get3A_66] {strides = array<i32>} : memref<128x128xf32, #tpu.memory_space<vmem>>, vector<1x16xf32>,
        %get3A_68 = vector.shape_cast %get3A_67 : vector<1x16xf32> to vector<16xf32>
        %max3A_69 = arith.constant 0.000000e+00 : f32
        %max3A_70 = vector.broadcast %max3A_69 : f32 to vector<16xf32>
        %max3A_71 = arith.maximumf %get3A_68, %max3A_70 : vector<16xf32>
        %swap3A_72 = arith.index_cast %scan3A_43 : i32 to index
        %swap3A_73 = arith.constant 32 : index
        %swap3A_74 = tpu.vector_load %arg9[%swap3A_72, %swap3A_73] {strides = array<i32>} : memref<128x128xf32, #tpu.memory_space<vmem>>, vector<1x16xf32>,
        %swap3A_75 = vector.shape_cast %swap3A_74 : vector<1x16xf32> to vector<16xf32>
        %swap3A_76 = vector.shape_cast %max3A_71 : vector<16xf32> to vector<1x16xf32>
        tpu.vector_store %arg9[%swap3A_72, %swap3A_73], %swap3A_76 {strides = array<i32>} : memref<128x128xf32, #tpu.memory_space<vmem>>, vector<1x16xf32>,
        %get3A_77 = arith.index_cast %scan3A_43 : i32 to index
        %get3A_78 = arith.constant 48 : index
        %get3A_79 = tpu.vector_load %arg9[%get3A_77, %get3A_78] {strides = array<i32>} : memref<128x128xf32, #tpu.memory_space<vmem>>, vector<1x16xf32>,
        %get3A_80 = vector.shape_cast %get3A_79 : vector<1x16xf32> to vector<16xf32>
        %max3A_81 = arith.constant 0.000000e+00 : f32
        %max3A_82 = vector.broadcast %max3A_81 : f32 to vector<16xf32>
        %max3A_83 = arith.maximumf %get3A_80, %max3A_82 : vector<16xf32>
        %swap3A_84 = arith.index_cast %scan3A_43 : i32 to index
        %swap3A_85 = arith.constant 48 : index
        %swap3A_86 = tpu.vector_load %arg9[%swap3A_84, %swap3A_85] {strides = array<i32>} : memref<128x128xf32, #tpu.memory_space<vmem>>, vector<1x16xf32>,
        %swap3A_87 = vector.shape_cast %swap3A_86 : vector<1x16xf32> to vector<16xf32>
        %swap3A_88 = vector.shape_cast %max3A_83 : vector<16xf32> to vector<1x16xf32>
        tpu.vector_store %arg9[%swap3A_84, %swap3A_85], %swap3A_88 {strides = array<i32>} : memref<128x128xf32, #tpu.memory_space<vmem>>, vector<1x16xf32>,
        %get3A_89 = arith.index_cast %scan3A_43 : i32 to index
        %get3A_90 = arith.constant 64 : index
        %get3A_91 = tpu.vector_load %arg9[%get3A_89, %get3A_90] {strides = array<i32>} : memref<128x128xf32, #tpu.memory_space<vmem>>, vector<1x16xf32>,
        %get3A_92 = vector.shape_cast %get3A_91 : vector<1x16xf32> to vector<16xf32>
        %max3A_93 = arith.constant 0.000000e+00 : f32
        %max3A_94 = vector.broadcast %max3A_93 : f32 to vector<16xf32>
        %max3A_95 = arith.maximumf %get3A_92, %max3A_94 : vector<16xf32>
        %swap3A_96 = arith.index_cast %scan3A_43 : i32 to index
        %swap3A_97 = arith.constant 64 : index
        %swap3A_98 = tpu.vector_load %arg9[%swap3A_96, %swap3A_97] {strides = array<i32>} : memref<128x128xf32, #tpu.memory_space<vmem>>, vector<1x16xf32>,
        %swap3A_99 = vector.shape_cast %swap3A_98 : vector<1x16xf32> to vector<16xf32>
        %swap3A_100 = vector.shape_cast %max3A_95 : vector<16xf32> to vector<1x16xf32>
        tpu.vector_store %arg9[%swap3A_96, %swap3A_97], %swap3A_100 {strides = array<i32>} : memref<128x128xf32, #tpu.memory_space<vmem>>, vector<1x16xf32>,
        %get3A_101 = arith.index_cast %scan3A_43 : i32 to index
        %get3A_102 = arith.constant 80 : index
        %get3A_103 = tpu.vector_load %arg9[%get3A_101, %get3A_102] {strides = array<i32>} : memref<128x128xf32, #tpu.memory_space<vmem>>, vector<1x16xf32>,
        %get3A_104 = vector.shape_cast %get3A_103 : vector<1x16xf32> to vector<16xf32>
        %max3A_105 = arith.constant 0.000000e+00 : f32
        %max3A_106 = vector.broadcast %max3A_105 : f32 to vector<16xf32>
        %max3A_107 = arith.maximumf %get3A_104, %max3A_106 : vector<16xf32>
        %swap3A_108 = arith.index_cast %scan3A_43 : i32 to index
        %swap3A_109 = arith.constant 80 : index
        %swap3A_110 = tpu.vector_load %arg9[%swap3A_108, %swap3A_109] {strides = array<i32>} : memref<128x128xf32, #tpu.memory_space<vmem>>, vector<1x16xf32>,
        %swap3A_111 = vector.shape_cast %swap3A_110 : vector<1x16xf32> to vector<16xf32>
        %swap3A_112 = vector.shape_cast %max3A_107 : vector<16xf32> to vector<1x16xf32>
        tpu.vector_store %arg9[%swap3A_108, %swap3A_109], %swap3A_112 {strides = array<i32>} : memref<128x128xf32, #tpu.memory_space<vmem>>, vector<1x16xf32>,
        %get3A_113 = arith.index_cast %scan3A_43 : i32 to index
        %get3A_114 = arith.constant 96 : index
        %get3A_115 = tpu.vector_load %arg9[%get3A_113, %get3A_114] {strides = array<i32>} : memref<128x128xf32, #tpu.memory_space<vmem>>, vector<1x16xf32>,
        %get3A_116 = vector.shape_cast %get3A_115 : vector<1x16xf32> to vector<16xf32>
        %max3A_117 = arith.constant 0.000000e+00 : f32
        %max3A_118 = vector.broadcast %max3A_117 : f32 to vector<16xf32>
        %max3A_119 = arith.maximumf %get3A_116, %max3A_118 : vector<16xf32>
        %swap3A_120 = arith.index_cast %scan3A_43 : i32 to index
        %swap3A_121 = arith.constant 96 : index
        %swap3A_122 = tpu.vector_load %arg9[%swap3A_120, %swap3A_121] {strides = array<i32>} : memref<128x128xf32, #tpu.memory_space<vmem>>, vector<1x16xf32>,
        %swap3A_123 = vector.shape_cast %swap3A_122 : vector<1x16xf32> to vector<16xf32>
        %swap3A_124 = vector.shape_cast %max3A_119 : vector<16xf32> to vector<1x16xf32>
        tpu.vector_store %arg9[%swap3A_120, %swap3A_121], %swap3A_124 {strides = array<i32>} : memref<128x128xf32, #tpu.memory_space<vmem>>, vector<1x16xf32>,
        %get3A_125 = arith.index_cast %scan3A_43 : i32 to index
        %get3A_126 = arith.constant 112 : index
        %get3A_127 = tpu.vector_load %arg9[%get3A_125, %get3A_126] {strides = array<i32>} : memref<128x128xf32, #tpu.memory_space<vmem>>, vector<1x16xf32>,
        %get3A_128 = vector.shape_cast %get3A_127 : vector<1x16xf32> to vector<16xf32>
        %max3A_129 = arith.constant 0.000000e+00 : f32
        %max3A_130 = vector.broadcast %max3A_129 : f32 to vector<16xf32>
        %max3A_131 = arith.maximumf %get3A_128, %max3A_130 : vector<16xf32>
        %swap3A_132 = arith.index_cast %scan3A_43 : i32 to index
        %swap3A_133 = arith.constant 112 : index
        %swap3A_134 = tpu.vector_load %arg9[%swap3A_132, %swap3A_133] {strides = array<i32>} : memref<128x128xf32, #tpu.memory_space<vmem>>, vector<1x16xf32>,
        %swap3A_135 = vector.shape_cast %swap3A_134 : vector<1x16xf32> to vector<16xf32>
        %swap3A_136 = vector.shape_cast %max3A_131 : vector<16xf32> to vector<1x16xf32>
        tpu.vector_store %arg9[%swap3A_132, %swap3A_133], %swap3A_136 {strides = array<i32>} : memref<128x128xf32, #tpu.memory_space<vmem>>, vector<1x16xf32>,
      }
      %scan3A_42 = arith.constant 128 : i32
      "tpu.region"() ({
        %run_scoped3A_43 = tpu.sem_alloc : memref<!tpu.dma_semaphore, #tpu.memory_space<semaphore_mem>>
        %dma_start3A_44 = arith.constant 0 : i32
        %dma_start3A_45 = arith.constant 0 : i32
        %dma_start3A_46 = tpu.memref_slice %arg11[%dma_start3A_44, %dma_start3A_45] : memref<10240x128xf32, #tpu.memory_space<vmem_shared>> -> memref<10240x128xf32, #tpu.memory_space<vmem_shared>>
        tpu.enqueue_indirect_dma source(%arg9 : memref<128x128xf32, #tpu.memory_space<vmem>>) target(%dma_start3A_46 : memref<10240x128xf32, #tpu.memory_space<vmem_shared>>) offsets(%arg8 : memref<128xi32, #tpu.memory_space<vmem>>) semaphore(%run_scoped3A_43 : memref<!tpu.dma_semaphore, #tpu.memory_space<semaphore_mem>>) {add = true}
        %dma_wait3A_47 = arith.constant 0 : i32
        %dma_wait3A_48 = arith.constant 0 : i32
        %dma_wait3A_49 = tpu.memref_slice %arg11[%dma_wait3A_47, %dma_wait3A_48] : memref<10240x128xf32, #tpu.memory_space<vmem_shared>> -> memref<10240x128xf32, #tpu.memory_space<vmem_shared>>
        tpu.wait_indirect_dma semaphore(%run_scoped3A_43 : memref<!tpu.dma_semaphore, #tpu.memory_space<semaphore_mem>>) src(%arg9 : memref<128x128xf32, #tpu.memory_space<vmem>>) dst(%dma_wait3A_49 : memref<10240x128xf32, #tpu.memory_space<vmem_shared>>)
        tpu.yield
      }) : () -> ()
    }
    %scan3A_19 = arith.constant 79 : i32
    %barrier3A_20 = arith.constant 0 : index
    tpu.barrier barrier_id(%barrier3A_20)
    %scan3A_21 = arith.constant 0 : i32
    %scan3A_22 = arith.constant 0 : i32
    %scan3A_23 = arith.constant 5 : i32
    %scan3A_24 = arith.addi %scan3A_22, %scan3A_23 : i32
    %scan3A_25 = arith.constant 1 : i32
    scf.for %scan3A_27 = %scan3A_22 to %scan3A_24 step %scan3A_25  : i32 {
      %mul3A_28 = arith.constant 128 : i32
      %mul3A_29 = arith.muli %scan3A_27, %mul3A_28 : i32
      %add3A_30 = arith.addi %mul3A_2, %mul3A_29 : i32
      "tpu.region"() ({
        %run_scoped3A = tpu.sem_alloc : memref<!tpu.dma_semaphore, #tpu.memory_space<semaphore_mem>>
        %dma_start3A = arith.constant 0 : i32
        %dma_start3A_38 = tpu.memref_slice %arg11[%add3A_30, %dma_start3A] : memref<10240x128xf32, #tpu.memory_space<vmem_shared>> -> memref<128x128xf32, #tpu.memory_space<vmem_shared>>
        %dma_start3A_39 = arith.constant 0 : i32
        %dma_start3A_40 = tpu.memref_slice %arg11[%add3A_30, %dma_start3A_39] : memref<10240x128xf32, #tpu.memory_space<vmem_shared>> -> memref<128x128xf32, #tpu.memory_space<vmem_shared>>
        tpu.enqueue_dma source(%dma_start3A_40 : memref<128x128xf32, #tpu.memory_space<vmem_shared>>) target(%arg9 : memref<128x128xf32, #tpu.memory_space<vmem>>) target_semaphore(%run_scoped3A : memref<!tpu.dma_semaphore, #tpu.memory_space<semaphore_mem>>)
        %dma_wait3A = arith.constant 0 : i32
        %dma_wait3A_41 = tpu.memref_slice %arg11[%add3A_30, %dma_wait3A] : memref<10240x128xf32, #tpu.memory_space<vmem_shared>> -> memref<128x128xf32, #tpu.memory_space<vmem_shared>>
        %dma_wait3A_42 = arith.constant 0 : i32
        %dma_wait3A_43 = tpu.memref_slice %arg11[%add3A_30, %dma_wait3A_42] : memref<10240x128xf32, #tpu.memory_space<vmem_shared>> -> memref<128x128xf32, #tpu.memory_space<vmem_shared>>
        tpu.wait_dma2 semaphore(%run_scoped3A : memref<!tpu.dma_semaphore, #tpu.memory_space<semaphore_mem>>) src(%dma_wait3A_43 : memref<128x128xf32, #tpu.memory_space<vmem_shared>>) dst(%arg9 : memref<128x128xf32, #tpu.memory_space<vmem>>)
        tpu.yield
      }) : () -> ()
      %eq3A = arith.constant 0 : i32
      %eq3A_31 = arith.cmpi eq, %arg0, %eq3A : i32
      %convert_element_type3A = arith.extui %eq3A_31 : i1 to i32
      %cond3A = arith.constant 0 : i32
      %cond3A_32 = arith.cmpi ne, %convert_element_type3A, %cond3A : i32
      scf.if %cond3A_32 {
        %run_scoped3A = arith.constant 0 : i32
        "tpu.region"() ({
          %run_scoped3A_38 = tpu.sem_alloc : memref<!tpu.dma_semaphore, #tpu.memory_space<semaphore_mem>>
          %dma_start3A = arith.constant 0 : i32
          %dma_start3A_39 = tpu.memref_slice %arg6[%run_scoped3A, %add3A_30, %dma_start3A] : memref<2x10240x128xf32, #tpu.memory_space<hbm>> -> memref<1x128x128xf32, #tpu.memory_space<hbm>>
          %dma_start3A_40 = tpu.memref_squeeze %dma_start3A_39 : memref<1x128x128xf32, #tpu.memory_space<hbm>> -> memref<128x128xf32, #tpu.memory_space<hbm>>
          %dma_start3A_41 = arith.constant 0 : i32
          %dma_start3A_42 = tpu.memref_slice %arg6[%run_scoped3A, %add3A_30, %dma_start3A_41] : memref<2x10240x128xf32, #tpu.memory_space<hbm>> -> memref<1x128x128xf32, #tpu.memory_space<hbm>>
          %dma_start3A_43 = tpu.memref_squeeze %dma_start3A_42 : memref<1x128x128xf32, #tpu.memory_space<hbm>> -> memref<128x128xf32, #tpu.memory_space<hbm>>
          tpu.enqueue_dma source(%arg9 : memref<128x128xf32, #tpu.memory_space<vmem>>) target(%dma_start3A_43 : memref<128x128xf32, #tpu.memory_space<hbm>>) target_semaphore(%run_scoped3A_38 : memref<!tpu.dma_semaphore, #tpu.memory_space<semaphore_mem>>)
          %dma_wait3A = arith.constant 0 : i32
          %dma_wait3A_44 = tpu.memref_slice %arg6[%run_scoped3A, %add3A_30, %dma_wait3A] : memref<2x10240x128xf32, #tpu.memory_space<hbm>> -> memref<1x128x128xf32, #tpu.memory_space<hbm>>
          %dma_wait3A_45 = tpu.memref_squeeze %dma_wait3A_44 : memref<1x128x128xf32, #tpu.memory_space<hbm>> -> memref<128x128xf32, #tpu.memory_space<hbm>>
          %dma_wait3A_46 = arith.constant 0 : i32
          %dma_wait3A_47 = tpu.memref_slice %arg6[%run_scoped3A, %add3A_30, %dma_wait3A_46] : memref<2x10240x128xf32, #tpu.memory_space<hbm>> -> memref<1x128x128xf32, #tpu.memory_space<hbm>>
          %dma_wait3A_48 = tpu.memref_squeeze %dma_wait3A_47 : memref<1x128x128xf32, #tpu.memory_space<hbm>> -> memref<128x128xf32, #tpu.memory_space<hbm>>
          tpu.wait_dma2 semaphore(%run_scoped3A_38 : memref<!tpu.dma_semaphore, #tpu.memory_space<semaphore_mem>>) src(%arg9 : memref<128x128xf32, #tpu.memory_space<vmem>>) dst(%dma_wait3A_48 : memref<128x128xf32, #tpu.memory_space<hbm>>)
          tpu.yield
        }) : () -> ()
      } else {
      }
      %eq3A_33 = arith.constant 1 : i32
      %eq3A_34 = arith.cmpi eq, %arg0, %eq3A_33 : i32
      %convert_element_type3A_35 = arith.extui %eq3A_34 : i1 to i32
      %cond3A_36 = arith.constant 0 : i32
      %cond3A_37 = arith.cmpi ne, %convert_element_type3A_35, %cond3A_36 : i32
      scf.if %cond3A_37 {
        %run_scoped3A = arith.constant 1 : i32
        "tpu.region"() ({
          %run_scoped3A_38 = tpu.sem_alloc : memref<!tpu.dma_semaphore, #tpu.memory_space<semaphore_mem>>
          %dma_start3A = arith.constant 0 : i32
          %dma_start3A_39 = tpu.memref_slice %arg6[%run_scoped3A, %add3A_30, %dma_start3A] : memref<2x10240x128xf32, #tpu.memory_space<hbm>> -> memref<1x128x128xf32, #tpu.memory_space<hbm>>
          %dma_start3A_40 = tpu.memref_squeeze %dma_start3A_39 : memref<1x128x128xf32, #tpu.memory_space<hbm>> -> memref<128x128xf32, #tpu.memory_space<hbm>>
          %dma_start3A_41 = arith.constant 0 : i32
          %dma_start3A_42 = tpu.memref_slice %arg6[%run_scoped3A, %add3A_30, %dma_start3A_41] : memref<2x10240x128xf32, #tpu.memory_space<hbm>> -> memref<1x128x128xf32, #tpu.memory_space<hbm>>
          %dma_start3A_43 = tpu.memref_squeeze %dma_start3A_42 : memref<1x128x128xf32, #tpu.memory_space<hbm>> -> memref<128x128xf32, #tpu.memory_space<hbm>>
          tpu.enqueue_dma source(%arg9 : memref<128x128xf32, #tpu.memory_space<vmem>>) target(%dma_start3A_43 : memref<128x128xf32, #tpu.memory_space<hbm>>) target_semaphore(%run_scoped3A_38 : memref<!tpu.dma_semaphore, #tpu.memory_space<semaphore_mem>>)
          %dma_wait3A = arith.constant 0 : i32
          %dma_wait3A_44 = tpu.memref_slice %arg6[%run_scoped3A, %add3A_30, %dma_wait3A] : memref<2x10240x128xf32, #tpu.memory_space<hbm>> -> memref<1x128x128xf32, #tpu.memory_space<hbm>>
          %dma_wait3A_45 = tpu.memref_squeeze %dma_wait3A_44 : memref<1x128x128xf32, #tpu.memory_space<hbm>> -> memref<128x128xf32, #tpu.memory_space<hbm>>
          %dma_wait3A_46 = arith.constant 0 : i32
          %dma_wait3A_47 = tpu.memref_slice %arg6[%run_scoped3A, %add3A_30, %dma_wait3A_46] : memref<2x10240x128xf32, #tpu.memory_space<hbm>> -> memref<1x128x128xf32, #tpu.memory_space<hbm>>
          %dma_wait3A_48 = tpu.memref_squeeze %dma_wait3A_47 : memref<1x128x128xf32, #tpu.memory_space<hbm>> -> memref<128x128xf32, #tpu.memory_space<hbm>>
          tpu.wait_dma2 semaphore(%run_scoped3A_38 : memref<!tpu.dma_semaphore, #tpu.memory_space<semaphore_mem>>) src(%arg9 : memref<128x128xf32, #tpu.memory_space<vmem>>) dst(%dma_wait3A_48 : memref<128x128xf32, #tpu.memory_space<hbm>>)
          tpu.yield
        }) : () -> ()
      } else {
      }
    }
    %scan3A_26 = arith.constant 5 : i32
    return
  }
}

module attributes {stable_mosaic.version = 14 : i64} {
  func.func @_enc_body(%arg0: i32, %arg1: i32, %arg2: memref<4096x16xf32, #tpu.memory_space<vmem>>, %arg3: memref<1x16x128xf32, #tpu.memory_space<vmem>>, %arg4: memref<1x1x128xf32, #tpu.memory_space<vmem>>, %arg5: memref<1x4096x128xf32, #tpu.memory_space<vmem>>) attributes {dimension_semantics = [#tpu.dimension_semantics<arbitrary>, #tpu.dimension_semantics<arbitrary>], iteration_bounds = array<i64: 3, 79>, scalar_prefetch = 0 : i64, scratch_operands = 0 : i64, tpu.core_type = #tpu.core_type<tc>, window_params = [{transform_indices = @transform_0, window_bounds = array<i64: 4096, 16>}, {transform_indices = @transform_1, window_bounds = array<i64: 1, 16, 128>}, {transform_indices = @transform_2, window_bounds = array<i64: 1, 1, 128>}, {transform_indices = @transform_3, window_bounds = array<i64: 1, 4096, 128>}]} {
    %get3A = arith.constant 0 : index
    %get3A_0 = arith.constant 0 : index
    %get3A_1 = vector.load %arg2[%get3A, %get3A_0] : memref<4096x16xf32, #tpu.memory_space<vmem>>, vector<4096x16xf32>
    %get3A_2 = arith.constant 0 : index
    %get3A_3 = arith.constant 0 : index
    %get3A_4 = arith.constant 0 : index
    %get3A_5 = vector.load %arg3[%get3A_2, %get3A_3, %get3A_4] : memref<1x16x128xf32, #tpu.memory_space<vmem>>, vector<1x16x128xf32>
    %get3A_6 = vector.shape_cast %get3A_5 : vector<1x16x128xf32> to vector<16x128xf32>
    %dot_general3A = arith.constant dense<0.000000e+00> : vector<4096x128xf32>
    %dot_general3A_7 = tpu.matmul %get3A_1, %get3A_6, %dot_general3A {dimension_numbers = #tpu.dot_dimension_numbers<[1], [0], [0], [1], [0, 0, 1, 1], [], []>, transpose_lhs_hint = false} : vector<4096x16xf32>, vector<16x128xf32>, vector<4096x128xf32> -> vector<4096x128xf32>
    %get3A_8 = arith.constant 0 : index
    %get3A_9 = arith.constant 0 : index
    %get3A_10 = arith.constant 0 : index
    %get3A_11 = vector.load %arg4[%get3A_8, %get3A_9, %get3A_10] : memref<1x1x128xf32, #tpu.memory_space<vmem>>, vector<1x1x128xf32>
    %get3A_12 = vector.shape_cast %get3A_11 : vector<1x1x128xf32> to vector<1x128xf32>
    %add3A = vector.broadcast %get3A_12 : vector<1x128xf32> to vector<4096x128xf32>
    %add3A_13 = arith.addf %dot_general3A_7, %add3A : vector<4096x128xf32>
    %swap3A = arith.constant 0 : index
    %swap3A_14 = arith.constant 0 : index
    %swap3A_15 = arith.constant 0 : index
    %swap3A_16 = vector.load %arg5[%swap3A, %swap3A_14, %swap3A_15] : memref<1x4096x128xf32, #tpu.memory_space<vmem>>, vector<1x4096x128xf32>
    %swap3A_17 = vector.shape_cast %swap3A_16 : vector<1x4096x128xf32> to vector<4096x128xf32>
    %swap3A_18 = vector.shape_cast %add3A_13 : vector<4096x128xf32> to vector<1x4096x128xf32>
    tpu.vector_store %arg5[%swap3A, %swap3A_14, %swap3A_15], %swap3A_18 {strides = array<i32>} : memref<1x4096x128xf32, #tpu.memory_space<vmem>>, vector<1x4096x128xf32>,
    return
  }
  func.func @transform_0(%arg0: i32, %arg1: i32) -> (i32, i32) {
    %c0_i32 = arith.constant 0 : i32
    %c0_i32_0 = arith.constant 0 : i32
    return %arg1, %c0_i32 : i32, i32
  }
  func.func @transform_1(%arg0: i32, %arg1: i32) -> (i32, i32, i32) {
    %c0_i32 = arith.constant 0 : i32
    %c0_i32_0 = arith.constant 0 : i32
    %c0_i32_1 = arith.constant 0 : i32
    return %arg0, %c0_i32, %c0_i32_0 : i32, i32, i32
  }
  func.func @transform_2(%arg0: i32, %arg1: i32) -> (i32, i32, i32) {
    %c0_i32 = arith.constant 0 : i32
    %c0_i32_0 = arith.constant 0 : i32
    %c0_i32_1 = arith.constant 0 : i32
    return %arg0, %c0_i32, %c0_i32_0 : i32, i32, i32
  }
  func.func @transform_3(%arg0: i32, %arg1: i32) -> (i32, i32, i32) {
    %c0_i32 = arith.constant 0 : i32
    %c0_i32_0 = arith.constant 0 : i32
    return %arg0, %arg1, %c0_i32 : i32, i32, i32
  }
}

module attributes {stable_mosaic.version = 14 : i64} {
  func.func @_upd_body(%arg0: i32, %arg1: memref<1000x128xf32, #tpu.memory_space<vmem>>, %arg2: memref<2x1000x128xf32, #tpu.memory_space<vmem>>, %arg3: memref<1x128x128xf32, #tpu.memory_space<vmem>>, %arg4: memref<1x1x128xf32, #tpu.memory_space<vmem>>, %arg5: memref<1000x128xf32, #tpu.memory_space<vmem>>) attributes {dimension_semantics = [#tpu.dimension_semantics<arbitrary>], iteration_bounds = array<i64: 10>, scalar_prefetch = 0 : i64, scratch_operands = 0 : i64, tpu.core_type = #tpu.core_type<tc>, window_params = [{transform_indices = @transform_0, window_bounds = array<i64: 1000, 128>}, {transform_indices = @transform_1, window_bounds = array<i64: 2, 1000, 128>}, {transform_indices = @transform_2, window_bounds = array<i64: 1, 128, 128>}, {transform_indices = @transform_3, window_bounds = array<i64: 1, 1, 128>}, {transform_indices = @transform_4, window_bounds = array<i64: 1000, 128>}]} {
    %get3A = arith.constant 0 : index
    %get3A_0 = arith.constant 0 : index
    %get3A_1 = vector.load %arg1[%get3A, %get3A_0] : memref<1000x128xf32, #tpu.memory_space<vmem>>, vector<1000x128xf32>
    %get3A_2 = arith.constant 0 : index
    %get3A_3 = arith.constant 0 : index
    %get3A_4 = arith.constant 0 : index
    %get3A_5 = vector.load %arg2[%get3A_2, %get3A_3, %get3A_4] : memref<2x1000x128xf32, #tpu.memory_space<vmem>>, vector<1x1000x128xf32>
    %get3A_6 = vector.shape_cast %get3A_5 : vector<1x1000x128xf32> to vector<1000x128xf32>
    %add3A = arith.addf %get3A_1, %get3A_6 : vector<1000x128xf32>
    %get3A_7 = arith.constant 1 : index
    %get3A_8 = arith.constant 0 : index
    %get3A_9 = arith.constant 0 : index
    %get3A_10 = vector.load %arg2[%get3A_7, %get3A_8, %get3A_9] : memref<2x1000x128xf32, #tpu.memory_space<vmem>>, vector<1x1000x128xf32>
    %get3A_11 = vector.shape_cast %get3A_10 : vector<1x1000x128xf32> to vector<1000x128xf32>
    %add3A_12 = arith.addf %add3A, %get3A_11 : vector<1000x128xf32>
    %get3A_13 = arith.constant 0 : index
    %get3A_14 = arith.constant 0 : index
    %get3A_15 = arith.constant 0 : index
    %get3A_16 = vector.load %arg3[%get3A_13, %get3A_14, %get3A_15] : memref<1x128x128xf32, #tpu.memory_space<vmem>>, vector<1x128x128xf32>
    %get3A_17 = vector.shape_cast %get3A_16 : vector<1x128x128xf32> to vector<128x128xf32>
    %dot_general3A = arith.constant dense<0.000000e+00> : vector<1000x128xf32>
    %dot_general3A_18 = tpu.matmul %add3A_12, %get3A_17, %dot_general3A {dimension_numbers = #tpu.dot_dimension_numbers<[1], [0], [0], [1], [0, 0, 1, 1], [], []>, transpose_lhs_hint = false} : vector<1000x128xf32>, vector<128x128xf32>, vector<1000x128xf32> -> vector<1000x128xf32>
    %get3A_19 = arith.constant 0 : index
    %get3A_20 = arith.constant 0 : index
    %get3A_21 = arith.constant 0 : index
    %get3A_22 = vector.load %arg4[%get3A_19, %get3A_20, %get3A_21] : memref<1x1x128xf32, #tpu.memory_space<vmem>>, vector<1x1x128xf32>
    %get3A_23 = vector.shape_cast %get3A_22 : vector<1x1x128xf32> to vector<1x128xf32>
    %add3A_24 = vector.broadcast %get3A_23 : vector<1x128xf32> to vector<1000x128xf32>
    %add3A_25 = arith.addf %dot_general3A_18, %add3A_24 : vector<1000x128xf32>
    %max3A = arith.constant 0.000000e+00 : f32
    %max3A_26 = vector.broadcast %max3A : f32 to vector<1000x128xf32>
    %max3A_27 = arith.maximumf %add3A_25, %max3A_26 : vector<1000x128xf32>
    %swap3A = arith.constant 0 : index
    %swap3A_28 = arith.constant 0 : index
    %swap3A_29 = vector.load %arg5[%swap3A, %swap3A_28] : memref<1000x128xf32, #tpu.memory_space<vmem>>, vector<1000x128xf32>
    tpu.vector_store %arg5[%swap3A, %swap3A_28], %max3A_27 {strides = array<i32>} : memref<1000x128xf32, #tpu.memory_space<vmem>>, vector<1000x128xf32>,
    return
  }
  func.func @transform_0(%arg0: i32) -> (i32, i32) {
    %c0_i32 = arith.constant 0 : i32
    %c0_i32_0 = arith.constant 0 : i32
    return %arg0, %c0_i32 : i32, i32
  }
  func.func @transform_1(%arg0: i32) -> (i32, i32, i32) {
    %c0_i32 = arith.constant 0 : i32
    %c0_i32_0 = arith.constant 0 : i32
    %c0_i32_1 = arith.constant 0 : i32
    return %c0_i32, %arg0, %c0_i32_0 : i32, i32, i32
  }
  func.func @transform_2(%arg0: i32) -> (i32, i32, i32) {
    %c0_i32 = arith.constant 0 : i32
    %c0_i32_0 = arith.constant 0 : i32
    %c0_i32_1 = arith.constant 0 : i32
    %c0_i32_2 = arith.constant 0 : i32
    return %c0_i32, %c0_i32_0, %c0_i32_1 : i32, i32, i32
  }
  func.func @transform_3(%arg0: i32) -> (i32, i32, i32) {
    %c0_i32 = arith.constant 0 : i32
    %c0_i32_0 = arith.constant 0 : i32
    %c0_i32_1 = arith.constant 0 : i32
    %c0_i32_2 = arith.constant 0 : i32
    return %c0_i32, %c0_i32_0, %c0_i32_1 : i32, i32, i32
  }
  func.func @transform_4(%arg0: i32) -> (i32, i32) {
    %c0_i32 = arith.constant 0 : i32
    %c0_i32_0 = arith.constant 0 : i32
    return %arg0, %c0_i32 : i32, i32
  }
}

module attributes {stable_mosaic.version = 14 : i64} {
  func.func @_upd_body(%arg0: i32, %arg1: memref<1000x128xf32, #tpu.memory_space<vmem>>, %arg2: memref<2x1000x128xf32, #tpu.memory_space<vmem>>, %arg3: memref<1x128x128xf32, #tpu.memory_space<vmem>>, %arg4: memref<1x1x128xf32, #tpu.memory_space<vmem>>, %arg5: memref<1000x128xf32, #tpu.memory_space<vmem>>) attributes {dimension_semantics = [#tpu.dimension_semantics<arbitrary>], iteration_bounds = array<i64: 10>, scalar_prefetch = 0 : i64, scratch_operands = 0 : i64, tpu.core_type = #tpu.core_type<tc>, window_params = [{transform_indices = @transform_0, window_bounds = array<i64: 1000, 128>}, {transform_indices = @transform_1, window_bounds = array<i64: 2, 1000, 128>}, {transform_indices = @transform_2, window_bounds = array<i64: 1, 128, 128>}, {transform_indices = @transform_3, window_bounds = array<i64: 1, 1, 128>}, {transform_indices = @transform_4, window_bounds = array<i64: 1000, 128>}]} {
    %get3A = arith.constant 0 : index
    %get3A_0 = arith.constant 0 : index
    %get3A_1 = vector.load %arg1[%get3A, %get3A_0] : memref<1000x128xf32, #tpu.memory_space<vmem>>, vector<1000x128xf32>
    %get3A_2 = arith.constant 0 : index
    %get3A_3 = arith.constant 0 : index
    %get3A_4 = arith.constant 0 : index
    %get3A_5 = vector.load %arg2[%get3A_2, %get3A_3, %get3A_4] : memref<2x1000x128xf32, #tpu.memory_space<vmem>>, vector<1x1000x128xf32>
    %get3A_6 = vector.shape_cast %get3A_5 : vector<1x1000x128xf32> to vector<1000x128xf32>
    %add3A = arith.addf %get3A_1, %get3A_6 : vector<1000x128xf32>
    %get3A_7 = arith.constant 1 : index
    %get3A_8 = arith.constant 0 : index
    %get3A_9 = arith.constant 0 : index
    %get3A_10 = vector.load %arg2[%get3A_7, %get3A_8, %get3A_9] : memref<2x1000x128xf32, #tpu.memory_space<vmem>>, vector<1x1000x128xf32>
    %get3A_11 = vector.shape_cast %get3A_10 : vector<1x1000x128xf32> to vector<1000x128xf32>
    %add3A_12 = arith.addf %add3A, %get3A_11 : vector<1000x128xf32>
    %get3A_13 = arith.constant 0 : index
    %get3A_14 = arith.constant 0 : index
    %get3A_15 = arith.constant 0 : index
    %get3A_16 = vector.load %arg3[%get3A_13, %get3A_14, %get3A_15] : memref<1x128x128xf32, #tpu.memory_space<vmem>>, vector<1x128x128xf32>
    %get3A_17 = vector.shape_cast %get3A_16 : vector<1x128x128xf32> to vector<128x128xf32>
    %dot_general3A = arith.constant dense<0.000000e+00> : vector<1000x128xf32>
    %dot_general3A_18 = tpu.matmul %add3A_12, %get3A_17, %dot_general3A {dimension_numbers = #tpu.dot_dimension_numbers<[1], [0], [0], [1], [0, 0, 1, 1], [], []>, transpose_lhs_hint = false} : vector<1000x128xf32>, vector<128x128xf32>, vector<1000x128xf32> -> vector<1000x128xf32>
    %get3A_19 = arith.constant 0 : index
    %get3A_20 = arith.constant 0 : index
    %get3A_21 = arith.constant 0 : index
    %get3A_22 = vector.load %arg4[%get3A_19, %get3A_20, %get3A_21] : memref<1x1x128xf32, #tpu.memory_space<vmem>>, vector<1x1x128xf32>
    %get3A_23 = vector.shape_cast %get3A_22 : vector<1x1x128xf32> to vector<1x128xf32>
    %add3A_24 = vector.broadcast %get3A_23 : vector<1x128xf32> to vector<1000x128xf32>
    %add3A_25 = arith.addf %dot_general3A_18, %add3A_24 : vector<1000x128xf32>
    %max3A = arith.constant 0.000000e+00 : f32
    %max3A_26 = vector.broadcast %max3A : f32 to vector<1000x128xf32>
    %max3A_27 = arith.maximumf %add3A_25, %max3A_26 : vector<1000x128xf32>
    %swap3A = arith.constant 0 : index
    %swap3A_28 = arith.constant 0 : index
    %swap3A_29 = vector.load %arg5[%swap3A, %swap3A_28] : memref<1000x128xf32, #tpu.memory_space<vmem>>, vector<1000x128xf32>
    tpu.vector_store %arg5[%swap3A, %swap3A_28], %max3A_27 {strides = array<i32>} : memref<1000x128xf32, #tpu.memory_space<vmem>>, vector<1000x128xf32>,
    return
  }
  func.func @transform_0(%arg0: i32) -> (i32, i32) {
    %c0_i32 = arith.constant 0 : i32
    %c0_i32_0 = arith.constant 0 : i32
    return %arg0, %c0_i32 : i32, i32
  }
  func.func @transform_1(%arg0: i32) -> (i32, i32, i32) {
    %c0_i32 = arith.constant 0 : i32
    %c0_i32_0 = arith.constant 0 : i32
    %c0_i32_1 = arith.constant 0 : i32
    return %c0_i32, %arg0, %c0_i32_0 : i32, i32, i32
  }
  func.func @transform_2(%arg0: i32) -> (i32, i32, i32) {
    %c1_i32 = arith.constant 1 : i32
    %c0_i32 = arith.constant 0 : i32
    %c0_i32_0 = arith.constant 0 : i32
    %c0_i32_1 = arith.constant 0 : i32
    return %c1_i32, %c0_i32, %c0_i32_0 : i32, i32, i32
  }
  func.func @transform_3(%arg0: i32) -> (i32, i32, i32) {
    %c1_i32 = arith.constant 1 : i32
    %c0_i32 = arith.constant 0 : i32
    %c0_i32_0 = arith.constant 0 : i32
    %c0_i32_1 = arith.constant 0 : i32
    return %c1_i32, %c0_i32, %c0_i32_0 : i32, i32, i32
  }
  func.func @transform_4(%arg0: i32) -> (i32, i32) {
    %c0_i32 = arith.constant 0 : i32
    %c0_i32_0 = arith.constant 0 : i32
    return %arg0, %c0_i32 : i32, i32
  }
}

module attributes {stable_mosaic.version = 14 : i64} {
  func.func @_upd_body(%arg0: i32, %arg1: memref<1000x128xf32, #tpu.memory_space<vmem>>, %arg2: memref<2x1000x128xf32, #tpu.memory_space<vmem>>, %arg3: memref<1x128x128xf32, #tpu.memory_space<vmem>>, %arg4: memref<1x1x128xf32, #tpu.memory_space<vmem>>, %arg5: memref<1000x128xf32, #tpu.memory_space<vmem>>) attributes {dimension_semantics = [#tpu.dimension_semantics<arbitrary>], iteration_bounds = array<i64: 10>, scalar_prefetch = 0 : i64, scratch_operands = 0 : i64, tpu.core_type = #tpu.core_type<tc>, window_params = [{transform_indices = @transform_0, window_bounds = array<i64: 1000, 128>}, {transform_indices = @transform_1, window_bounds = array<i64: 2, 1000, 128>}, {transform_indices = @transform_2, window_bounds = array<i64: 1, 128, 128>}, {transform_indices = @transform_3, window_bounds = array<i64: 1, 1, 128>}, {transform_indices = @transform_4, window_bounds = array<i64: 1000, 128>}]} {
    %get3A = arith.constant 0 : index
    %get3A_0 = arith.constant 0 : index
    %get3A_1 = vector.load %arg1[%get3A, %get3A_0] : memref<1000x128xf32, #tpu.memory_space<vmem>>, vector<1000x128xf32>
    %get3A_2 = arith.constant 0 : index
    %get3A_3 = arith.constant 0 : index
    %get3A_4 = arith.constant 0 : index
    %get3A_5 = vector.load %arg2[%get3A_2, %get3A_3, %get3A_4] : memref<2x1000x128xf32, #tpu.memory_space<vmem>>, vector<1x1000x128xf32>
    %get3A_6 = vector.shape_cast %get3A_5 : vector<1x1000x128xf32> to vector<1000x128xf32>
    %add3A = arith.addf %get3A_1, %get3A_6 : vector<1000x128xf32>
    %get3A_7 = arith.constant 1 : index
    %get3A_8 = arith.constant 0 : index
    %get3A_9 = arith.constant 0 : index
    %get3A_10 = vector.load %arg2[%get3A_7, %get3A_8, %get3A_9] : memref<2x1000x128xf32, #tpu.memory_space<vmem>>, vector<1x1000x128xf32>
    %get3A_11 = vector.shape_cast %get3A_10 : vector<1x1000x128xf32> to vector<1000x128xf32>
    %add3A_12 = arith.addf %add3A, %get3A_11 : vector<1000x128xf32>
    %get3A_13 = arith.constant 0 : index
    %get3A_14 = arith.constant 0 : index
    %get3A_15 = arith.constant 0 : index
    %get3A_16 = vector.load %arg3[%get3A_13, %get3A_14, %get3A_15] : memref<1x128x128xf32, #tpu.memory_space<vmem>>, vector<1x128x128xf32>
    %get3A_17 = vector.shape_cast %get3A_16 : vector<1x128x128xf32> to vector<128x128xf32>
    %dot_general3A = arith.constant dense<0.000000e+00> : vector<1000x128xf32>
    %dot_general3A_18 = tpu.matmul %add3A_12, %get3A_17, %dot_general3A {dimension_numbers = #tpu.dot_dimension_numbers<[1], [0], [0], [1], [0, 0, 1, 1], [], []>, transpose_lhs_hint = false} : vector<1000x128xf32>, vector<128x128xf32>, vector<1000x128xf32> -> vector<1000x128xf32>
    %get3A_19 = arith.constant 0 : index
    %get3A_20 = arith.constant 0 : index
    %get3A_21 = arith.constant 0 : index
    %get3A_22 = vector.load %arg4[%get3A_19, %get3A_20, %get3A_21] : memref<1x1x128xf32, #tpu.memory_space<vmem>>, vector<1x1x128xf32>
    %get3A_23 = vector.shape_cast %get3A_22 : vector<1x1x128xf32> to vector<1x128xf32>
    %add3A_24 = vector.broadcast %get3A_23 : vector<1x128xf32> to vector<1000x128xf32>
    %add3A_25 = arith.addf %dot_general3A_18, %add3A_24 : vector<1000x128xf32>
    %max3A = arith.constant 0.000000e+00 : f32
    %max3A_26 = vector.broadcast %max3A : f32 to vector<1000x128xf32>
    %max3A_27 = arith.maximumf %add3A_25, %max3A_26 : vector<1000x128xf32>
    %swap3A = arith.constant 0 : index
    %swap3A_28 = arith.constant 0 : index
    %swap3A_29 = vector.load %arg5[%swap3A, %swap3A_28] : memref<1000x128xf32, #tpu.memory_space<vmem>>, vector<1000x128xf32>
    tpu.vector_store %arg5[%swap3A, %swap3A_28], %max3A_27 {strides = array<i32>} : memref<1000x128xf32, #tpu.memory_space<vmem>>, vector<1000x128xf32>,
    return
  }
  func.func @transform_0(%arg0: i32) -> (i32, i32) {
    %c0_i32 = arith.constant 0 : i32
    %c0_i32_0 = arith.constant 0 : i32
    return %arg0, %c0_i32 : i32, i32
  }
  func.func @transform_1(%arg0: i32) -> (i32, i32, i32) {
    %c0_i32 = arith.constant 0 : i32
    %c0_i32_0 = arith.constant 0 : i32
    %c0_i32_1 = arith.constant 0 : i32
    return %c0_i32, %arg0, %c0_i32_0 : i32, i32, i32
  }
  func.func @transform_2(%arg0: i32) -> (i32, i32, i32) {
    %c2_i32 = arith.constant 2 : i32
    %c0_i32 = arith.constant 0 : i32
    %c0_i32_0 = arith.constant 0 : i32
    %c0_i32_1 = arith.constant 0 : i32
    return %c2_i32, %c0_i32, %c0_i32_0 : i32, i32, i32
  }
  func.func @transform_3(%arg0: i32) -> (i32, i32, i32) {
    %c2_i32 = arith.constant 2 : i32
    %c0_i32 = arith.constant 0 : i32
    %c0_i32_0 = arith.constant 0 : i32
    %c0_i32_1 = arith.constant 0 : i32
    return %c2_i32, %c0_i32, %c0_i32_0 : i32, i32, i32
  }
  func.func @transform_4(%arg0: i32) -> (i32, i32) {
    %c0_i32 = arith.constant 0 : i32
    %c0_i32_0 = arith.constant 0 : i32
    return %arg0, %c0_i32 : i32, i32
  }
}

module attributes {stable_mosaic.version = 14 : i64} {
  func.func @_pool_body(%arg0: i32, %arg1: memref<1000x128xf32, #tpu.memory_space<vmem>>, %arg2: memref<1x1x1000xi32, #tpu.memory_space<vmem>>, %arg3: memref<128x128xf32, #tpu.memory_space<vmem>>, %arg4: memref<1x128xf32, #tpu.memory_space<vmem>>, %arg5: memref<128x16xf32, #tpu.memory_space<vmem>>, %arg6: memref<1x16xf32, #tpu.memory_space<vmem>>, %arg7: memref<128x16xf32, #tpu.memory_space<vmem>>, %arg8: memref<128x128xf32, #tpu.memory_space<vmem>>) attributes {dimension_semantics = [#tpu.dimension_semantics<arbitrary>], iteration_bounds = array<i64: 10>, scalar_prefetch = 0 : i64, scratch_operands = 1 : i64, tpu.core_type = #tpu.core_type<tc>, window_params = [{transform_indices = @transform_0, window_bounds = array<i64: 1000, 128>}, {transform_indices = @transform_1, window_bounds = array<i64: 1, 1, 1000>}, {pipeline_mode = #tpu.pipeline_mode<synchronous>, transform_indices = @transform_2, window_bounds = array<i64: 128, 128>}, {pipeline_mode = #tpu.pipeline_mode<synchronous>, transform_indices = @transform_3, window_bounds = array<i64: 1, 128>}, {pipeline_mode = #tpu.pipeline_mode<synchronous>, transform_indices = @transform_4, window_bounds = array<i64: 128, 16>}, {pipeline_mode = #tpu.pipeline_mode<synchronous>, transform_indices = @transform_5, window_bounds = array<i64: 1, 16>}, {pipeline_mode = #tpu.pipeline_mode<synchronous>, transform_indices = @transform_6, window_bounds = array<i64: 128, 16>}]} {
    %eq3A = arith.constant 0 : i32
    %eq3A_0 = arith.cmpi eq, %arg0, %eq3A : i32
    %convert_element_type3A = arith.extui %eq3A_0 : i1 to i32
    %cond3A = arith.constant 0 : i32
    %cond3A_1 = arith.cmpi ne, %convert_element_type3A, %cond3A : i32
    scf.if %cond3A_1 {
      %broadcast_in_dim3A_24 = arith.constant 0.000000e+00 : f32
      %broadcast_in_dim3A_25 = vector.broadcast %broadcast_in_dim3A_24 : f32 to vector<128x128xf32>
      %swap3A_26 = arith.constant 0 : index
      %swap3A_27 = arith.constant 0 : index
      %swap3A_28 = vector.load %arg8[%swap3A_26, %swap3A_27] : memref<128x128xf32, #tpu.memory_space<vmem>>, vector<128x128xf32>
      tpu.vector_store %arg8[%swap3A_26, %swap3A_27], %broadcast_in_dim3A_25 {strides = array<i32>} : memref<128x128xf32, #tpu.memory_space<vmem>>, vector<128x128xf32>,
    } else {
    }
    %get3A = arith.constant 0 : index
    %get3A_2 = arith.constant 0 : index
    %get3A_3 = arith.constant 0 : index
    %get3A_4 = vector.load %arg2[%get3A, %get3A_2, %get3A_3] : memref<1x1x1000xi32, #tpu.memory_space<vmem>>, vector<1x1x1000xi32>
    %get3A_5 = vector.shape_cast %get3A_4 : vector<1x1x1000xi32> to vector<1x1000xi32>
    %iota3A = tpu.iota {dimensions = array<i32: 0>} : vector<128x1000xi32>
    %eq3A_6 = vector.broadcast %get3A_5 : vector<1x1000xi32> to vector<128x1000xi32>
    %eq3A_7 = arith.cmpi eq, %eq3A_6, %iota3A : vector<128x1000xi32>
    %jit3A = arith.constant 1.000000e+00 : f32
    %jit3A_8 = arith.constant 0.000000e+00 : f32
    %broadcast_in_dim3A = vector.broadcast %jit3A : f32 to vector<128x1000xf32>
    %broadcast_in_dim3A_9 = vector.broadcast %jit3A_8 : f32 to vector<128x1000xf32>
    %select_n3A = arith.select %eq3A_7, %broadcast_in_dim3A, %broadcast_in_dim3A_9 : vector<128x1000xi1>, vector<128x1000xf32>
    %get3A_10 = arith.constant 0 : index
    %get3A_11 = arith.constant 0 : index
    %get3A_12 = vector.load %arg8[%get3A_10, %get3A_11] : memref<128x128xf32, #tpu.memory_space<vmem>>, vector<128x128xf32>
    %get3A_13 = arith.constant 0 : index
    %get3A_14 = arith.constant 0 : index
    %get3A_15 = vector.load %arg1[%get3A_13, %get3A_14] : memref<1000x128xf32, #tpu.memory_space<vmem>>, vector<1000x128xf32>
    %dot_general3A = arith.constant dense<0.000000e+00> : vector<128x128xf32>
    %dot_general3A_16 = tpu.matmul %select_n3A, %get3A_15, %dot_general3A {dimension_numbers = #tpu.dot_dimension_numbers<[1], [0], [0], [1], [0, 0, 1, 1], [], []>, transpose_lhs_hint = false} : vector<128x1000xf32>, vector<1000x128xf32>, vector<128x128xf32> -> vector<128x128xf32>
    %add3A = arith.addf %get3A_12, %dot_general3A_16 : vector<128x128xf32>
    %swap3A = arith.constant 0 : index
    %swap3A_17 = arith.constant 0 : index
    %swap3A_18 = vector.load %arg8[%swap3A, %swap3A_17] : memref<128x128xf32, #tpu.memory_space<vmem>>, vector<128x128xf32>
    tpu.vector_store %arg8[%swap3A, %swap3A_17], %add3A {strides = array<i32>} : memref<128x128xf32, #tpu.memory_space<vmem>>, vector<128x128xf32>,
    %eq3A_19 = arith.constant 9 : i32
    %eq3A_20 = arith.cmpi eq, %arg0, %eq3A_19 : i32
    %convert_element_type3A_21 = arith.extui %eq3A_20 : i1 to i32
    %cond3A_22 = arith.constant 0 : i32
    %cond3A_23 = arith.cmpi ne, %convert_element_type3A_21, %cond3A_22 : i32
    scf.if %cond3A_23 {
      %get3A_24 = arith.constant 0 : index
      %get3A_25 = arith.constant 0 : index
      %get3A_26 = vector.load %arg8[%get3A_24, %get3A_25] : memref<128x128xf32, #tpu.memory_space<vmem>>, vector<128x128xf32>
      %max3A = arith.constant 0.000000e+00 : f32
      %max3A_27 = vector.broadcast %max3A : f32 to vector<128x128xf32>
      %max3A_28 = arith.maximumf %get3A_26, %max3A_27 : vector<128x128xf32>
      %get3A_29 = arith.constant 0 : index
      %get3A_30 = arith.constant 0 : index
      %get3A_31 = vector.load %arg3[%get3A_29, %get3A_30] : memref<128x128xf32, #tpu.memory_space<vmem>>, vector<128x128xf32>
      %dot_general3A_32 = arith.constant dense<0.000000e+00> : vector<128x128xf32>
      %dot_general3A_33 = tpu.matmul %max3A_28, %get3A_31, %dot_general3A_32 {dimension_numbers = #tpu.dot_dimension_numbers<[1], [0], [0], [1], [0, 0, 1, 1], [], []>, transpose_lhs_hint = false} : vector<128x128xf32>, vector<128x128xf32>, vector<128x128xf32> -> vector<128x128xf32>
      %get3A_34 = arith.constant 0 : index
      %get3A_35 = arith.constant 0 : index
      %get3A_36 = vector.load %arg4[%get3A_34, %get3A_35] : memref<1x128xf32, #tpu.memory_space<vmem>>, vector<1x128xf32>
      %add3A_37 = vector.broadcast %get3A_36 : vector<1x128xf32> to vector<128x128xf32>
      %add3A_38 = arith.addf %dot_general3A_33, %add3A_37 : vector<128x128xf32>
      %get3A_39 = arith.constant 0 : index
      %get3A_40 = arith.constant 0 : index
      %get3A_41 = vector.load %arg5[%get3A_39, %get3A_40] : memref<128x16xf32, #tpu.memory_space<vmem>>, vector<128x16xf32>
      %dot_general3A_42 = arith.constant dense<0.000000e+00> : vector<128x16xf32>
      %dot_general3A_43 = tpu.matmul %add3A_38, %get3A_41, %dot_general3A_42 {dimension_numbers = #tpu.dot_dimension_numbers<[1], [0], [0], [1], [0, 0, 1, 1], [], []>, transpose_lhs_hint = false} : vector<128x128xf32>, vector<128x16xf32>, vector<128x16xf32> -> vector<128x16xf32>
      %get3A_44 = arith.constant 0 : index
      %get3A_45 = arith.constant 0 : index
      %get3A_46 = vector.load %arg6[%get3A_44, %get3A_45] : memref<1x16xf32, #tpu.memory_space<vmem>>, vector<1x16xf32>
      %add3A_47 = vector.broadcast %get3A_46 : vector<1x16xf32> to vector<128x16xf32>
      %add3A_48 = arith.addf %dot_general3A_43, %add3A_47 : vector<128x16xf32>
      %swap3A_49 = arith.constant 0 : index
      %swap3A_50 = arith.constant 0 : index
      %swap3A_51 = vector.load %arg7[%swap3A_49, %swap3A_50] : memref<128x16xf32, #tpu.memory_space<vmem>>, vector<128x16xf32>
      tpu.vector_store %arg7[%swap3A_49, %swap3A_50], %add3A_48 {strides = array<i32>} : memref<128x16xf32, #tpu.memory_space<vmem>>, vector<128x16xf32>,
    } else {
    }
    return
  }
  func.func @transform_0(%arg0: i32) -> (i32, i32) {
    %c0_i32 = arith.constant 0 : i32
    %c0_i32_0 = arith.constant 0 : i32
    return %arg0, %c0_i32 : i32, i32
  }
  func.func @transform_1(%arg0: i32) -> (i32, i32, i32) {
    %c0_i32 = arith.constant 0 : i32
    %c0_i32_0 = arith.constant 0 : i32
    %c0_i32_1 = arith.constant 0 : i32
    return %arg0, %c0_i32, %c0_i32_0 : i32, i32, i32
  }
  func.func @transform_2(%arg0: i32) -> (i32, i32) {
    %c0_i32 = arith.constant 0 : i32
    %c0_i32_0 = arith.constant 0 : i32
    %c0_i32_1 = arith.constant 0 : i32
    return %c0_i32, %c0_i32_0 : i32, i32
  }
  func.func @transform_3(%arg0: i32) -> (i32, i32) {
    %c0_i32 = arith.constant 0 : i32
    %c0_i32_0 = arith.constant 0 : i32
    %c0_i32_1 = arith.constant 0 : i32
    return %c0_i32, %c0_i32_0 : i32, i32
  }
  func.func @transform_4(%arg0: i32) -> (i32, i32) {
    %c0_i32 = arith.constant 0 : i32
    %c0_i32_0 = arith.constant 0 : i32
    %c0_i32_1 = arith.constant 0 : i32
    return %c0_i32, %c0_i32_0 : i32, i32
  }
  func.func @transform_5(%arg0: i32) -> (i32, i32) {
    %c0_i32 = arith.constant 0 : i32
    %c0_i32_0 = arith.constant 0 : i32
    %c0_i32_1 = arith.constant 0 : i32
    return %c0_i32, %c0_i32_0 : i32, i32
  }
  func.func @transform_6(%arg0: i32) -> (i32, i32) {
    %c0_i32 = arith.constant 0 : i32
    %c0_i32_0 = arith.constant 0 : i32
    %c0_i32_1 = arith.constant 0 : i32
    return %c0_i32, %c0_i32_0 : i32, i32
  }
}

</mosaic_0001>

<sc_bundles>
// kernel: kernel.10.cloned.1.call-start
scs
__scs_entry_jumppad:
0x0: {  	(pc) =	sbr.rel $0x88, $3  }
0x1: {  	(tag) =	ssettag $0x0;
	lr =	simm.s32 $0x1  }
0x2: {  	[smem:$0x3F95] =	sst lr;
	_ =	strace $0xD0000000  }
0x3: {  	_ = 	snop  }
0x4: {  	_ = 	snop  }
0x5: {  	_ = 	snop  }
0x6: {  	_ = 	snop  }
0x7: {  	_ = 	snop  }
__scs_overlays_trampoline_lowered:
0x8: {  	[smem:$0x3FA4] =	sst s0  }
0x9: {  	[smem:$0x3FA5] =	sst s1  }
0xa: {  	[smem:$0x3FA6] =	sst s2  }
0xb: {  	[smem:$0x3FA7] =	sst s3  }
0xc: {  	[smem:$0x3FA8] =	sst s4  }
0xd: {  	[smem:$0x3FA9] =	sst s5  }
0xe: {  	[smem:$0x3FAA] =	sst s6  }
0xf: {  	[smem:$0x3FAB] =	sst s7  }
0x10: {  	[smem:$0x3FAC] =	sst s8  }
0x11: {  	[smem:$0x3FAD] =	sst s9;
	s0 =	simm.s32 @!p0 $0x0  }
0x12: {  	s1 =	sld [smem:$0x3F93];
	s0 =	simm.s32 @p0 $0x1  }
0x13: {  	[smem:$0x3FAE] =	sst s0;
	s0 =	simm.s32 @!p1 $0x0  }
0x14: {  	s2 =	sld [smem:$0x3F92];
	s0 =	simm.s32 @p1 $0x1  }
0x15: {  	[smem:$0x3FAF] =	sst s0;
	s0 =	simm.s32 @!p2 $0x0  }
0x16: {  	s3 =	sld [smem:$0x3FDB];
	s0 =	simm.s32 @p2 $0x1  }
0x17: {  	s4 =	simm.s32 $0x1BF5;
	[smem:$0x3FB1] =	sst s0  }
0x18: {  	s0 =	sld [smem:$0x3F94];
	_ =	swait.ge [sflag:s4], $0x0  }
0x19: {  	s7 =	sld [smem:$0x3F95]  }
0x1a: {  	s8 =	sadd.s32 $0xFFFFE003, lr  }
0x1b: {  	s9 =	sadd.s32 $0xFFFFFEF7, lr;
	s5 =	simm.s32 $0xFFFFFFFF;
	p2 =	slt.u32 s8, $0xFFFFF086  }
0x1c: {  	p1 =	slt.u32 s9, $0xF7A;
	s5 =	simm.s32 @!p2 $0x0  }
0x1d: {  	s5 =	simm.s32 @p1 $0x1;
	p0 =	seq.s32 s7, s2  }
0x1e: {  	s7 =	smul.u32 @!p0 $0xF7A, s2;
	p2 =	seq.s32 @!p0 s5, $0x0  }
0x1f: {  	s9 =	smul.u32 $0xF7A, s1;
	s8 =	simm.s32 @!p0 $0x1BF5;
	p2 =	por !p2, p0  }
0x20: {  	[sflag:s8] =	ssyncset.s32 @!p0 $0xFFFFF086;
	s6 =	sadd.s32 @!p0 s3, s7;
	s7 =	simm.s32 @!p0 $0x108  }
0x21: {  	s3 =	sadd.s32 s3, s9;
	s6 =	sadd.s32 @!p0 $0x88, s6;
	s7 =	simm.s32 @p2 $0x1082  }
0x22: {  	[simem:s7], [sflag:s8] =	dma.local @!p0 [hbm:s6], $0xF7A  }
0x23: {  	s9 =	sor.u32 $0xD0000000, s2;
	s6 =	simm.s32 $0x108;
	_ =	swait.ge @!p0 [sflag:s8], $0x0  }
0x24: {  	s3 =	sadd.s32 $0x88, s3;
	s6 =	simm.s32 @!p1 $0x1082;
	[sflag:s4] =	ssyncset.s32 $0xFFFFF086  }
0x25: {  	[simem:s6], [sflag:s4] =	dma.local [hbm:s3], $0xF7A  }
0x26: {  	[smem:$0x3F95] =	sst s1;
	(tag) =	ssettag s2;
	_ =	strace s9  }
0x27: {  	s1 =	sld [smem:$0x3FA5]  }
0x28: {  	s2 =	sld [smem:$0x3FA6]  }
0x29: {  	s4 =	sld [smem:$0x3FA8]  }
0x2a: {  	p0 =	seq.s32 s5, $0x0;
	s5 =	sld [smem:$0x3FA9]  }
0x2b: {  	s6 =	sld [smem:$0x3FAA]  }
0x2c: {  	s7 =	sld [smem:$0x3FAB]  }
0x2d: {  	s3 =	simm.s32 $0x108;
	s8 =	sld [smem:$0x3FAC]  }
0x2e: {  	s3 =	simm.s32 @!p0 $0x1082;
	s9 =	sld [smem:$0x3FAD]  }
0x2f: {  	lr =	sadd.s32 s0, s3;
	s0 =	sld [smem:$0x3FA4]  }
0x30: {  	s3 =	sld [smem:$0x3FA7]  }
0x31: {  	[smem:$0x3FB0] =	sst s10  }
0x32: {  	s10 =	sld [smem:$0x3FAE];
	_ =	sdelay $0x3  }
0x33: {  	p0 =	seq.s32 s10, $0x1;
	s10 =	sld [smem:$0x3FB0];
	_ =	sdelay $0x3  }
0x34: {  	[smem:$0x3FB0] =	sst s10  }
0x35: {  	s10 =	sld [smem:$0x3FAF];
	_ =	sdelay $0x3  }
0x36: {  	p1 =	seq.s32 s10, $0x1;
	s10 =	sld [smem:$0x3FB0];
	_ =	sdelay $0x3  }
0x37: {  	[smem:$0x3FB0] =	sst s10  }
0x38: {  	s10 =	sld [smem:$0x3FB1]  }
0x39: {  	_ = 	snop;
	(pc) =	sbr.ind lr, $3  }
0x3a: {  	_ = 	snop  }
0x3b: {  	_ = 	snop  }
0x3c: {  	p2 =	seq.s32 s10, $0x1;
	s10 =	sld [smem:$0x3FB0]  }
0x3d: {  	_ =	shalt  }
0x3e: {  	_ =	shalt  }
0x3f: {  	_ =	shalt  }
0x40: {  	_ =	shalt  }
0x41: {  	_ =	shalt  }
0x42: {  	_ =	shalt  }
0x43: {  	_ =	shalt  }
0x44: {  	_ =	shalt  }
0x45: {  	_ =	shalt  }
0x46: {  	_ =	shalt  }
0x47: {  	_ =	shalt  }
0x48: {  	_ =	shalt  }
0x49: {  	_ =	shalt  }
0x4a: {  	_ =	shalt  }
0x4b: {  	_ =	shalt  }
0x4c: {  	_ =	shalt  }
0x4d: {  	_ =	shalt  }
0x4e: {  	_ =	shalt  }
0x4f: {  	_ =	shalt  }
0x50: {  	_ =	shalt  }
0x51: {  	_ =	shalt  }
0x52: {  	_ =	shalt  }
0x53: {  	_ =	shalt  }
0x54: {  	_ =	shalt  }
0x55: {  	_ =	shalt  }
0x56: {  	_ =	shalt  }
0x57: {  	_ =	shalt  }
0x58: {  	_ =	shalt  }
0x59: {  	_ =	shalt  }
0x5a: {  	_ =	shalt  }
0x5b: {  	_ =	shalt  }
0x5c: {  	_ =	shalt  }
0x5d: {  	_ =	shalt  }
0x5e: {  	_ =	shalt  }
0x5f: {  	_ =	shalt  }
0x60: {  	_ =	shalt  }
0x61: {  	_ =	shalt  }
0x62: {  	_ =	shalt  }
0x63: {  	_ =	shalt  }
0x64: {  	_ =	shalt  }
0x65: {  	_ =	shalt  }
0x66: {  	_ =	shalt  }
0x67: {  	_ =	shalt  }
0x68: {  	_ =	shalt  }
0x69: {  	_ =	shalt  }
0x6a: {  	_ =	shalt  }
0x6b: {  	_ =	shalt  }
0x6c: {  	_ =	shalt  }
0x6d: {  	_ =	shalt  }
0x6e: {  	_ =	shalt  }
0x6f: {  	_ =	shalt  }
0x70: {  	_ =	shalt  }
0x71: {  	_ =	shalt  }
0x72: {  	_ =	shalt  }
0x73: {  	_ =	shalt  }
0x74: {  	_ =	shalt  }
0x75: {  	_ =	shalt  }
0x76: {  	_ =	shalt  }
0x77: {  	_ =	shalt  }
0x78: {  	_ =	shalt  }
0x79: {  	_ =	shalt  }
0x7a: {  	_ =	shalt  }
0x7b: {  	_ =	shalt  }
0x7c: {  	_ =	shalt  }
0x7d: {  	_ =	shalt  }
0x7e: {  	_ =	shalt  }
0x7f: {  	_ =	shalt  }
0x80: {  	_ =	shalt  }
0x81: {  	_ =	shalt  }
0x82: {  	_ =	shalt  }
0x83: {  	_ =	shalt  }
0x84: {  	_ =	shalt  }
0x85: {  	_ =	shalt  }
0x86: {  	_ =	shalt  }
0x87: {  	_ =	shalt  }
.Lfunc_end0:
.L_simem_size_0:
called_computation_lowered:
.L_overlay_start_0:
0x88: {  	s2 =	sld [smem:$0x3FD9]  }
0x89: {  	s3 =	sld [smem:$0x3FFE];
	_ =	sdelay $0x1  }
0x8a: {  	s1 =	srdreg.scid  }
0x8b: {  	s0 =	sand.u32 $0x1, s1  }
0x8c: {  	s17 =	sshll.u32 s0, $0xA;
	s2 =	sadd.s32 s3, s2  }
0x8d: {  	s2 =	sadd.s32 s2, s17  }
0x8e: {  	[smem:$0x3FBC] =	sst s2  }
0x8f: {  	_ = 	snop  }
0x90: {  	s2 =	sld [smem:$0x3FC9];
	(tm) =	ssettm $0x1  }
0x91: {  	s18 =	sld [smem:$0x3FFB];
	_ =	sdelay $0x3  }
0x92: {  	_ =	strace s18  }
0x93: {  	s3 =	sld [smem:$0x3FFC];
	_ =	sdelay $0x3  }
0x94: {  	_ =	strace s3  }
0x95: {  	s3 =	sld [smem:$0x3FFD];
	_ =	sdelay $0x3  }
0x96: {  	_ =	strace s3  }
0x97: {  	_ =	strace $0x8FFFFFFF  }
0x98: {  	s19 =	sld [smem:$0x3FDB];
	_ =	sdelay $0x1  }
0x99: {  	s4 =	simm.s32 $_scs_section_size  }
0x9a: {  	s5 =	simm.s32 $_size__tile_overlayer_lowered;
	s6 =	simm.s32 $_tile_overlayer_lowered  }
0x9b: {  	s22 =	simm.s32 $0x1BFF;
	s21 =	sshll.u32 s6, $0x1;
	s3 =	sadd.s32 s4, s19  }
0x9c: {  	s7 =	simm.s32 $0x0;
	s20 =	sshll.u32 s5, $0x1;
	s5 =	sadd.s32 s21, s3  }
0x9d: {  	[timem:s7], [sflag:s22] =	dma.local [hbm:s5], s20  }
0x9e: {  	_ =	swait.ge [sflag:s22], s20  }
0x9f: {  	s4 =	ssub.s32 $0x0, s20;
	[sflag:s22] =	ssyncset.done $0x0  }
0xa0: {  	[sflag:s22] =	ssyncadd.s32 s4;
	_ =	sdelay $0x1  }
0xa1: {  	s23 =	simm.s32 $0x1B8B  }
0xa2: {  	_ =	swait.ge [sflag:s23], $0x1  }
0xa3: {  	[sflag:s23] =	ssyncset.done $0x0  }
0xa4: {  	s25 =	simm.s32 $0x1B8E;
	s24 =	sld [smem:$0x3FFE];
	[sflag:s23] =	ssyncadd.s32 $0xFFFFFFFF  }
0xa5: {  	s26 =	simm.s32 $execute0_lowered;
	[smem:$0x3FD2] =	sst s25  }
0xa6: {  	s5 =	sshll.u32 s26, $0x1;
	_ =	strace $0x80000046;
	[dreg:$0x1] =	wrdreg $0xFFFFFFFF  }
0xa7: {  	s28 =	simm.s32 $_size_execute0_lowered;
	s3 =	sadd.s32 s3, s5;
	[dreg:$0x0] =	wrdreg $0x0  }
0xa8: {  	s5 =	sshll.u32 s28, $0x1;
	[dreg:$0x2] =	wrdreg s3  }
0xa9: {  	[dreg:$0x3] =	wrdreg s5  }
0xaa: {  	[dreg:$0x4] =	wrdreg $0xC0  }
0xab: {  	_ =	task [dreg:s7], $0x5FFFF  }
0xac: {  	[dreg:$0x1] =	wrdreg $0xFFFFFFFF  }
0xad: {  	[dreg:$0x0] =	wrdreg $0x60  }
0xae: {  	[dreg:$0x2] =	wrdreg s2  }
0xaf: {  	[dreg:$0x3] =	wrdreg s24  }
0xb0: {  	[dreg:$0x4] =	wrdreg $0x41000  }
0xb1: {  	[dreg:$0x5] =	wrdreg $0x9  }
0xb2: {  	_ =	task.clear_ibuf [dreg:s7], $0x6FFFF;
	_ =	strace $0x90000046  }
0xb3: {  	s29 =	simm.s32 $0x9;
	_ =	strace $0x80000048  }
0xb4: {  	_ =	swait.ge [sflag:s29], $0x1  }
0xb5: {  	[sflag:s29] =	ssyncadd.s32 $0xFFFFFFFF  }
0xb6: {  	_ =	strace $0x90000048  }
0xb7: {  	_ =	sfence  }
0xb8: {  	s30 =	sld [smem:$0x0];
	_ =	sdelay $0x2  }
0xb9: {  	s31 =	sshll.u32 s1, $0xD;
	s1 =	sshrl.u32 s1, $0x2  }
0xba: {  	s3 =	sand.u32 $0x4000, s31;
	s1 =	sadd.s32 s1, s30  }
0xbb: {  	s0 =	sor.u32 s3, s0;
	s1 =	sshll.u32 s1, $0x11  }
0xbc: {  	s0 =	sor.u32 s1, s0  }
0xbd: {  	s0 =	sadd.s32 $0x8F2B, s0  }
0xbe: {  	[sflag:s0] =	ssyncadd.remote.s32 $0x1  }
0xbf: {  	_ =	sfence.sel $0xFFFF  }
0xc0: {  	[dreg:$0x0] =	wrdreg $0xFFFFFFFF;
	(pc) =	sbr.abs _section_cstart, $3  }
0xc1: {  	[dreg:$0x1] =	wrdreg $0xFFFFFFFF  }
0xc2: {  	_ =	task.clear_ibuf [dreg:s7], $0x2FFFF;
	_ =	strace $0x9FFFFFFF  }
0xc3: {  	(tm) =	ssettm $0x7FFFFFFF  }
tec
execute0_lowered:
.L_overlay_start_1:
0x0: {  	(tag) =	ssettag $0x1  }
0x1: {  	s1 =	rddreg [dreg:$0x0]  }
0x2: {  	s0 =	rddreg [dreg:$0x1]  }
0x3: {  	s2 =	rddreg [dreg:$0x2];
	s3 =	simm.s32 $0x0;
	s4 =	srdreg.scid  }
0x4: {  	s15 =	stileid.u32;
	s28 =	simm.s32 $0x1;
	s29 =	simm.s32 $0x3  }
0x5: {  	s30 =	simm.s32 $0x0;
	s31 =	simm.s32 $0x0;
	[smem:$0x7FF] =	sst s3  }
0x6: {  	s4 =	sand.u32 $0x1, s4;
	s5 =	sadd.s32 $0x9D5200, s0;
	s10 =	smul.u32 $0x50000, s15  }
0x7: {  	s6 =	sadd.s32 $0x3200, s0;
	s7 =	sadd.s32 $0xD000, s0;
	s17 =	smul.u32 $0x280, s15  }
0x8: {  	_ =	strace $0x80000047;
	s8 =	ssub.s32 $0x2, s4;
	s22 =	sshll.u32 s4, $0x4  }
0x9: {  	p0 =	seq.s32 s4, $0x0;
	s9 =	sshrl.u32 s8, $0x1;
	s23 =	sor.u32 s15, s22  }
0xa: {  	s24 =	sshrl.u32 s10, $0x2;
	s10 =	sadd.s32 $0x80, s17;
	s18 =	sadd.s32 $0x100, s17  }
0xb: {  	s20 =	sadd.s32 $0x200, s17;
	s22 =	simm.s32 $0x16E00;
	s11 =	ssub.s32 s8, s9  }
0xc: {  	s8 =	sadd.s32 s24, s2;
	s9 =	smul.u32 $0x2780, s23;
	s24 =	sshll.u32 s10, $0x7  }
0xd: {  	s4 =	sshll.u32 s10, $0x4;
	s16 =	sshll.u32 s18, $0x7;
	s21 =	sshll.u32 s18, $0x4  }
0xe: {  	s22 =	simm.s32 @!p0 $0x3EE00;
	s25 =	smax.u32 s11, $0x1;
	s26 =	sadd.s32 $0x4000, s8  }
0xf: {  	s12 =	sadd.s32 $0x8000, s8;
	s13 =	sadd.s32 $0xC000, s8;
	s14 =	sadd.s32 $0x10000, s8  }
0x10: {  	s11 =	smul.u32 $0x2800, s15;
	s15 =	sadd.s32 s24, s2;
	s16 =	sadd.s32 s16, s2  }
0x11: {  	s0 =	sadd.s32 s22, s0;
	s24 =	sshll.u32 s20, $0x4;
	[dreg:$0x4] =	wrdreg s25  }
0x12: {  	[dreg:$0x5] =	wrdreg s26;
	s25 =	sadd.s32 $0x180, s17;
	s26 =	sshll.u32 s20, $0x7  }
0x13: {  	s20 =	sadd.s32 s0, s4;
	s21 =	sadd.s32 s0, s21;
	s19 =	sshll.u32 s25, $0x7  }
0x14: {  	s23 =	sshll.u32 s25, $0x4;
	s18 =	sadd.s32 s26, s2;
	s25 =	simm.s32 $0x2  }
0x15: {  	s26 =	simm.s32 $0x80;
	s17 =	sadd.s32 s19, s2;
	s19 =	sadd.s32 s0, s11  }
0x16: {  	v0 =	vimm.f32 $0.0e+00;
	s22 =	sadd.s32 s0, s23;
	s23 =	sadd.s32 s0, s24;
	s24 =	simm.s32 $0x100  }
.LBB2_1:
0x17: {  	s0 =	simm.s32 $0x0;
	s4 =	simm.s32 $0x200  }
.LBB2_2:
0x18: {  	p1 =	sne.s32 s4, $0xFE00;
	[tilespmem:s0+$0x170] =	vst v0  }
0x19: {  	[tilespmem:s0+$0x100] =	vst v0  }
0x1a: {  	[tilespmem:s0+$0x110] =	vst v0  }
.Ltmp0:
0x1b: {  	[tilespmem:s0+$0x120] =	vst v0;
	(pc) =	sbr.rel @p1 .LBB2_2-.Ltmp0, $4  }
0x1c: {  	[tilespmem:s0+$0x130] =	vst v0  }
0x1d: {  	[tilespmem:s0+$0x140] =	vst v0  }
0x1e: {  	[tilespmem:s0+$0x150] =	vst v0  }
0x1f: {  	[tilespmem:s0+$0x160] =	vst v0;
	s0 =	sshra.s32 s4, $0x2;
	s4 =	sadd.s32 $0x200, s4  }
0x20: {  	[tilespmem:s0+$0x170] =	vst v0  }
0x21: {  	[tilespmem:s0+$0x100] =	vst v0  }
0x22: {  	[tilespmem:s0+$0x110] =	vst v0  }
0x23: {  	[tilespmem:s0+$0x120] =	vst v0  }
0x24: {  	[tilespmem:s0+$0x130] =	vst v0  }
0x25: {  	[tilespmem:s0+$0x140] =	vst v0  }
0x26: {  	[tilespmem:s0+$0x150] =	vst v0  }
0x27: {  	[tilespmem:s0+$0x160] =	vst v0  }
0x28: {  	[spmem:s8] =	stream.linear.scatter [tilespmem:s24], [sflag:$0x2], $0x4000, $0x38;
	[tilespmem:$0x18100] =	vst v63  }
0x29: {  	_ =	swait.ge [sflag:s25], $0x4000  }
0x2a: {  	[sflag:s25] =	ssyncset.done $0x0  }
0x2b: {  	s11 =	rddreg [dreg:$0x5];
	[sflag:s25] =	ssyncadd.s32 $0xFFFFC000  }
0x2c: {  	[spmem:s11] =	stream.linear.scatter [tilespmem:s24], [sflag:$0x2], $0x4000, $0x38;
	[tilespmem:$0x18100] =	vst v63  }
0x2d: {  	_ =	swait.ge [sflag:s25], $0x4000  }
0x2e: {  	[sflag:s25] =	ssyncset.done $0x0  }
0x2f: {  	[sflag:s25] =	ssyncadd.s32 $0xFFFFC000  }
0x30: {  	[spmem:s12] =	stream.linear.scatter [tilespmem:s24], [sflag:$0x2], $0x4000, $0x38;
	[tilespmem:$0x18100] =	vst v63  }
0x31: {  	_ =	swait.ge [sflag:s25], $0x4000  }
0x32: {  	[sflag:s25] =	ssyncset.done $0x0  }
0x33: {  	[sflag:s25] =	ssyncadd.s32 $0xFFFFC000  }
0x34: {  	[spmem:s13] =	stream.linear.scatter [tilespmem:s24], [sflag:$0x2], $0x4000, $0x38;
	[tilespmem:$0x18100] =	vst v63  }
0x35: {  	_ =	swait.ge [sflag:s25], $0x4000  }
0x36: {  	[sflag:s25] =	ssyncset.done $0x0  }
0x37: {  	[sflag:s25] =	ssyncadd.s32 $0xFFFFC000  }
0x38: {  	[spmem:s14] =	stream.linear.scatter [tilespmem:s24], [sflag:$0x2], $0x4000, $0x38;
	[tilespmem:$0x18100] =	vst v63  }
0x39: {  	_ =	swait.ge [sflag:s25], $0x4000  }
0x3a: {  	[sflag:s25] =	ssyncset.done $0x0  }
0x3b: {  	[sflag:s25] =	ssyncadd.s32 $0xFFFFC000  }
0x3c: {  	s0 =	simm.s32 $0x0;
	[bflag:$0x0] =	sbarrier.arrive $0xFFFF  }
.LBB2_4:
0x3d: {  	s4 =	sshll.u32 s0, $0x7  }
0x3e: {  	s4 =	sadd.s32 s9, s4  }
0x3f: {  	s10 =	sshrl.u32 s4, $0x3  }
0x40: {  	s11 =	sadd.s32 s6, s10  }
0x41: {  	[tilespmem:s31], [sflag:$0x2] =	stream.linear.gather [hbm4b:s11+s31], $0x80, $0x38;
	[tilespmem:$0x18100] =	vst v63  }
0x42: {  	_ =	swait.ge [sflag:s25], $0x80  }
0x43: {  	[sflag:s25] =	ssyncset.done $0x0  }
0x44: {  	s10 =	sadd.s32 s7, s10;
	[sflag:s25] =	ssyncadd.s32 $0xFFFFFF80  }
0x45: {  	[tilespmem:s26], [sflag:$0x2] =	stream.linear.gather [hbm4b:s10+s31], $0x80, $0x38;
	[tilespmem:$0x18100] =	vst v63  }
0x46: {  	_ =	swait.ge [sflag:s25], $0x80  }
0x47: {  	s4 =	sshll.u32 s4, $0x4;
	[sflag:s25] =	ssyncset.done $0x0  }
0x48: {  	s4 =	sadd.s32 s5, s4;
	[sflag:s25] =	ssyncadd.s32 $0xFFFFFF80  }
0x49: {  	[tilespmem:s24], [sflag:$0x2] =	stream.linear.gather [hbm4b:s4+s31], $0x4000, $0x38;
	[tilespmem:$0x18100] =	vst v63  }
0x4a: {  	_ =	swait.ge [sflag:s25], $0x4000  }
0x4b: {  	[sflag:s25] =	ssyncset.done $0x0  }
0x4c: {  	[sflag:s25] =	ssyncadd.s32 $0xFFFFC000  }
0x4d: {  	[tilespmem:s24], [sflag:$0x1] =	stream.indirect.gather.add.f32 [hbm:s1], $0x80, s31, s26, $0xb8;
	[tilespmem:$0x18100] =	vst v63  }
0x4e: {  	_ =	swait.ge [sflag:s28], $0x4000  }
0x4f: {  	[sflag:s28] =	ssyncset.done $0x0  }
0x50: {  	s4 =	simm.s32 $0x0;
	[sflag:s28] =	ssyncadd.s32 $0xFFFFC000  }
0x51: {  	v3 =	vld [tilespmem:s4+$0x100]  }
0x52: {  	v5 =	vld [tilespmem:s4+$0x110]  }
0x53: {  	v4 =	vld [tilespmem:s4+$0x120]  }
0x54: {  	v2 =	vld [tilespmem:s4+$0x130]  }
0x55: {  	v1 =	vld [tilespmem:s4+$0x140]  }
0x56: {  	v6 =	vmax.f32 v3, $0.0e+00;
	v3 =	vld [tilespmem:s4+$0x150]  }
0x57: {  	s10 =	simm.s32 $0x200;
	[tilespmem:s4+$0x100] =	vst v6;
	v6 =	vmax.f32 v5, $0.0e+00;
	v5 =	vld [tilespmem:s4+$0x160]  }
.LBB2_5:
0x58: {  	s11 =	sshra.s32 s10, $0x2;
	p1 =	sne.s32 s10, $0xFE00;
	[tilespmem:s4+$0x110] =	vst v6;
	v4 =	vmax.f32 v4, $0.0e+00;
	v6 =	vld [tilespmem:s4+$0x170]  }
0x59: {  	v7 =	vld [tilespmem:s11+$0x100];
	[tilespmem:s4+$0x120] =	vst v4;
	v2 =	vmax.f32 v2, $0.0e+00  }
0x5a: {  	v8 =	vld [tilespmem:s11+$0x110];
	[tilespmem:s4+$0x130] =	vst v2;
	v1 =	vmax.f32 v1, $0.0e+00  }
.Ltmp1:
0x5b: {  	v4 =	vld [tilespmem:s11+$0x120];
	[tilespmem:s4+$0x140] =	vst v1;
	v1 =	vmax.f32 v3, $0.0e+00;
	(pc) =	sbr.rel @p1 .LBB2_5-.Ltmp1, $4  }
0x5c: {  	v2 =	vld [tilespmem:s11+$0x130];
	[tilespmem:s4+$0x150] =	vst v1;
	v3 =	vmax.f32 v5, $0.0e+00  }
0x5d: {  	v1 =	vld [tilespmem:s11+$0x140];
	[tilespmem:s4+$0x160] =	vst v3;
	v5 =	vmax.f32 v6, $0.0e+00  }
0x5e: {  	v6 =	vmax.f32 v7, $0.0e+00;
	v3 =	vld [tilespmem:s11+$0x150];
	[tilespmem:s4+$0x170] =	vst v5;
	s4 =	smov.u32 s11  }
0x5f: {  	s10 =	sadd.s32 $0x200, s10;
	[tilespmem:s4+$0x100] =	vst v6;
	v6 =	vmax.f32 v8, $0.0e+00;
	v5 =	vld [tilespmem:s4+$0x160]  }
0x60: {  	[tilespmem:s4+$0x110] =	vst v6;
	v4 =	vmax.f32 v4, $0.0e+00;
	v63 =	vld [tilespmem:s4+$0x170]  }
0x61: {  	[tilespmem:s4+$0x120] =	vst v4;
	v2 =	vmax.f32 v2, $0.0e+00  }
0x62: {  	[tilespmem:s4+$0x130] =	vst v2;
	v1 =	vmax.f32 v1, $0.0e+00  }
0x63: {  	[tilespmem:s4+$0x140] =	vst v1;
	v1 =	vmax.f32 v3, $0.0e+00  }
0x64: {  	s0 =	sadd.s32 $0x1, s0;
	[tilespmem:s4+$0x150] =	vst v1;
	v1 =	vmax.f32 v5, $0.0e+00  }
0x65: {  	p1 =	sne.s32 s0, $0x4F;
	[tilespmem:s4+$0x160] =	vst v1;
	v1 =	vmax.f32 v63, $0.0e+00  }
.Ltmp2:
0x66: {  	[tilespmem:s4+$0x170] =	vst v1;
	(pc) =	sbr.rel @p1 .LBB2_4-.Ltmp2, $4  }
0x67: {  	[spmem:s2] =	stream.indirect.scatter.add.f32 [tilespmem:s24], [sflag:$0x2], $0x80, s26, s26, $0xb8;
	[tilespmem:$0x18100] =	vst v63  }
0x68: {  	_ =	swait.ge [sflag:s25], $0x4000  }
0x69: {  	[sflag:s25] =	ssyncset.done $0x0  }
0x6a: {  	[sflag:s25] =	ssyncadd.s32 $0xFFFFC000  }
0x6b: {  	[bflag:$0x0] =	sbarrier.arrive $0xFFFF  }
0x6c: {  	[tilespmem:s24], [sflag:$0x3] =	stream.linear.gather [spmem:s8], $0x4000, $0x38;
	[tilespmem:$0x18100] =	vst v63  }
0x6d: {  	_ =	swait.ge [sflag:s29], $0x4000  }
0x6e: {  	s0 =	simm.s32 $0x3;
	[sflag:s29] =	ssyncset.done $0x0  }
0x6f: {  	s0 =	simm.s32 @!p0 $0x2;
	[sflag:s29] =	ssyncadd.s32 $0xFFFFC000  }
0x70: {  	[hbm4b:s19+s3] =	stream.linear.scatter [tilespmem:s24], [sflag:s0], $0x4000, $0x38;
	[tilespmem:$0x18100] =	vst v63  }
0x71: {  	_ =	swait.ge [sflag:s0], $0x4000  }
0x72: {  	[sflag:s0] =	ssyncset.done $0x0  }
0x73: {  	[sflag:s0] =	ssyncadd.s32 $0xFFFFC000  }
0x74: {  	[tilespmem:s24], [sflag:$0x3] =	stream.linear.gather [spmem:s15], $0x4000, $0x38;
	[tilespmem:$0x18100] =	vst v63  }
0x75: {  	_ =	swait.ge [sflag:s29], $0x4000  }
0x76: {  	[sflag:s29] =	ssyncset.done $0x0  }
0x77: {  	[sflag:s29] =	ssyncadd.s32 $0xFFFFC000  }
0x78: {  	[hbm4b:s20+s3] =	stream.linear.scatter [tilespmem:s24], [sflag:s0], $0x4000, $0x38;
	[tilespmem:$0x18100] =	vst v63  }
0x79: {  	_ =	swait.ge [sflag:s0], $0x4000  }
0x7a: {  	[sflag:s0] =	ssyncset.done $0x0  }
0x7b: {  	[sflag:s0] =	ssyncadd.s32 $0xFFFFC000  }
0x7c: {  	[tilespmem:s24], [sflag:$0x3] =	stream.linear.gather [spmem:s16], $0x4000, $0x38;
	[tilespmem:$0x18100] =	vst v63  }
0x7d: {  	_ =	swait.ge [sflag:s29], $0x4000  }
0x7e: {  	[sflag:s29] =	ssyncset.done $0x0  }
0x7f: {  	[sflag:s29] =	ssyncadd.s32 $0xFFFFC000  }
0x80: {  	[hbm4b:s21+s3] =	stream.linear.scatter [tilespmem:s24], [sflag:s0], $0x4000, $0x38;
	[tilespmem:$0x18100] =	vst v63  }
0x81: {  	_ =	swait.ge [sflag:s0], $0x4000  }
0x82: {  	[sflag:s0] =	ssyncset.done $0x0  }
0x83: {  	[sflag:s0] =	ssyncadd.s32 $0xFFFFC000  }
0x84: {  	[tilespmem:s24], [sflag:$0x3] =	stream.linear.gather [spmem:s17], $0x4000, $0x38;
	[tilespmem:$0x18100] =	vst v63  }
0x85: {  	_ =	swait.ge [sflag:s29], $0x4000  }
0x86: {  	[sflag:s29] =	ssyncset.done $0x0  }
0x87: {  	[sflag:s29] =	ssyncadd.s32 $0xFFFFC000  }
0x88: {  	[hbm4b:s22+s3] =	stream.linear.scatter [tilespmem:s24], [sflag:s0], $0x4000, $0x38;
	[tilespmem:$0x18100] =	vst v63  }
0x89: {  	_ =	swait.ge [sflag:s0], $0x4000  }
0x8a: {  	[sflag:s0] =	ssyncset.done $0x0  }
0x8b: {  	[sflag:s0] =	ssyncadd.s32 $0xFFFFC000  }
0x8c: {  	[tilespmem:s24], [sflag:$0x3] =	stream.linear.gather [spmem:s18], $0x4000, $0x38;
	[tilespmem:$0x18100] =	vst v63  }
0x8d: {  	_ =	swait.ge [sflag:s29], $0x4000  }
0x8e: {  	[sflag:s29] =	ssyncset.done $0x0  }
0x8f: {  	[sflag:s29] =	ssyncadd.s32 $0xFFFFC000  }
0x90: {  	[hbm4b:s23+s3] =	stream.linear.scatter [tilespmem:s24], [sflag:s0], $0x4000, $0x38;
	[tilespmem:$0x18100] =	vst v63  }
0x91: {  	_ =	swait.ge [sflag:s0], $0x4000  }
0x92: {  	s30 =	sadd.s32 $0x1, s30;
	s4 =	rddreg [dreg:$0x4]  }
0x93: {  	p1 =	sne.s32 s30, s4  }
.Ltmp3:
0x94: {  	_ = 	snop;
	(pc) =	sbr.rel @p1 .LBB2_1-.Ltmp3, $3  }
0x95: {  	_ =	sdelay $0x1  }
0x96: {  	[sflag:s0] =	ssyncset.done $0x0  }
0x97: {  	[sflag:s0] =	ssyncadd.s32 $0xFFFFC000  }
0x98: {  	_ =	sfence.sel $0x180000  }
0x99: {  	[bflag:$0x0] =	sbarrier.arrive $0xFFFF  }
0x9a: {  	_ =	strace $0x90000047  }
0x9b: {  	s0 =	stileid.u32;
	[bflag:$0x2] =	sbarrier.arrive $0xFFFF  }
0x9c: {  	p0 =	sne.s32 s0, $0x0;
	s0 =	rddreg [dreg:$0x3]  }
0x9d: {  	s0 =	sadd.s32 @!p0 $0x100000, s0  }
0x9e: {  	[sflag:s0] =	ssyncadd.tile.s32 @!p0 $0x1;
	_ =	shalt  }
.Lfunc_end2:
_tile_overlayer_lowered:
.L_overlay_start_2:
0x9f: {  	(tag) =	ssettag $0x2  }
0xa0: {  	s0 =	rddreg [dreg:$0x0];
	s2 =	stileid.u32  }
0xa1: {  	s1 =	rddreg [dreg:$0x1];
	p0 =	sne.s32 s2, $0x0  }
0xa2: {  	s3 =	rddreg [dreg:$0x2];
	[bflag:$0x3] =	sbarrier.arrive $0xFFFF;
	s2 =	simm.s32 @!p0 $0x1C02  }
0xa3: {  	[timem:s3], [sflag:s2] =	dma.local @!p0 [hbm:s0], s1  }
0xa4: {  	s0 =	simm.s32 @!p0 $0x2  }
0xa5: {  	_ =	swait.ge @!p0 [sflag:s0], s1  }
0xa6: {  	s1 =	ssub.s32 @!p0 $0x0, s1;
	[sflag:s0] =	ssyncset.done @!p0 $0x0  }
0xa7: {  	[sflag:s0] =	ssyncadd.s32 @!p0 s1  }
0xa8: {  	[bflag:$0x3] =	sbarrier.arrive $0xFFFF  }
0xa9: {  	_ =	shalt  }

// kernel: kernel.13.cloned.1.call-start
scs
__scs_entry_jumppad:
0x0: {  	(pc) =	sbr.rel $0x88, $3  }
0x1: {  	(tag) =	ssettag $0x0;
	lr =	simm.s32 $0x1  }
0x2: {  	[smem:$0x3F95] =	sst lr;
	_ =	strace $0xD0000000  }
0x3: {  	_ = 	snop  }
0x4: {  	_ = 	snop  }
0x5: {  	_ = 	snop  }
0x6: {  	_ = 	snop  }
0x7: {  	_ = 	snop  }
__scs_overlays_trampoline_lowered:
0x8: {  	[smem:$0x3FA4] =	sst s0  }
0x9: {  	[smem:$0x3FA5] =	sst s1  }
0xa: {  	[smem:$0x3FA6] =	sst s2  }
0xb: {  	[smem:$0x3FA7] =	sst s3  }
0xc: {  	[smem:$0x3FA8] =	sst s4  }
0xd: {  	[smem:$0x3FA9] =	sst s5  }
0xe: {  	[smem:$0x3FAA] =	sst s6  }
0xf: {  	[smem:$0x3FAB] =	sst s7  }
0x10: {  	[smem:$0x3FAC] =	sst s8  }
0x11: {  	[smem:$0x3FAD] =	sst s9;
	s0 =	simm.s32 @!p0 $0x0  }
0x12: {  	s1 =	sld [smem:$0x3F93];
	s0 =	simm.s32 @p0 $0x1  }
0x13: {  	[smem:$0x3FAE] =	sst s0;
	s0 =	simm.s32 @!p1 $0x0  }
0x14: {  	s2 =	sld [smem:$0x3F92];
	s0 =	simm.s32 @p1 $0x1  }
0x15: {  	[smem:$0x3FAF] =	sst s0;
	s0 =	simm.s32 @!p2 $0x0  }
0x16: {  	s3 =	sld [smem:$0x3FDB];
	s0 =	simm.s32 @p2 $0x1  }
0x17: {  	s4 =	simm.s32 $0x1BF5;
	[smem:$0x3FB1] =	sst s0  }
0x18: {  	s0 =	sld [smem:$0x3F94];
	_ =	swait.ge [sflag:s4], $0x0  }
0x19: {  	s7 =	sld [smem:$0x3F95]  }
0x1a: {  	s8 =	sadd.s32 $0xFFFFE003, lr  }
0x1b: {  	s9 =	sadd.s32 $0xFFFFFEF7, lr;
	s5 =	simm.s32 $0xFFFFFFFF;
	p2 =	slt.u32 s8, $0xFFFFF086  }
0x1c: {  	p1 =	slt.u32 s9, $0xF7A;
	s5 =	simm.s32 @!p2 $0x0  }
0x1d: {  	s5 =	simm.s32 @p1 $0x1;
	p0 =	seq.s32 s7, s2  }
0x1e: {  	s7 =	smul.u32 @!p0 $0xF7A, s2;
	p2 =	seq.s32 @!p0 s5, $0x0  }
0x1f: {  	s9 =	smul.u32 $0xF7A, s1;
	s8 =	simm.s32 @!p0 $0x1BF5;
	p2 =	por !p2, p0  }
0x20: {  	[sflag:s8] =	ssyncset.s32 @!p0 $0xFFFFF086;
	s6 =	sadd.s32 @!p0 s3, s7;
	s7 =	simm.s32 @!p0 $0x108  }
0x21: {  	s3 =	sadd.s32 s3, s9;
	s6 =	sadd.s32 @!p0 $0x88, s6;
	s7 =	simm.s32 @p2 $0x1082  }
0x22: {  	[simem:s7], [sflag:s8] =	dma.local @!p0 [hbm:s6], $0xF7A  }
0x23: {  	s9 =	sor.u32 $0xD0000000, s2;
	s6 =	simm.s32 $0x108;
	_ =	swait.ge @!p0 [sflag:s8], $0x0  }
0x24: {  	s3 =	sadd.s32 $0x88, s3;
	s6 =	simm.s32 @!p1 $0x1082;
	[sflag:s4] =	ssyncset.s32 $0xFFFFF086  }
0x25: {  	[simem:s6], [sflag:s4] =	dma.local [hbm:s3], $0xF7A  }
0x26: {  	[smem:$0x3F95] =	sst s1;
	(tag) =	ssettag s2;
	_ =	strace s9  }
0x27: {  	s1 =	sld [smem:$0x3FA5]  }
0x28: {  	s2 =	sld [smem:$0x3FA6]  }
0x29: {  	s4 =	sld [smem:$0x3FA8]  }
0x2a: {  	p0 =	seq.s32 s5, $0x0;
	s5 =	sld [smem:$0x3FA9]  }
0x2b: {  	s6 =	sld [smem:$0x3FAA]  }
0x2c: {  	s7 =	sld [smem:$0x3FAB]  }
0x2d: {  	s3 =	simm.s32 $0x108;
	s8 =	sld [smem:$0x3FAC]  }
0x2e: {  	s3 =	simm.s32 @!p0 $0x1082;
	s9 =	sld [smem:$0x3FAD]  }
0x2f: {  	lr =	sadd.s32 s0, s3;
	s0 =	sld [smem:$0x3FA4]  }
0x30: {  	s3 =	sld [smem:$0x3FA7]  }
0x31: {  	[smem:$0x3FB0] =	sst s10  }
0x32: {  	s10 =	sld [smem:$0x3FAE];
	_ =	sdelay $0x3  }
0x33: {  	p0 =	seq.s32 s10, $0x1;
	s10 =	sld [smem:$0x3FB0];
	_ =	sdelay $0x3  }
0x34: {  	[smem:$0x3FB0] =	sst s10  }
0x35: {  	s10 =	sld [smem:$0x3FAF];
	_ =	sdelay $0x3  }
0x36: {  	p1 =	seq.s32 s10, $0x1;
	s10 =	sld [smem:$0x3FB0];
	_ =	sdelay $0x3  }
0x37: {  	[smem:$0x3FB0] =	sst s10  }
0x38: {  	s10 =	sld [smem:$0x3FB1]  }
0x39: {  	_ = 	snop;
	(pc) =	sbr.ind lr, $3  }
0x3a: {  	_ = 	snop  }
0x3b: {  	_ = 	snop  }
0x3c: {  	p2 =	seq.s32 s10, $0x1;
	s10 =	sld [smem:$0x3FB0]  }
0x3d: {  	_ =	shalt  }
0x3e: {  	_ =	shalt  }
0x3f: {  	_ =	shalt  }
0x40: {  	_ =	shalt  }
0x41: {  	_ =	shalt  }
0x42: {  	_ =	shalt  }
0x43: {  	_ =	shalt  }
0x44: {  	_ =	shalt  }
0x45: {  	_ =	shalt  }
0x46: {  	_ =	shalt  }
0x47: {  	_ =	shalt  }
0x48: {  	_ =	shalt  }
0x49: {  	_ =	shalt  }
0x4a: {  	_ =	shalt  }
0x4b: {  	_ =	shalt  }
0x4c: {  	_ =	shalt  }
0x4d: {  	_ =	shalt  }
0x4e: {  	_ =	shalt  }
0x4f: {  	_ =	shalt  }
0x50: {  	_ =	shalt  }
0x51: {  	_ =	shalt  }
0x52: {  	_ =	shalt  }
0x53: {  	_ =	shalt  }
0x54: {  	_ =	shalt  }
0x55: {  	_ =	shalt  }
0x56: {  	_ =	shalt  }
0x57: {  	_ =	shalt  }
0x58: {  	_ =	shalt  }
0x59: {  	_ =	shalt  }
0x5a: {  	_ =	shalt  }
0x5b: {  	_ =	shalt  }
0x5c: {  	_ =	shalt  }
0x5d: {  	_ =	shalt  }
0x5e: {  	_ =	shalt  }
0x5f: {  	_ =	shalt  }
0x60: {  	_ =	shalt  }
0x61: {  	_ =	shalt  }
0x62: {  	_ =	shalt  }
0x63: {  	_ =	shalt  }
0x64: {  	_ =	shalt  }
0x65: {  	_ =	shalt  }
0x66: {  	_ =	shalt  }
0x67: {  	_ =	shalt  }
0x68: {  	_ =	shalt  }
0x69: {  	_ =	shalt  }
0x6a: {  	_ =	shalt  }
0x6b: {  	_ =	shalt  }
0x6c: {  	_ =	shalt  }
0x6d: {  	_ =	shalt  }
0x6e: {  	_ =	shalt  }
0x6f: {  	_ =	shalt  }
0x70: {  	_ =	shalt  }
0x71: {  	_ =	shalt  }
0x72: {  	_ =	shalt  }
0x73: {  	_ =	shalt  }
0x74: {  	_ =	shalt  }
0x75: {  	_ =	shalt  }
0x76: {  	_ =	shalt  }
0x77: {  	_ =	shalt  }
0x78: {  	_ =	shalt  }
0x79: {  	_ =	shalt  }
0x7a: {  	_ =	shalt  }
0x7b: {  	_ =	shalt  }
0x7c: {  	_ =	shalt  }
0x7d: {  	_ =	shalt  }
0x7e: {  	_ =	shalt  }
0x7f: {  	_ =	shalt  }
0x80: {  	_ =	shalt  }
0x81: {  	_ =	shalt  }
0x82: {  	_ =	shalt  }
0x83: {  	_ =	shalt  }
0x84: {  	_ =	shalt  }
0x85: {  	_ =	shalt  }
0x86: {  	_ =	shalt  }
0x87: {  	_ =	shalt  }
.Lfunc_end0:
.L_simem_size_0:
called_computation.1_lowered:
.L_overlay_start_0:
0x88: {  	s2 =	sld [smem:$0x3FD9]  }
0x89: {  	s3 =	sld [smem:$0x3FFE];
	_ =	sdelay $0x1  }
0x8a: {  	s1 =	srdreg.scid  }
0x8b: {  	s0 =	sand.u32 $0x1, s1  }
0x8c: {  	s16 =	sshll.u32 s0, $0xA;
	s2 =	sadd.s32 s3, s2  }
0x8d: {  	s2 =	sadd.s32 s2, s16  }
0x8e: {  	[smem:$0x3FBC] =	sst s2  }
0x8f: {  	_ = 	snop  }
0x90: {  	(tm) =	ssettm $0x1  }
0x91: {  	s17 =	sld [smem:$0x3FFB];
	_ =	sdelay $0x3  }
0x92: {  	_ =	strace s17  }
0x93: {  	s2 =	sld [smem:$0x3FFC];
	_ =	sdelay $0x3  }
0x94: {  	_ =	strace s2  }
0x95: {  	s2 =	sld [smem:$0x3FFD];
	_ =	sdelay $0x3  }
0x96: {  	_ =	strace s2  }
0x97: {  	_ =	strace $0x8FFFFFFF  }
0x98: {  	s18 =	sld [smem:$0x3FDB];
	_ =	sdelay $0x1  }
0x99: {  	s19 =	simm.s32 $_scs_section_size  }
0x9a: {  	s4 =	simm.s32 $_size__tile_overlayer_lowered;
	s5 =	simm.s32 $_tile_overlayer_lowered  }
0x9b: {  	s22 =	simm.s32 $0x1BFF;
	s21 =	sshll.u32 s5, $0x1;
	s2 =	sadd.s32 s19, s18  }
0x9c: {  	s6 =	simm.s32 $0x0;
	s20 =	sshll.u32 s4, $0x1;
	s4 =	sadd.s32 s21, s2  }
0x9d: {  	[timem:s6], [sflag:s22] =	dma.local [hbm:s4], s20  }
0x9e: {  	_ =	swait.ge [sflag:s22], s20  }
0x9f: {  	s3 =	ssub.s32 $0x0, s20;
	[sflag:s22] =	ssyncset.done $0x0  }
0xa0: {  	[sflag:s22] =	ssyncadd.s32 s3;
	_ =	sdelay $0x1  }
0xa1: {  	s23 =	simm.s32 $0x1B8B  }
0xa2: {  	_ =	swait.ge [sflag:s23], $0x1  }
0xa3: {  	[sflag:s23] =	ssyncset.done $0x0  }
0xa4: {  	s25 =	simm.s32 $0x1B8E;
	s24 =	sld [smem:$0x3FFE];
	[sflag:s23] =	ssyncadd.s32 $0xFFFFFFFF  }
0xa5: {  	s26 =	simm.s32 $execute0_lowered;
	[smem:$0x3FD2] =	sst s25  }
0xa6: {  	s4 =	sshll.u32 s26, $0x1;
	_ =	strace $0x80000049;
	[dreg:$0x1] =	wrdreg $0xFFFFFFFF  }
0xa7: {  	s28 =	simm.s32 $_size_execute0_lowered;
	s2 =	sadd.s32 s2, s4;
	[dreg:$0x0] =	wrdreg $0x0  }
0xa8: {  	s4 =	sshll.u32 s28, $0x1;
	[dreg:$0x2] =	wrdreg s2  }
0xa9: {  	[dreg:$0x3] =	wrdreg s4  }
0xaa: {  	[dreg:$0x4] =	wrdreg $0xC0  }
0xab: {  	_ =	task [dreg:s6], $0x5FFFF  }
0xac: {  	[dreg:$0x1] =	wrdreg $0xFFFFFFFF  }
0xad: {  	[dreg:$0x0] =	wrdreg $0x60  }
0xae: {  	[dreg:$0x2] =	wrdreg s24  }
0xaf: {  	[dreg:$0x3] =	wrdreg $0x41000  }
0xb0: {  	[dreg:$0x4] =	wrdreg $0x9  }
0xb1: {  	_ =	task.clear_ibuf [dreg:s6], $0x5FFFF;
	_ =	strace $0x90000049  }
0xb2: {  	s29 =	simm.s32 $0x9;
	_ =	strace $0x8000004B  }
0xb3: {  	_ =	swait.ge [sflag:s29], $0x1  }
0xb4: {  	[sflag:s29] =	ssyncadd.s32 $0xFFFFFFFF  }
0xb5: {  	_ =	strace $0x9000004B  }
0xb6: {  	_ =	sfence  }
0xb7: {  	s30 =	sld [smem:$0x0];
	_ =	sdelay $0x2  }
0xb8: {  	s31 =	sshll.u32 s1, $0xD;
	s1 =	sshrl.u32 s1, $0x2  }
0xb9: {  	s3 =	sand.u32 $0x4000, s31;
	s1 =	sadd.s32 s1, s30  }
0xba: {  	s0 =	sor.u32 s3, s0;
	s1 =	sshll.u32 s1, $0x11  }
0xbb: {  	s0 =	sor.u32 s1, s0  }
0xbc: {  	s0 =	sadd.s32 $0x8F2B, s0  }
0xbd: {  	[sflag:s0] =	ssyncadd.remote.s32 $0x1  }
0xbe: {  	_ =	sfence.sel $0xFFFF  }
0xbf: {  	[dreg:$0x0] =	wrdreg $0xFFFFFFFF;
	(pc) =	sbr.abs _section_cstart, $3  }
0xc0: {  	[dreg:$0x1] =	wrdreg $0xFFFFFFFF  }
0xc1: {  	_ =	task.clear_ibuf [dreg:s6], $0x2FFFF;
	_ =	strace $0x9FFFFFFF  }
0xc2: {  	(tm) =	ssettm $0x7FFFFFFF  }
0xc3: {  	_ =	shalt  }
tec
execute0_lowered:
.L_overlay_start_1:
0x0: {  	(tag) =	ssettag $0x1  }
0x1: {  	s0 =	rddreg [dreg:$0x0]  }
0x2: {  	s1 =	rddreg [dreg:$0x1]  }
0x3: {  	s3 =	simm.s32 $0x0;
	s2 =	srdreg.scid;
	s11 =	stileid.u32  }
0x4: {  	s22 =	simm.s32 $0x3E000;
	s28 =	simm.s32 $0x1;
	s29 =	simm.s32 $0x3  }
0x5: {  	s30 =	simm.s32 $0x0;
	s31 =	simm.s32 $0x0;
	[smem:$0x7FF] =	sst s3  }
0x6: {  	s2 =	sand.u32 $0x1, s2;
	s4 =	sadd.s32 $0x16E00, s0;
	s8 =	smul.u32 $0x50000, s11  }
0x7: {  	s5 =	sadd.s32 $0x3200, s0;
	s6 =	sadd.s32 $0xD000, s0;
	s17 =	smul.u32 $0x280, s11  }
0x8: {  	_ =	strace $0x8000004A;
	s7 =	ssub.s32 $0x2, s2;
	s23 =	sshll.u32 s2, $0x4  }
0x9: {  	p0 =	seq.s32 s2, $0x0;
	s9 =	sshrl.u32 s7, $0x1;
	s8 =	sshrl.u32 s8, $0x2  }
0xa: {  	s24 =	sor.u32 s11, s23;
	s11 =	smul.u32 $0x2800, s11;
	s18 =	sadd.s32 $0x100, s17  }
0xb: {  	s20 =	sadd.s32 $0x200, s17;
	s22 =	simm.s32 @!p0 $0x66000;
	s10 =	ssub.s32 s7, s9  }
0xc: {  	s7 =	sadd.s32 s8, s1;
	s8 =	smul.u32 $0x2780, s24;
	s9 =	sadd.s32 $0xEC5200, s0  }
0xd: {  	s16 =	sshll.u32 s18, $0x7;
	s21 =	sshll.u32 s18, $0x4;
	s0 =	sadd.s32 s22, s0  }
0xe: {  	s24 =	sshll.u32 s20, $0x4;
	s25 =	smax.u32 s10, $0x1;
	s26 =	sadd.s32 $0x4000, s7  }
0xf: {  	s12 =	sadd.s32 $0x8000, s7;
	s13 =	sadd.s32 $0xC000, s7;
	s14 =	sadd.s32 $0x10000, s7  }
0x10: {  	s10 =	sadd.s32 $0x80, s17;
	s16 =	sadd.s32 s16, s1;
	[dreg:$0x3] =	wrdreg s25  }
0x11: {  	s21 =	sadd.s32 s0, s21;
	[dreg:$0x4] =	wrdreg s26;
	s15 =	sshll.u32 s10, $0x7  }
0x12: {  	s2 =	sshll.u32 s10, $0x4;
	s25 =	sadd.s32 $0x180, s17;
	s26 =	sshll.u32 s20, $0x7  }
0x13: {  	s15 =	sadd.s32 s15, s1;
	s19 =	sshll.u32 s25, $0x7;
	s23 =	sshll.u32 s25, $0x4  }
0x14: {  	s18 =	sadd.s32 s26, s1;
	s20 =	sadd.s32 s0, s2;
	s25 =	simm.s32 $0x2  }
0x15: {  	s26 =	simm.s32 $0x80;
	s17 =	sadd.s32 s19, s1;
	s19 =	sadd.s32 s0, s11  }
0x16: {  	v0 =	vimm.f32 $0.0e+00;
	s22 =	sadd.s32 s0, s23;
	s23 =	sadd.s32 s0, s24;
	s24 =	simm.s32 $0x100  }
.LBB2_1:
0x17: {  	s0 =	simm.s32 $0x0;
	s2 =	simm.s32 $0x200  }
.LBB2_2:
0x18: {  	p1 =	sne.s32 s2, $0xFE00;
	[tilespmem:s0+$0x170] =	vst v0  }
0x19: {  	[tilespmem:s0+$0x100] =	vst v0  }
0x1a: {  	[tilespmem:s0+$0x110] =	vst v0  }
.Ltmp0:
0x1b: {  	[tilespmem:s0+$0x120] =	vst v0;
	(pc) =	sbr.rel @p1 .LBB2_2-.Ltmp0, $4  }
0x1c: {  	[tilespmem:s0+$0x130] =	vst v0  }
0x1d: {  	[tilespmem:s0+$0x140] =	vst v0  }
0x1e: {  	[tilespmem:s0+$0x150] =	vst v0  }
0x1f: {  	[tilespmem:s0+$0x160] =	vst v0;
	s0 =	sshra.s32 s2, $0x2;
	s2 =	sadd.s32 $0x200, s2  }
0x20: {  	[tilespmem:s0+$0x170] =	vst v0  }
0x21: {  	[tilespmem:s0+$0x100] =	vst v0  }
0x22: {  	[tilespmem:s0+$0x110] =	vst v0  }
0x23: {  	[tilespmem:s0+$0x120] =	vst v0  }
0x24: {  	[tilespmem:s0+$0x130] =	vst v0  }
0x25: {  	[tilespmem:s0+$0x140] =	vst v0  }
0x26: {  	[tilespmem:s0+$0x150] =	vst v0  }
0x27: {  	[tilespmem:s0+$0x160] =	vst v0  }
0x28: {  	[spmem:s7] =	stream.linear.scatter [tilespmem:s24], [sflag:$0x2], $0x4000, $0x38;
	[tilespmem:$0x18100] =	vst v63  }
0x29: {  	_ =	swait.ge [sflag:s25], $0x4000  }
0x2a: {  	[sflag:s25] =	ssyncset.done $0x0  }
0x2b: {  	s11 =	rddreg [dreg:$0x4];
	[sflag:s25] =	ssyncadd.s32 $0xFFFFC000  }
0x2c: {  	[spmem:s11] =	stream.linear.scatter [tilespmem:s24], [sflag:$0x2], $0x4000, $0x38;
	[tilespmem:$0x18100] =	vst v63  }
0x2d: {  	_ =	swait.ge [sflag:s25], $0x4000  }
0x2e: {  	[sflag:s25] =	ssyncset.done $0x0  }
0x2f: {  	[sflag:s25] =	ssyncadd.s32 $0xFFFFC000  }
0x30: {  	[spmem:s12] =	stream.linear.scatter [tilespmem:s24], [sflag:$0x2], $0x4000, $0x38;
	[tilespmem:$0x18100] =	vst v63  }
0x31: {  	_ =	swait.ge [sflag:s25], $0x4000  }
0x32: {  	[sflag:s25] =	ssyncset.done $0x0  }
0x33: {  	[sflag:s25] =	ssyncadd.s32 $0xFFFFC000  }
0x34: {  	[spmem:s13] =	stream.linear.scatter [tilespmem:s24], [sflag:$0x2], $0x4000, $0x38;
	[tilespmem:$0x18100] =	vst v63  }
0x35: {  	_ =	swait.ge [sflag:s25], $0x4000  }
0x36: {  	[sflag:s25] =	ssyncset.done $0x0  }
0x37: {  	[sflag:s25] =	ssyncadd.s32 $0xFFFFC000  }
0x38: {  	[spmem:s14] =	stream.linear.scatter [tilespmem:s24], [sflag:$0x2], $0x4000, $0x38;
	[tilespmem:$0x18100] =	vst v63  }
0x39: {  	_ =	swait.ge [sflag:s25], $0x4000  }
0x3a: {  	[sflag:s25] =	ssyncset.done $0x0  }
0x3b: {  	[sflag:s25] =	ssyncadd.s32 $0xFFFFC000  }
0x3c: {  	s0 =	simm.s32 $0x0;
	[bflag:$0x0] =	sbarrier.arrive $0xFFFF  }
.LBB2_4:
0x3d: {  	s2 =	sshll.u32 s0, $0x7  }
0x3e: {  	s2 =	sadd.s32 s8, s2  }
0x3f: {  	s10 =	sshrl.u32 s2, $0x3  }
0x40: {  	s11 =	sadd.s32 s5, s10  }
0x41: {  	[tilespmem:s31], [sflag:$0x2] =	stream.linear.gather [hbm4b:s11+s31], $0x80, $0x38;
	[tilespmem:$0x18100] =	vst v63  }
0x42: {  	_ =	swait.ge [sflag:s25], $0x80  }
0x43: {  	[sflag:s25] =	ssyncset.done $0x0  }
0x44: {  	s10 =	sadd.s32 s6, s10;
	[sflag:s25] =	ssyncadd.s32 $0xFFFFFF80  }
0x45: {  	[tilespmem:s26], [sflag:$0x2] =	stream.linear.gather [hbm4b:s10+s31], $0x80, $0x38;
	[tilespmem:$0x18100] =	vst v63  }
0x46: {  	_ =	swait.ge [sflag:s25], $0x80  }
0x47: {  	s2 =	sshll.u32 s2, $0x4;
	[sflag:s25] =	ssyncset.done $0x0  }
0x48: {  	s2 =	sadd.s32 s2, s9;
	[sflag:s25] =	ssyncadd.s32 $0xFFFFFF80  }
0x49: {  	[tilespmem:s24], [sflag:$0x2] =	stream.linear.gather [hbm4b:s2+s31], $0x4000, $0x38;
	[tilespmem:$0x18100] =	vst v63  }
0x4a: {  	_ =	swait.ge [sflag:s25], $0x4000  }
0x4b: {  	[sflag:s25] =	ssyncset.done $0x0  }
0x4c: {  	[sflag:s25] =	ssyncadd.s32 $0xFFFFC000  }
0x4d: {  	[tilespmem:s24], [sflag:$0x1] =	stream.indirect.gather.add.f32 [hbm:s4], $0x80, s31, s26, $0xb8;
	[tilespmem:$0x18100] =	vst v63  }
0x4e: {  	_ =	swait.ge [sflag:s28], $0x4000  }
0x4f: {  	[sflag:s28] =	ssyncset.done $0x0  }
0x50: {  	s2 =	simm.s32 $0x0;
	[sflag:s28] =	ssyncadd.s32 $0xFFFFC000  }
0x51: {  	v3 =	vld [tilespmem:s2+$0x100]  }
0x52: {  	v5 =	vld [tilespmem:s2+$0x110]  }
0x53: {  	v4 =	vld [tilespmem:s2+$0x120]  }
0x54: {  	v2 =	vld [tilespmem:s2+$0x130]  }
0x55: {  	v1 =	vld [tilespmem:s2+$0x140]  }
0x56: {  	v6 =	vmax.f32 v3, $0.0e+00;
	v3 =	vld [tilespmem:s2+$0x150]  }
0x57: {  	s10 =	simm.s32 $0x200;
	[tilespmem:s2+$0x100] =	vst v6;
	v6 =	vmax.f32 v5, $0.0e+00;
	v5 =	vld [tilespmem:s2+$0x160]  }
.LBB2_5:
0x58: {  	s11 =	sshra.s32 s10, $0x2;
	p1 =	sne.s32 s10, $0xFE00;
	[tilespmem:s2+$0x110] =	vst v6;
	v4 =	vmax.f32 v4, $0.0e+00;
	v6 =	vld [tilespmem:s2+$0x170]  }
0x59: {  	v7 =	vld [tilespmem:s11+$0x100];
	[tilespmem:s2+$0x120] =	vst v4;
	v2 =	vmax.f32 v2, $0.0e+00  }
0x5a: {  	v8 =	vld [tilespmem:s11+$0x110];
	[tilespmem:s2+$0x130] =	vst v2;
	v1 =	vmax.f32 v1, $0.0e+00  }
.Ltmp1:
0x5b: {  	v4 =	vld [tilespmem:s11+$0x120];
	[tilespmem:s2+$0x140] =	vst v1;
	v1 =	vmax.f32 v3, $0.0e+00;
	(pc) =	sbr.rel @p1 .LBB2_5-.Ltmp1, $4  }
0x5c: {  	v2 =	vld [tilespmem:s11+$0x130];
	[tilespmem:s2+$0x150] =	vst v1;
	v3 =	vmax.f32 v5, $0.0e+00  }
0x5d: {  	v1 =	vld [tilespmem:s11+$0x140];
	[tilespmem:s2+$0x160] =	vst v3;
	v5 =	vmax.f32 v6, $0.0e+00  }
0x5e: {  	v6 =	vmax.f32 v7, $0.0e+00;
	v3 =	vld [tilespmem:s11+$0x150];
	[tilespmem:s2+$0x170] =	vst v5;
	s2 =	smov.u32 s11  }
0x5f: {  	s10 =	sadd.s32 $0x200, s10;
	[tilespmem:s2+$0x100] =	vst v6;
	v6 =	vmax.f32 v8, $0.0e+00;
	v5 =	vld [tilespmem:s2+$0x160]  }
0x60: {  	[tilespmem:s2+$0x110] =	vst v6;
	v4 =	vmax.f32 v4, $0.0e+00;
	v63 =	vld [tilespmem:s2+$0x170]  }
0x61: {  	[tilespmem:s2+$0x120] =	vst v4;
	v2 =	vmax.f32 v2, $0.0e+00  }
0x62: {  	[tilespmem:s2+$0x130] =	vst v2;
	v1 =	vmax.f32 v1, $0.0e+00  }
0x63: {  	[tilespmem:s2+$0x140] =	vst v1;
	v1 =	vmax.f32 v3, $0.0e+00  }
0x64: {  	s0 =	sadd.s32 $0x1, s0;
	[tilespmem:s2+$0x150] =	vst v1;
	v1 =	vmax.f32 v5, $0.0e+00  }
0x65: {  	p1 =	sne.s32 s0, $0x4F;
	[tilespmem:s2+$0x160] =	vst v1;
	v1 =	vmax.f32 v63, $0.0e+00  }
.Ltmp2:
0x66: {  	[tilespmem:s2+$0x170] =	vst v1;
	(pc) =	sbr.rel @p1 .LBB2_4-.Ltmp2, $4  }
0x67: {  	[spmem:s1] =	stream.indirect.scatter.add.f32 [tilespmem:s24], [sflag:$0x2], $0x80, s26, s26, $0xb8;
	[tilespmem:$0x18100] =	vst v63  }
0x68: {  	_ =	swait.ge [sflag:s25], $0x4000  }
0x69: {  	[sflag:s25] =	ssyncset.done $0x0  }
0x6a: {  	[sflag:s25] =	ssyncadd.s32 $0xFFFFC000  }
0x6b: {  	[bflag:$0x0] =	sbarrier.arrive $0xFFFF  }
0x6c: {  	[tilespmem:s24], [sflag:$0x3] =	stream.linear.gather [spmem:s7], $0x4000, $0x38;
	[tilespmem:$0x18100] =	vst v63  }
0x6d: {  	_ =	swait.ge [sflag:s29], $0x4000  }
0x6e: {  	s0 =	simm.s32 $0x3;
	[sflag:s29] =	ssyncset.done $0x0  }
0x6f: {  	s0 =	simm.s32 @!p0 $0x2;
	[sflag:s29] =	ssyncadd.s32 $0xFFFFC000  }
0x70: {  	[hbm4b:s19+s3] =	stream.linear.scatter [tilespmem:s24], [sflag:s0], $0x4000, $0x38;
	[tilespmem:$0x18100] =	vst v63  }
0x71: {  	_ =	swait.ge [sflag:s0], $0x4000  }
0x72: {  	[sflag:s0] =	ssyncset.done $0x0  }
0x73: {  	[sflag:s0] =	ssyncadd.s32 $0xFFFFC000  }
0x74: {  	[tilespmem:s24], [sflag:$0x3] =	stream.linear.gather [spmem:s15], $0x4000, $0x38;
	[tilespmem:$0x18100] =	vst v63  }
0x75: {  	_ =	swait.ge [sflag:s29], $0x4000  }
0x76: {  	[sflag:s29] =	ssyncset.done $0x0  }
0x77: {  	[sflag:s29] =	ssyncadd.s32 $0xFFFFC000  }
0x78: {  	[hbm4b:s20+s3] =	stream.linear.scatter [tilespmem:s24], [sflag:s0], $0x4000, $0x38;
	[tilespmem:$0x18100] =	vst v63  }
0x79: {  	_ =	swait.ge [sflag:s0], $0x4000  }
0x7a: {  	[sflag:s0] =	ssyncset.done $0x0  }
0x7b: {  	[sflag:s0] =	ssyncadd.s32 $0xFFFFC000  }
0x7c: {  	[tilespmem:s24], [sflag:$0x3] =	stream.linear.gather [spmem:s16], $0x4000, $0x38;
	[tilespmem:$0x18100] =	vst v63  }
0x7d: {  	_ =	swait.ge [sflag:s29], $0x4000  }
0x7e: {  	[sflag:s29] =	ssyncset.done $0x0  }
0x7f: {  	[sflag:s29] =	ssyncadd.s32 $0xFFFFC000  }
0x80: {  	[hbm4b:s21+s3] =	stream.linear.scatter [tilespmem:s24], [sflag:s0], $0x4000, $0x38;
	[tilespmem:$0x18100] =	vst v63  }
0x81: {  	_ =	swait.ge [sflag:s0], $0x4000  }
0x82: {  	[sflag:s0] =	ssyncset.done $0x0  }
0x83: {  	[sflag:s0] =	ssyncadd.s32 $0xFFFFC000  }
0x84: {  	[tilespmem:s24], [sflag:$0x3] =	stream.linear.gather [spmem:s17], $0x4000, $0x38;
	[tilespmem:$0x18100] =	vst v63  }
0x85: {  	_ =	swait.ge [sflag:s29], $0x4000  }
0x86: {  	[sflag:s29] =	ssyncset.done $0x0  }
0x87: {  	[sflag:s29] =	ssyncadd.s32 $0xFFFFC000  }
0x88: {  	[hbm4b:s22+s3] =	stream.linear.scatter [tilespmem:s24], [sflag:s0], $0x4000, $0x38;
	[tilespmem:$0x18100] =	vst v63  }
0x89: {  	_ =	swait.ge [sflag:s0], $0x4000  }
0x8a: {  	[sflag:s0] =	ssyncset.done $0x0  }
0x8b: {  	[sflag:s0] =	ssyncadd.s32 $0xFFFFC000  }
0x8c: {  	[tilespmem:s24], [sflag:$0x3] =	stream.linear.gather [spmem:s18], $0x4000, $0x38;
	[tilespmem:$0x18100] =	vst v63  }
0x8d: {  	_ =	swait.ge [sflag:s29], $0x4000  }
0x8e: {  	[sflag:s29] =	ssyncset.done $0x0  }
0x8f: {  	[sflag:s29] =	ssyncadd.s32 $0xFFFFC000  }
0x90: {  	[hbm4b:s23+s3] =	stream.linear.scatter [tilespmem:s24], [sflag:s0], $0x4000, $0x38;
	[tilespmem:$0x18100] =	vst v63  }
0x91: {  	_ =	swait.ge [sflag:s0], $0x4000  }
0x92: {  	s30 =	sadd.s32 $0x1, s30;
	s2 =	rddreg [dreg:$0x3]  }
0x93: {  	p1 =	sne.s32 s30, s2  }
.Ltmp3:
0x94: {  	_ = 	snop;
	(pc) =	sbr.rel @p1 .LBB2_1-.Ltmp3, $3  }
0x95: {  	_ =	sdelay $0x1  }
0x96: {  	[sflag:s0] =	ssyncset.done $0x0  }
0x97: {  	[sflag:s0] =	ssyncadd.s32 $0xFFFFC000  }
0x98: {  	_ =	sfence.sel $0x180000  }
0x99: {  	[bflag:$0x0] =	sbarrier.arrive $0xFFFF  }
0x9a: {  	_ =	strace $0x9000004A  }
0x9b: {  	s0 =	stileid.u32;
	[bflag:$0x2] =	sbarrier.arrive $0xFFFF  }
0x9c: {  	p0 =	sne.s32 s0, $0x0;
	s0 =	rddreg [dreg:$0x2]  }
0x9d: {  	s0 =	sadd.s32 @!p0 $0x100000, s0  }
0x9e: {  	[sflag:s0] =	ssyncadd.tile.s32 @!p0 $0x1;
	_ =	shalt  }
.Lfunc_end2:
_tile_overlayer_lowered:
.L_overlay_start_2:
0x9f: {  	(tag) =	ssettag $0x2  }
0xa0: {  	s0 =	rddreg [dreg:$0x0];
	s2 =	stileid.u32  }
0xa1: {  	s1 =	rddreg [dreg:$0x1];
	p0 =	sne.s32 s2, $0x0  }
0xa2: {  	s3 =	rddreg [dreg:$0x2];
	[bflag:$0x3] =	sbarrier.arrive $0xFFFF;
	s2 =	simm.s32 @!p0 $0x1C02  }
0xa3: {  	[timem:s3], [sflag:s2] =	dma.local @!p0 [hbm:s0], s1  }
0xa4: {  	s0 =	simm.s32 @!p0 $0x2  }
0xa5: {  	_ =	swait.ge @!p0 [sflag:s0], s1  }
0xa6: {  	s1 =	ssub.s32 @!p0 $0x0, s1;
	[sflag:s0] =	ssyncset.done @!p0 $0x0  }
0xa7: {  	[sflag:s0] =	ssyncadd.s32 @!p0 s1  }
0xa8: {  	[bflag:$0x3] =	sbarrier.arrive $0xFFFF  }
0xa9: {  	_ =	shalt  }

// kernel: kernel.16.cloned.1.call-start
scs
__scs_entry_jumppad:
0x0: {  	(pc) =	sbr.rel $0x88, $3  }
0x1: {  	(tag) =	ssettag $0x0;
	lr =	simm.s32 $0x1  }
0x2: {  	[smem:$0x3F95] =	sst lr;
	_ =	strace $0xD0000000  }
0x3: {  	_ = 	snop  }
0x4: {  	_ = 	snop  }
0x5: {  	_ = 	snop  }
0x6: {  	_ = 	snop  }
0x7: {  	_ = 	snop  }
__scs_overlays_trampoline_lowered:
0x8: {  	[smem:$0x3FA4] =	sst s0  }
0x9: {  	[smem:$0x3FA5] =	sst s1  }
0xa: {  	[smem:$0x3FA6] =	sst s2  }
0xb: {  	[smem:$0x3FA7] =	sst s3  }
0xc: {  	[smem:$0x3FA8] =	sst s4  }
0xd: {  	[smem:$0x3FA9] =	sst s5  }
0xe: {  	[smem:$0x3FAA] =	sst s6  }
0xf: {  	[smem:$0x3FAB] =	sst s7  }
0x10: {  	[smem:$0x3FAC] =	sst s8  }
0x11: {  	[smem:$0x3FAD] =	sst s9;
	s0 =	simm.s32 @!p0 $0x0  }
0x12: {  	s1 =	sld [smem:$0x3F93];
	s0 =	simm.s32 @p0 $0x1  }
0x13: {  	[smem:$0x3FAE] =	sst s0;
	s0 =	simm.s32 @!p1 $0x0  }
0x14: {  	s2 =	sld [smem:$0x3F92];
	s0 =	simm.s32 @p1 $0x1  }
0x15: {  	[smem:$0x3FAF] =	sst s0;
	s0 =	simm.s32 @!p2 $0x0  }
0x16: {  	s3 =	sld [smem:$0x3FDB];
	s0 =	simm.s32 @p2 $0x1  }
0x17: {  	s4 =	simm.s32 $0x1BF5;
	[smem:$0x3FB1] =	sst s0  }
0x18: {  	s0 =	sld [smem:$0x3F94];
	_ =	swait.ge [sflag:s4], $0x0  }
0x19: {  	s7 =	sld [smem:$0x3F95]  }
0x1a: {  	s8 =	sadd.s32 $0xFFFFE003, lr  }
0x1b: {  	s9 =	sadd.s32 $0xFFFFFEF7, lr;
	s5 =	simm.s32 $0xFFFFFFFF;
	p2 =	slt.u32 s8, $0xFFFFF086  }
0x1c: {  	p1 =	slt.u32 s9, $0xF7A;
	s5 =	simm.s32 @!p2 $0x0  }
0x1d: {  	s5 =	simm.s32 @p1 $0x1;
	p0 =	seq.s32 s7, s2  }
0x1e: {  	s7 =	smul.u32 @!p0 $0xF7A, s2;
	p2 =	seq.s32 @!p0 s5, $0x0  }
0x1f: {  	s9 =	smul.u32 $0xF7A, s1;
	s8 =	simm.s32 @!p0 $0x1BF5;
	p2 =	por !p2, p0  }
0x20: {  	[sflag:s8] =	ssyncset.s32 @!p0 $0xFFFFF086;
	s6 =	sadd.s32 @!p0 s3, s7;
	s7 =	simm.s32 @!p0 $0x108  }
0x21: {  	s3 =	sadd.s32 s3, s9;
	s6 =	sadd.s32 @!p0 $0x88, s6;
	s7 =	simm.s32 @p2 $0x1082  }
0x22: {  	[simem:s7], [sflag:s8] =	dma.local @!p0 [hbm:s6], $0xF7A  }
0x23: {  	s9 =	sor.u32 $0xD0000000, s2;
	s6 =	simm.s32 $0x108;
	_ =	swait.ge @!p0 [sflag:s8], $0x0  }
0x24: {  	s3 =	sadd.s32 $0x88, s3;
	s6 =	simm.s32 @!p1 $0x1082;
	[sflag:s4] =	ssyncset.s32 $0xFFFFF086  }
0x25: {  	[simem:s6], [sflag:s4] =	dma.local [hbm:s3], $0xF7A  }
0x26: {  	[smem:$0x3F95] =	sst s1;
	(tag) =	ssettag s2;
	_ =	strace s9  }
0x27: {  	s1 =	sld [smem:$0x3FA5]  }
0x28: {  	s2 =	sld [smem:$0x3FA6]  }
0x29: {  	s4 =	sld [smem:$0x3FA8]  }
0x2a: {  	p0 =	seq.s32 s5, $0x0;
	s5 =	sld [smem:$0x3FA9]  }
0x2b: {  	s6 =	sld [smem:$0x3FAA]  }
0x2c: {  	s7 =	sld [smem:$0x3FAB]  }
0x2d: {  	s3 =	simm.s32 $0x108;
	s8 =	sld [smem:$0x3FAC]  }
0x2e: {  	s3 =	simm.s32 @!p0 $0x1082;
	s9 =	sld [smem:$0x3FAD]  }
0x2f: {  	lr =	sadd.s32 s0, s3;
	s0 =	sld [smem:$0x3FA4]  }
0x30: {  	s3 =	sld [smem:$0x3FA7]  }
0x31: {  	[smem:$0x3FB0] =	sst s10  }
0x32: {  	s10 =	sld [smem:$0x3FAE];
	_ =	sdelay $0x3  }
0x33: {  	p0 =	seq.s32 s10, $0x1;
	s10 =	sld [smem:$0x3FB0];
	_ =	sdelay $0x3  }
0x34: {  	[smem:$0x3FB0] =	sst s10  }
0x35: {  	s10 =	sld [smem:$0x3FAF];
	_ =	sdelay $0x3  }
0x36: {  	p1 =	seq.s32 s10, $0x1;
	s10 =	sld [smem:$0x3FB0];
	_ =	sdelay $0x3  }
0x37: {  	[smem:$0x3FB0] =	sst s10  }
0x38: {  	s10 =	sld [smem:$0x3FB1]  }
0x39: {  	_ = 	snop;
	(pc) =	sbr.ind lr, $3  }
0x3a: {  	_ = 	snop  }
0x3b: {  	_ = 	snop  }
0x3c: {  	p2 =	seq.s32 s10, $0x1;
	s10 =	sld [smem:$0x3FB0]  }
0x3d: {  	_ =	shalt  }
0x3e: {  	_ =	shalt  }
0x3f: {  	_ =	shalt  }
0x40: {  	_ =	shalt  }
0x41: {  	_ =	shalt  }
0x42: {  	_ =	shalt  }
0x43: {  	_ =	shalt  }
0x44: {  	_ =	shalt  }
0x45: {  	_ =	shalt  }
0x46: {  	_ =	shalt  }
0x47: {  	_ =	shalt  }
0x48: {  	_ =	shalt  }
0x49: {  	_ =	shalt  }
0x4a: {  	_ =	shalt  }
0x4b: {  	_ =	shalt  }
0x4c: {  	_ =	shalt  }
0x4d: {  	_ =	shalt  }
0x4e: {  	_ =	shalt  }
0x4f: {  	_ =	shalt  }
0x50: {  	_ =	shalt  }
0x51: {  	_ =	shalt  }
0x52: {  	_ =	shalt  }
0x53: {  	_ =	shalt  }
0x54: {  	_ =	shalt  }
0x55: {  	_ =	shalt  }
0x56: {  	_ =	shalt  }
0x57: {  	_ =	shalt  }
0x58: {  	_ =	shalt  }
0x59: {  	_ =	shalt  }
0x5a: {  	_ =	shalt  }
0x5b: {  	_ =	shalt  }
0x5c: {  	_ =	shalt  }
0x5d: {  	_ =	shalt  }
0x5e: {  	_ =	shalt  }
0x5f: {  	_ =	shalt  }
0x60: {  	_ =	shalt  }
0x61: {  	_ =	shalt  }
0x62: {  	_ =	shalt  }
0x63: {  	_ =	shalt  }
0x64: {  	_ =	shalt  }
0x65: {  	_ =	shalt  }
0x66: {  	_ =	shalt  }
0x67: {  	_ =	shalt  }
0x68: {  	_ =	shalt  }
0x69: {  	_ =	shalt  }
0x6a: {  	_ =	shalt  }
0x6b: {  	_ =	shalt  }
0x6c: {  	_ =	shalt  }
0x6d: {  	_ =	shalt  }
0x6e: {  	_ =	shalt  }
0x6f: {  	_ =	shalt  }
0x70: {  	_ =	shalt  }
0x71: {  	_ =	shalt  }
0x72: {  	_ =	shalt  }
0x73: {  	_ =	shalt  }
0x74: {  	_ =	shalt  }
0x75: {  	_ =	shalt  }
0x76: {  	_ =	shalt  }
0x77: {  	_ =	shalt  }
0x78: {  	_ =	shalt  }
0x79: {  	_ =	shalt  }
0x7a: {  	_ =	shalt  }
0x7b: {  	_ =	shalt  }
0x7c: {  	_ =	shalt  }
0x7d: {  	_ =	shalt  }
0x7e: {  	_ =	shalt  }
0x7f: {  	_ =	shalt  }
0x80: {  	_ =	shalt  }
0x81: {  	_ =	shalt  }
0x82: {  	_ =	shalt  }
0x83: {  	_ =	shalt  }
0x84: {  	_ =	shalt  }
0x85: {  	_ =	shalt  }
0x86: {  	_ =	shalt  }
0x87: {  	_ =	shalt  }
.Lfunc_end0:
.L_simem_size_0:
called_computation.2_lowered:
.L_overlay_start_0:
0x88: {  	s2 =	sld [smem:$0x3FD9]  }
0x89: {  	s3 =	sld [smem:$0x3FFE];
	_ =	sdelay $0x1  }
0x8a: {  	s1 =	srdreg.scid  }
0x8b: {  	s0 =	sand.u32 $0x1, s1  }
0x8c: {  	s16 =	sshll.u32 s0, $0xA;
	s2 =	sadd.s32 s3, s2  }
0x8d: {  	s2 =	sadd.s32 s2, s16  }
0x8e: {  	[smem:$0x3FBC] =	sst s2  }
0x8f: {  	_ = 	snop  }
0x90: {  	(tm) =	ssettm $0x1  }
0x91: {  	s17 =	sld [smem:$0x3FFB];
	_ =	sdelay $0x3  }
0x92: {  	_ =	strace s17  }
0x93: {  	s2 =	sld [smem:$0x3FFC];
	_ =	sdelay $0x3  }
0x94: {  	_ =	strace s2  }
0x95: {  	s2 =	sld [smem:$0x3FFD];
	_ =	sdelay $0x3  }
0x96: {  	_ =	strace s2  }
0x97: {  	_ =	strace $0x8FFFFFFF  }
0x98: {  	s18 =	sld [smem:$0x3FDB];
	_ =	sdelay $0x1  }
0x99: {  	s19 =	simm.s32 $_scs_section_size  }
0x9a: {  	s4 =	simm.s32 $_size__tile_overlayer_lowered;
	s5 =	simm.s32 $_tile_overlayer_lowered  }
0x9b: {  	s22 =	simm.s32 $0x1BFF;
	s21 =	sshll.u32 s5, $0x1;
	s2 =	sadd.s32 s19, s18  }
0x9c: {  	s6 =	simm.s32 $0x0;
	s20 =	sshll.u32 s4, $0x1;
	s4 =	sadd.s32 s21, s2  }
0x9d: {  	[timem:s6], [sflag:s22] =	dma.local [hbm:s4], s20  }
0x9e: {  	_ =	swait.ge [sflag:s22], s20  }
0x9f: {  	s3 =	ssub.s32 $0x0, s20;
	[sflag:s22] =	ssyncset.done $0x0  }
0xa0: {  	[sflag:s22] =	ssyncadd.s32 s3;
	_ =	sdelay $0x1  }
0xa1: {  	s23 =	simm.s32 $0x1B8B  }
0xa2: {  	_ =	swait.ge [sflag:s23], $0x1  }
0xa3: {  	[sflag:s23] =	ssyncset.done $0x0  }
0xa4: {  	s25 =	simm.s32 $0x1B8E;
	s24 =	sld [smem:$0x3FFE];
	[sflag:s23] =	ssyncadd.s32 $0xFFFFFFFF  }
0xa5: {  	s26 =	simm.s32 $execute0_lowered;
	[smem:$0x3FD2] =	sst s25  }
0xa6: {  	s4 =	sshll.u32 s26, $0x1;
	_ =	strace $0x8000004C;
	[dreg:$0x1] =	wrdreg $0xFFFFFFFF  }
0xa7: {  	s28 =	simm.s32 $_size_execute0_lowered;
	s2 =	sadd.s32 s2, s4;
	[dreg:$0x0] =	wrdreg $0x0  }
0xa8: {  	s4 =	sshll.u32 s28, $0x1;
	[dreg:$0x2] =	wrdreg s2  }
0xa9: {  	[dreg:$0x3] =	wrdreg s4  }
0xaa: {  	[dreg:$0x4] =	wrdreg $0xC0  }
0xab: {  	_ =	task [dreg:s6], $0x5FFFF  }
0xac: {  	[dreg:$0x1] =	wrdreg $0xFFFFFFFF  }
0xad: {  	[dreg:$0x0] =	wrdreg $0x60  }
0xae: {  	[dreg:$0x2] =	wrdreg s24  }
0xaf: {  	[dreg:$0x3] =	wrdreg $0x41000  }
0xb0: {  	[dreg:$0x4] =	wrdreg $0x9  }
0xb1: {  	_ =	task.clear_ibuf [dreg:s6], $0x5FFFF;
	_ =	strace $0x9000004C  }
0xb2: {  	s29 =	simm.s32 $0x9;
	_ =	strace $0x8000004E  }
0xb3: {  	_ =	swait.ge [sflag:s29], $0x1  }
0xb4: {  	[sflag:s29] =	ssyncadd.s32 $0xFFFFFFFF  }
0xb5: {  	_ =	strace $0x9000004E  }
0xb6: {  	_ =	sfence  }
0xb7: {  	s30 =	sld [smem:$0x0];
	_ =	sdelay $0x2  }
0xb8: {  	s31 =	sshll.u32 s1, $0xD;
	s1 =	sshrl.u32 s1, $0x2  }
0xb9: {  	s3 =	sand.u32 $0x4000, s31;
	s1 =	sadd.s32 s1, s30  }
0xba: {  	s0 =	sor.u32 s3, s0;
	s1 =	sshll.u32 s1, $0x11  }
0xbb: {  	s0 =	sor.u32 s1, s0  }
0xbc: {  	s0 =	sadd.s32 $0x8F2B, s0  }
0xbd: {  	[sflag:s0] =	ssyncadd.remote.s32 $0x1  }
0xbe: {  	_ =	sfence.sel $0xFFFF  }
0xbf: {  	[dreg:$0x0] =	wrdreg $0xFFFFFFFF;
	(pc) =	sbr.abs _section_cstart, $3  }
0xc0: {  	[dreg:$0x1] =	wrdreg $0xFFFFFFFF  }
0xc1: {  	_ =	task.clear_ibuf [dreg:s6], $0x2FFFF;
	_ =	strace $0x9FFFFFFF  }
0xc2: {  	(tm) =	ssettm $0x7FFFFFFF  }
0xc3: {  	_ =	shalt  }
tec
execute0_lowered:
.L_overlay_start_1:
0x0: {  	(tag) =	ssettag $0x1  }
0x1: {  	s0 =	rddreg [dreg:$0x0]  }
0x2: {  	s1 =	rddreg [dreg:$0x1]  }
0x3: {  	s3 =	simm.s32 $0x0;
	s2 =	srdreg.scid;
	s11 =	stileid.u32  }
0x4: {  	s22 =	simm.s32 $0x3E000;
	s28 =	simm.s32 $0x1;
	s29 =	simm.s32 $0x3  }
0x5: {  	s30 =	simm.s32 $0x0;
	s31 =	simm.s32 $0x0;
	[smem:$0x7FF] =	sst s3  }
0x6: {  	s2 =	sand.u32 $0x1, s2;
	s4 =	sadd.s32 $0x16E00, s0;
	s8 =	smul.u32 $0x50000, s11  }
0x7: {  	s5 =	sadd.s32 $0x3200, s0;
	s6 =	sadd.s32 $0xD000, s0;
	s17 =	smul.u32 $0x280, s11  }
0x8: {  	_ =	strace $0x8000004D;
	s7 =	ssub.s32 $0x2, s2;
	s23 =	sshll.u32 s2, $0x4  }
0x9: {  	p0 =	seq.s32 s2, $0x0;
	s9 =	sshrl.u32 s7, $0x1;
	s8 =	sshrl.u32 s8, $0x2  }
0xa: {  	s24 =	sor.u32 s11, s23;
	s11 =	smul.u32 $0x2800, s11;
	s18 =	sadd.s32 $0x100, s17  }
0xb: {  	s20 =	sadd.s32 $0x200, s17;
	s22 =	simm.s32 @!p0 $0x66000;
	s10 =	ssub.s32 s7, s9  }
0xc: {  	s7 =	sadd.s32 s8, s1;
	s8 =	smul.u32 $0x2780, s24;
	s9 =	sadd.s32 $0x13B5200, s0  }
0xd: {  	s16 =	sshll.u32 s18, $0x7;
	s21 =	sshll.u32 s18, $0x4;
	s0 =	sadd.s32 s22, s0  }
0xe: {  	s24 =	sshll.u32 s20, $0x4;
	s25 =	smax.u32 s10, $0x1;
	s26 =	sadd.s32 $0x4000, s7  }
0xf: {  	s12 =	sadd.s32 $0x8000, s7;
	s13 =	sadd.s32 $0xC000, s7;
	s14 =	sadd.s32 $0x10000, s7  }
0x10: {  	s10 =	sadd.s32 $0x80, s17;
	s16 =	sadd.s32 s16, s1;
	[dreg:$0x3] =	wrdreg s25  }
0x11: {  	s21 =	sadd.s32 s0, s21;
	[dreg:$0x4] =	wrdreg s26;
	s15 =	sshll.u32 s10, $0x7  }
0x12: {  	s2 =	sshll.u32 s10, $0x4;
	s25 =	sadd.s32 $0x180, s17;
	s26 =	sshll.u32 s20, $0x7  }
0x13: {  	s15 =	sadd.s32 s15, s1;
	s19 =	sshll.u32 s25, $0x7;
	s23 =	sshll.u32 s25, $0x4  }
0x14: {  	s18 =	sadd.s32 s26, s1;
	s20 =	sadd.s32 s0, s2;
	s25 =	simm.s32 $0x2  }
0x15: {  	s26 =	simm.s32 $0x80;
	s17 =	sadd.s32 s19, s1;
	s19 =	sadd.s32 s0, s11  }
0x16: {  	v0 =	vimm.f32 $0.0e+00;
	s22 =	sadd.s32 s0, s23;
	s23 =	sadd.s32 s0, s24;
	s24 =	simm.s32 $0x100  }
.LBB2_1:
0x17: {  	s0 =	simm.s32 $0x0;
	s2 =	simm.s32 $0x200  }
.LBB2_2:
0x18: {  	p1 =	sne.s32 s2, $0xFE00;
	[tilespmem:s0+$0x170] =	vst v0  }
0x19: {  	[tilespmem:s0+$0x100] =	vst v0  }
0x1a: {  	[tilespmem:s0+$0x110] =	vst v0  }
.Ltmp0:
0x1b: {  	[tilespmem:s0+$0x120] =	vst v0;
	(pc) =	sbr.rel @p1 .LBB2_2-.Ltmp0, $4  }
0x1c: {  	[tilespmem:s0+$0x130] =	vst v0  }
0x1d: {  	[tilespmem:s0+$0x140] =	vst v0  }
0x1e: {  	[tilespmem:s0+$0x150] =	vst v0  }
0x1f: {  	[tilespmem:s0+$0x160] =	vst v0;
	s0 =	sshra.s32 s2, $0x2;
	s2 =	sadd.s32 $0x200, s2  }
0x20: {  	[tilespmem:s0+$0x170] =	vst v0  }
0x21: {  	[tilespmem:s0+$0x100] =	vst v0  }
0x22: {  	[tilespmem:s0+$0x110] =	vst v0  }
0x23: {  	[tilespmem:s0+$0x120] =	vst v0  }
0x24: {  	[tilespmem:s0+$0x130] =	vst v0  }
0x25: {  	[tilespmem:s0+$0x140] =	vst v0  }
0x26: {  	[tilespmem:s0+$0x150] =	vst v0  }
0x27: {  	[tilespmem:s0+$0x160] =	vst v0  }
0x28: {  	[spmem:s7] =	stream.linear.scatter [tilespmem:s24], [sflag:$0x2], $0x4000, $0x38;
	[tilespmem:$0x18100] =	vst v63  }
0x29: {  	_ =	swait.ge [sflag:s25], $0x4000  }
0x2a: {  	[sflag:s25] =	ssyncset.done $0x0  }
0x2b: {  	s11 =	rddreg [dreg:$0x4];
	[sflag:s25] =	ssyncadd.s32 $0xFFFFC000  }
0x2c: {  	[spmem:s11] =	stream.linear.scatter [tilespmem:s24], [sflag:$0x2], $0x4000, $0x38;
	[tilespmem:$0x18100] =	vst v63  }
0x2d: {  	_ =	swait.ge [sflag:s25], $0x4000  }
0x2e: {  	[sflag:s25] =	ssyncset.done $0x0  }
0x2f: {  	[sflag:s25] =	ssyncadd.s32 $0xFFFFC000  }
0x30: {  	[spmem:s12] =	stream.linear.scatter [tilespmem:s24], [sflag:$0x2], $0x4000, $0x38;
	[tilespmem:$0x18100] =	vst v63  }
0x31: {  	_ =	swait.ge [sflag:s25], $0x4000  }
0x32: {  	[sflag:s25] =	ssyncset.done $0x0  }
0x33: {  	[sflag:s25] =	ssyncadd.s32 $0xFFFFC000  }
0x34: {  	[spmem:s13] =	stream.linear.scatter [tilespmem:s24], [sflag:$0x2], $0x4000, $0x38;
	[tilespmem:$0x18100] =	vst v63  }
0x35: {  	_ =	swait.ge [sflag:s25], $0x4000  }
0x36: {  	[sflag:s25] =	ssyncset.done $0x0  }
0x37: {  	[sflag:s25] =	ssyncadd.s32 $0xFFFFC000  }
0x38: {  	[spmem:s14] =	stream.linear.scatter [tilespmem:s24], [sflag:$0x2], $0x4000, $0x38;
	[tilespmem:$0x18100] =	vst v63  }
0x39: {  	_ =	swait.ge [sflag:s25], $0x4000  }
0x3a: {  	[sflag:s25] =	ssyncset.done $0x0  }
0x3b: {  	[sflag:s25] =	ssyncadd.s32 $0xFFFFC000  }
0x3c: {  	s0 =	simm.s32 $0x0;
	[bflag:$0x0] =	sbarrier.arrive $0xFFFF  }
.LBB2_4:
0x3d: {  	s2 =	sshll.u32 s0, $0x7  }
0x3e: {  	s2 =	sadd.s32 s8, s2  }
0x3f: {  	s10 =	sshrl.u32 s2, $0x3  }
0x40: {  	s11 =	sadd.s32 s5, s10  }
0x41: {  	[tilespmem:s31], [sflag:$0x2] =	stream.linear.gather [hbm4b:s11+s31], $0x80, $0x38;
	[tilespmem:$0x18100] =	vst v63  }
0x42: {  	_ =	swait.ge [sflag:s25], $0x80  }
0x43: {  	[sflag:s25] =	ssyncset.done $0x0  }
0x44: {  	s10 =	sadd.s32 s6, s10;
	[sflag:s25] =	ssyncadd.s32 $0xFFFFFF80  }
0x45: {  	[tilespmem:s26], [sflag:$0x2] =	stream.linear.gather [hbm4b:s10+s31], $0x80, $0x38;
	[tilespmem:$0x18100] =	vst v63  }
0x46: {  	_ =	swait.ge [sflag:s25], $0x80  }
0x47: {  	s2 =	sshll.u32 s2, $0x4;
	[sflag:s25] =	ssyncset.done $0x0  }
0x48: {  	s2 =	sadd.s32 s2, s9;
	[sflag:s25] =	ssyncadd.s32 $0xFFFFFF80  }
0x49: {  	[tilespmem:s24], [sflag:$0x2] =	stream.linear.gather [hbm4b:s2+s31], $0x4000, $0x38;
	[tilespmem:$0x18100] =	vst v63  }
0x4a: {  	_ =	swait.ge [sflag:s25], $0x4000  }
0x4b: {  	[sflag:s25] =	ssyncset.done $0x0  }
0x4c: {  	[sflag:s25] =	ssyncadd.s32 $0xFFFFC000  }
0x4d: {  	[tilespmem:s24], [sflag:$0x1] =	stream.indirect.gather.add.f32 [hbm:s4], $0x80, s31, s26, $0xb8;
	[tilespmem:$0x18100] =	vst v63  }
0x4e: {  	_ =	swait.ge [sflag:s28], $0x4000  }
0x4f: {  	[sflag:s28] =	ssyncset.done $0x0  }
0x50: {  	s2 =	simm.s32 $0x0;
	[sflag:s28] =	ssyncadd.s32 $0xFFFFC000  }
0x51: {  	v3 =	vld [tilespmem:s2+$0x100]  }
0x52: {  	v5 =	vld [tilespmem:s2+$0x110]  }
0x53: {  	v4 =	vld [tilespmem:s2+$0x120]  }
0x54: {  	v2 =	vld [tilespmem:s2+$0x130]  }
0x55: {  	v1 =	vld [tilespmem:s2+$0x140]  }
0x56: {  	v6 =	vmax.f32 v3, $0.0e+00;
	v3 =	vld [tilespmem:s2+$0x150]  }
0x57: {  	s10 =	simm.s32 $0x200;
	[tilespmem:s2+$0x100] =	vst v6;
	v6 =	vmax.f32 v5, $0.0e+00;
	v5 =	vld [tilespmem:s2+$0x160]  }
.LBB2_5:
0x58: {  	s11 =	sshra.s32 s10, $0x2;
	p1 =	sne.s32 s10, $0xFE00;
	[tilespmem:s2+$0x110] =	vst v6;
	v4 =	vmax.f32 v4, $0.0e+00;
	v6 =	vld [tilespmem:s2+$0x170]  }
0x59: {  	v7 =	vld [tilespmem:s11+$0x100];
	[tilespmem:s2+$0x120] =	vst v4;
	v2 =	vmax.f32 v2, $0.0e+00  }
0x5a: {  	v8 =	vld [tilespmem:s11+$0x110];
	[tilespmem:s2+$0x130] =	vst v2;
	v1 =	vmax.f32 v1, $0.0e+00  }
.Ltmp1:
0x5b: {  	v4 =	vld [tilespmem:s11+$0x120];
	[tilespmem:s2+$0x140] =	vst v1;
	v1 =	vmax.f32 v3, $0.0e+00;
	(pc) =	sbr.rel @p1 .LBB2_5-.Ltmp1, $4  }
0x5c: {  	v2 =	vld [tilespmem:s11+$0x130];
	[tilespmem:s2+$0x150] =	vst v1;
	v3 =	vmax.f32 v5, $0.0e+00  }
0x5d: {  	v1 =	vld [tilespmem:s11+$0x140];
	[tilespmem:s2+$0x160] =	vst v3;
	v5 =	vmax.f32 v6, $0.0e+00  }
0x5e: {  	v6 =	vmax.f32 v7, $0.0e+00;
	v3 =	vld [tilespmem:s11+$0x150];
	[tilespmem:s2+$0x170] =	vst v5;
	s2 =	smov.u32 s11  }
0x5f: {  	s10 =	sadd.s32 $0x200, s10;
	[tilespmem:s2+$0x100] =	vst v6;
	v6 =	vmax.f32 v8, $0.0e+00;
	v5 =	vld [tilespmem:s2+$0x160]  }
0x60: {  	[tilespmem:s2+$0x110] =	vst v6;
	v4 =	vmax.f32 v4, $0.0e+00;
	v63 =	vld [tilespmem:s2+$0x170]  }
0x61: {  	[tilespmem:s2+$0x120] =	vst v4;
	v2 =	vmax.f32 v2, $0.0e+00  }
0x62: {  	[tilespmem:s2+$0x130] =	vst v2;
	v1 =	vmax.f32 v1, $0.0e+00  }
0x63: {  	[tilespmem:s2+$0x140] =	vst v1;
	v1 =	vmax.f32 v3, $0.0e+00  }
0x64: {  	s0 =	sadd.s32 $0x1, s0;
	[tilespmem:s2+$0x150] =	vst v1;
	v1 =	vmax.f32 v5, $0.0e+00  }
0x65: {  	p1 =	sne.s32 s0, $0x4F;
	[tilespmem:s2+$0x160] =	vst v1;
	v1 =	vmax.f32 v63, $0.0e+00  }
.Ltmp2:
0x66: {  	[tilespmem:s2+$0x170] =	vst v1;
	(pc) =	sbr.rel @p1 .LBB2_4-.Ltmp2, $4  }
0x67: {  	[spmem:s1] =	stream.indirect.scatter.add.f32 [tilespmem:s24], [sflag:$0x2], $0x80, s26, s26, $0xb8;
	[tilespmem:$0x18100] =	vst v63  }
0x68: {  	_ =	swait.ge [sflag:s25], $0x4000  }
0x69: {  	[sflag:s25] =	ssyncset.done $0x0  }
0x6a: {  	[sflag:s25] =	ssyncadd.s32 $0xFFFFC000  }
0x6b: {  	[bflag:$0x0] =	sbarrier.arrive $0xFFFF  }
0x6c: {  	[tilespmem:s24], [sflag:$0x3] =	stream.linear.gather [spmem:s7], $0x4000, $0x38;
	[tilespmem:$0x18100] =	vst v63  }
0x6d: {  	_ =	swait.ge [sflag:s29], $0x4000  }
0x6e: {  	s0 =	simm.s32 $0x3;
	[sflag:s29] =	ssyncset.done $0x0  }
0x6f: {  	s0 =	simm.s32 @!p0 $0x2;
	[sflag:s29] =	ssyncadd.s32 $0xFFFFC000  }
0x70: {  	[hbm4b:s19+s3] =	stream.linear.scatter [tilespmem:s24], [sflag:s0], $0x4000, $0x38;
	[tilespmem:$0x18100] =	vst v63  }
0x71: {  	_ =	swait.ge [sflag:s0], $0x4000  }
0x72: {  	[sflag:s0] =	ssyncset.done $0x0  }
0x73: {  	[sflag:s0] =	ssyncadd.s32 $0xFFFFC000  }
0x74: {  	[tilespmem:s24], [sflag:$0x3] =	stream.linear.gather [spmem:s15], $0x4000, $0x38;
	[tilespmem:$0x18100] =	vst v63  }
0x75: {  	_ =	swait.ge [sflag:s29], $0x4000  }
0x76: {  	[sflag:s29] =	ssyncset.done $0x0  }
0x77: {  	[sflag:s29] =	ssyncadd.s32 $0xFFFFC000  }
0x78: {  	[hbm4b:s20+s3] =	stream.linear.scatter [tilespmem:s24], [sflag:s0], $0x4000, $0x38;
	[tilespmem:$0x18100] =	vst v63  }
0x79: {  	_ =	swait.ge [sflag:s0], $0x4000  }
0x7a: {  	[sflag:s0] =	ssyncset.done $0x0  }
0x7b: {  	[sflag:s0] =	ssyncadd.s32 $0xFFFFC000  }
0x7c: {  	[tilespmem:s24], [sflag:$0x3] =	stream.linear.gather [spmem:s16], $0x4000, $0x38;
	[tilespmem:$0x18100] =	vst v63  }
0x7d: {  	_ =	swait.ge [sflag:s29], $0x4000  }
0x7e: {  	[sflag:s29] =	ssyncset.done $0x0  }
0x7f: {  	[sflag:s29] =	ssyncadd.s32 $0xFFFFC000  }
0x80: {  	[hbm4b:s21+s3] =	stream.linear.scatter [tilespmem:s24], [sflag:s0], $0x4000, $0x38;
	[tilespmem:$0x18100] =	vst v63  }
0x81: {  	_ =	swait.ge [sflag:s0], $0x4000  }
0x82: {  	[sflag:s0] =	ssyncset.done $0x0  }
0x83: {  	[sflag:s0] =	ssyncadd.s32 $0xFFFFC000  }
0x84: {  	[tilespmem:s24], [sflag:$0x3] =	stream.linear.gather [spmem:s17], $0x4000, $0x38;
	[tilespmem:$0x18100] =	vst v63  }
0x85: {  	_ =	swait.ge [sflag:s29], $0x4000  }
0x86: {  	[sflag:s29] =	ssyncset.done $0x0  }
0x87: {  	[sflag:s29] =	ssyncadd.s32 $0xFFFFC000  }
0x88: {  	[hbm4b:s22+s3] =	stream.linear.scatter [tilespmem:s24], [sflag:s0], $0x4000, $0x38;
	[tilespmem:$0x18100] =	vst v63  }
0x89: {  	_ =	swait.ge [sflag:s0], $0x4000  }
0x8a: {  	[sflag:s0] =	ssyncset.done $0x0  }
0x8b: {  	[sflag:s0] =	ssyncadd.s32 $0xFFFFC000  }
0x8c: {  	[tilespmem:s24], [sflag:$0x3] =	stream.linear.gather [spmem:s18], $0x4000, $0x38;
	[tilespmem:$0x18100] =	vst v63  }
0x8d: {  	_ =	swait.ge [sflag:s29], $0x4000  }
0x8e: {  	[sflag:s29] =	ssyncset.done $0x0  }
0x8f: {  	[sflag:s29] =	ssyncadd.s32 $0xFFFFC000  }
0x90: {  	[hbm4b:s23+s3] =	stream.linear.scatter [tilespmem:s24], [sflag:s0], $0x4000, $0x38;
	[tilespmem:$0x18100] =	vst v63  }
0x91: {  	_ =	swait.ge [sflag:s0], $0x4000  }
0x92: {  	s30 =	sadd.s32 $0x1, s30;
	s2 =	rddreg [dreg:$0x3]  }
0x93: {  	p1 =	sne.s32 s30, s2  }
.Ltmp3:
0x94: {  	_ = 	snop;
	(pc) =	sbr.rel @p1 .LBB2_1-.Ltmp3, $3  }
0x95: {  	_ =	sdelay $0x1  }
0x96: {  	[sflag:s0] =	ssyncset.done $0x0  }
0x97: {  	[sflag:s0] =	ssyncadd.s32 $0xFFFFC000  }
0x98: {  	_ =	sfence.sel $0x180000  }
0x99: {  	[bflag:$0x0] =	sbarrier.arrive $0xFFFF  }
0x9a: {  	_ =	strace $0x9000004D  }
0x9b: {  	s0 =	stileid.u32;
	[bflag:$0x2] =	sbarrier.arrive $0xFFFF  }
0x9c: {  	p0 =	sne.s32 s0, $0x0;
	s0 =	rddreg [dreg:$0x2]  }
0x9d: {  	s0 =	sadd.s32 @!p0 $0x100000, s0  }
0x9e: {  	[sflag:s0] =	ssyncadd.tile.s32 @!p0 $0x1;
	_ =	shalt  }
.Lfunc_end2:
_tile_overlayer_lowered:
.L_overlay_start_2:
0x9f: {  	(tag) =	ssettag $0x2  }
0xa0: {  	s0 =	rddreg [dreg:$0x0];
	s2 =	stileid.u32  }
0xa1: {  	s1 =	rddreg [dreg:$0x1];
	p0 =	sne.s32 s2, $0x0  }
0xa2: {  	s3 =	rddreg [dreg:$0x2];
	[bflag:$0x3] =	sbarrier.arrive $0xFFFF;
	s2 =	simm.s32 @!p0 $0x1C02  }
0xa3: {  	[timem:s3], [sflag:s2] =	dma.local @!p0 [hbm:s0], s1  }
0xa4: {  	s0 =	simm.s32 @!p0 $0x2  }
0xa5: {  	_ =	swait.ge @!p0 [sflag:s0], s1  }
0xa6: {  	s1 =	ssub.s32 @!p0 $0x0, s1;
	[sflag:s0] =	ssyncset.done @!p0 $0x0  }
0xa7: {  	[sflag:s0] =	ssyncadd.s32 @!p0 s1  }
0xa8: {  	[bflag:$0x3] =	sbarrier.arrive $0xFFFF  }
0xa9: {  	_ =	shalt  }

</sc_bundles>
